<compile_context>
chip_gen: v7x
topology: tpu7x:2x2x1
jax: 0.10.2.dev20260603
libtpu: 0.0.44.dev20260713+nightly
codegen_flags: <defaults>
</compile_context>

<pallas_src>
import jax
import jax.numpy as jnp
from jax import lax
from jax.experimental import pallas as pl
from jax.experimental.pallas import tpu as pltpu
from jax.experimental.pallas import tpu_sc as plsc

BS, NM, TS, D = 16384, 20, 8, 3
ROWS = NM * D * TS
B1 = 2048
_NC, _NS = 2, 16
_NW = _NC * _NS
_CH = 128
SC_LANES = 12288
_NCH = SC_LANES // (_NW * _CH)
TC_BLK0 = SC_LANES // B1


def _k1_body(pa_ref, tg_ref, mi_ref):
    b = pa_ref.shape[2]
    tx = tg_ref[pl.ds(0, TS), :]
    ty = tg_ref[pl.ds(TS, TS), :]
    txb = jnp.broadcast_to(tx[None], (NM, TS, b)).reshape(NM * TS, b)
    tyb = jnp.broadcast_to(ty[None], (NM, TS, b)).reshape(NM * TS, b)
    dx = pa_ref[:, 0, :] - txb
    dy = pa_ref[:, 1, :] - tyb
    h = jnp.sqrt(dx * dx + dy * dy)
    dist = jnp.sum(h.reshape(NM, TS, b), axis=1)
    mn = jnp.min(dist, axis=0, keepdims=True)
    i20 = lax.broadcasted_iota(jnp.int32, dist.shape, 0)
    cand = jnp.where(dist == mn, i20, jnp.int32(1 << 30))
    mi = jnp.min(cand, axis=0, keepdims=True)
    mi_ref[...] = jnp.broadcast_to(mi, (8, b))


def _k3a_body(cls_ref, mi_ref, accc_ref):
    @pl.when(pl.program_id(0) == 0)
    def _():
        accc_ref[...] = jnp.zeros_like(accc_ref)

    x = cls_ref[...]
    mi = mi_ref[pl.ds(0, 1), :]
    i20 = lax.broadcasted_iota(jnp.int32, x.shape, 0)
    t = (i20 == mi).astype(jnp.float32)
    p = jax.nn.sigmoid(x)
    pt = (1.0 - p) * t + p * (1.0 - t)
    w = (0.25 * t + 0.75 * (1.0 - t)) * pt * pt
    bce = jnp.maximum(x, 0.0) - x * t + jnp.log1p(jnp.exp(-jnp.abs(x)))
    accc_ref[...] += jnp.sum(bce * w).reshape(1, 1)


def _k3b_body(pr_ref, tg_ref, mi_ref, accl_ref):
    @pl.when(pl.program_id(0) == 0)
    def _():
        accl_ref[...] = jnp.zeros_like(accl_ref)

    tg = tg_ref[...]
    mi = mi_ref[pl.ds(0, 1), :]
    acc = jnp.zeros(mi.shape, jnp.float32)
    for m in range(NM):
        d = jnp.abs(pr_ref[pl.ds(m * 24, 24), :] - tg)
        s = jnp.sum(d, axis=0, keepdims=True)
        acc = acc + jnp.where(mi == m, s, 0.0)
    accl_ref[...] += jnp.sum(acc).reshape(1, 1)


def _k2_body(pr_hbm, tg_hbm, mi_hbm, out_hbm, slabs, tgv, miv, accv, sems):
    wid = lax.axis_index("s") * _NC + lax.axis_index("c")
    col16 = lax.iota(jnp.int32, 16)
    base = wid * _NCH * _CH

    def start_chunk(chunk, buf):
        c0 = base + chunk * _CH
        return (
            pltpu.async_copy(
                pr_hbm.at[:, pl.ds(c0, _CH)], slabs.at[buf], sems.at[buf]),
            pltpu.async_copy(
                tg_hbm.at[:, pl.ds(c0, _CH)], tgv.at[buf], sems.at[buf]),
            pltpu.async_copy(
                mi_hbm.at[pl.ds(0, 1), pl.ds(c0, _CH)], miv.at[buf],
                sems.at[buf]),
        )

    acc = jnp.zeros((16,), jnp.float32)
    pend = start_chunk(0, 0)
    for chunk in range(_NCH):
        buf = chunk % 2
        if chunk + 1 < _NCH:
            nxt = start_chunk(chunk + 1, 1 - buf)
        for c in pend:
            c.wait()
        if chunk + 1 < _NCH:
            pend = nxt

        def body(g, s):
            mi16 = miv[buf, 0, pl.ds(g * 16, 16)]
            rowb = mi16 * (TS * D)
            cols = col16 + g * 16
            for r in range(TS * D):
                v = plsc.load_gather(slabs.at[buf], [rowb + r, cols])
                s = s + jnp.abs(v - tgv[buf, r, pl.ds(g * 16, 16)])
            return s

        acc = lax.fori_loop(0, _CH // 16, body, acc)
    accv[...] = acc
    pltpu.sync_copy(accv, out_hbm.at[wid])


def _make_k2():
    mesh = plsc.VectorSubcoreMesh(core_axis_name="c", subcore_axis_name="s")
    return pl.kernel(
        _k2_body,
        out_type=jax.ShapeDtypeStruct((_NW, 16), jnp.float32),
        mesh=mesh,
        scratch_types=[
            pltpu.VMEM((2, ROWS, _CH), jnp.float32),
            pltpu.VMEM((2, D * TS, _CH), jnp.float32),
            pltpu.VMEM((2, 1, _CH), jnp.int32),
            pltpu.VMEM((16,), jnp.float32),
            pltpu.SemaphoreType.DMA((2,)),
        ],
        compiler_params=pltpu.CompilerParams(needs_layout_passes=False),
    )


def kernel(poses_reg, poses_cls, targets, plan_anchor):
    pa_t = jnp.transpose(plan_anchor, (1, 2, 3, 0)).reshape(NM * TS, 2, BS)
    pr_t = jnp.transpose(poses_reg, (1, 3, 2, 0)).reshape(ROWS, BS)
    tg_t = jnp.transpose(targets, (2, 1, 0)).reshape(D * TS, BS)
    cls_t = jnp.transpose(poses_cls, (1, 0))

    mi8 = pl.pallas_call(
        _k1_body,
        grid=(BS // B1,),
        in_specs=[
            pl.BlockSpec((NM * TS, 2, B1), lambda i: (0, 0, i)),
            pl.BlockSpec((D * TS, B1), lambda i: (0, i)),
        ],
        out_specs=pl.BlockSpec((8, B1), lambda i: (0, i)),
        out_shape=jax.ShapeDtypeStruct((8, BS), jnp.int32),
    )(pa_t, tg_t)

    l1p = _make_k2()(pr_t, tg_t, mi8)

    accc = pl.pallas_call(
        _k3a_body,
        grid=(BS // B1,),
        in_specs=[
            pl.BlockSpec((NM, B1), lambda i: (0, i)),
            pl.BlockSpec((8, B1), lambda i: (0, i)),
        ],
        out_specs=pl.BlockSpec((1, 1), lambda i: (0, 0)),
        out_shape=jax.ShapeDtypeStruct((1, 1), jnp.float32),
    )(cls_t, mi8)

    if SC_LANES < BS:
        accl = pl.pallas_call(
            _k3b_body,
            grid=((BS - SC_LANES) // B1,),
            in_specs=[
                pl.BlockSpec((ROWS, B1), lambda i: (0, i + TC_BLK0)),
                pl.BlockSpec((D * TS, B1), lambda i: (0, i + TC_BLK0)),
                pl.BlockSpec((8, B1), lambda i: (0, i + TC_BLK0)),
            ],
            out_specs=pl.BlockSpec((1, 1), lambda i: (0, 0)),
            out_shape=jax.ShapeDtypeStruct((1, 1), jnp.float32),
        )(pr_t, tg_t, mi8)
        l1_tc = accl[0, 0]
    else:
        l1_tc = jnp.float32(0.0)

    return (accc[0, 0] * (10.0 / (BS * NM))
            + (l1_tc + jnp.sum(l1p)) * (1.0 / (BS * TS * D)))

# --- scband reference (transcript-rebuilt; emitter-appended) ---
"""Pipeline reference for scband-loss-computer-36919538876456 (READ-ONLY COPY).

The authoritative reference and input builder live on the scoring server;
editing this copy changes nothing except your own understanding.
"""

import jax, jax.numpy as jnp
import numpy as np

CLS_W = 10.0
REG_W = 1.0
GAMMA = 2.0
ALPHA = 0.25


def setup_inputs(seed: int = 0) -> dict:
    key = jax.random.key(seed)
    k1, k2, k3, k4 = jax.random.split(key, 4)
    bs, nm, ts, d = 16384, 20, 8, 3
    return {
        "poses_reg": jax.random.normal(k1, (bs, nm, ts, d), dtype=jnp.float32),
        "poses_cls": jax.random.normal(k2, (bs, nm), dtype=jnp.float32),
        "targets": jax.random.normal(k3, (bs, ts, d), dtype=jnp.float32),
        "plan_anchor": jax.random.normal(k4, (bs, nm, ts, 2), dtype=jnp.float32),
    }


def _py_sigmoid_focal_loss(pred, target, gamma=GAMMA, alpha=ALPHA):
    # faithful translation of py_sigmoid_focal_loss with reduction='mean', no weight
    pred_sigmoid = jax.nn.sigmoid(pred)
    pt = (1.0 - pred_sigmoid) * target + pred_sigmoid * (1.0 - target)
    focal_weight = (alpha * target + (1.0 - alpha) * (1.0 - target)) * jnp.power(pt, gamma)
    # numerically-stable BCE-with-logits (elementwise, reduction='none')
    bce = jnp.maximum(pred, 0.0) - pred * target + jnp.log1p(jnp.exp(-jnp.abs(pred)))
    loss = bce * focal_weight
    return jnp.mean(loss)


def reference(poses_reg, poses_cls, targets, plan_anchor):
    bs, num_mode, ts, d = poses_reg.shape
    target_traj = targets
    # dist: (bs, num_mode, ts) -> mean over ts -> (bs, num_mode)
    dist = jnp.linalg.norm(target_traj[:, None, :, :2] - plan_anchor, axis=-1)
    dist = dist.mean(axis=-1)
    mode_idx = jnp.argmin(dist, axis=-1)  # (bs,)
    cls_target = mode_idx
    # gather best mode: (bs, ts, d)
    idx = mode_idx[:, None, None, None]
    best_reg = jnp.take_along_axis(poses_reg, jnp.broadcast_to(idx, (bs, 1, ts, d)), axis=1)[:, 0]
    # scatter one-hot class target
    target_classes_onehot = jnp.zeros((bs, num_mode), dtype=poses_cls.dtype)
    target_classes_onehot = target_classes_onehot.at[jnp.arange(bs), cls_target].set(1.0)
    loss_cls = CLS_W * _py_sigmoid_focal_loss(poses_cls, target_classes_onehot)
    reg_loss = REG_W * jnp.mean(jnp.abs(best_reg - target_traj))
    return loss_cls + reg_loss

if __name__ == "__main__":
    import jax
    _d = setup_inputs()
    print(jax.jit(kernel)(*tuple(_d.values())))

</pallas_src>

<mosaic_0001>
#map = affine_map<(d0, d1) -> (0, 0)>
module attributes {stable_mosaic.version = 14 : i64} {
  func.func @_k2_body(%arg0: i32, %arg1: i32, %arg2: memref<480x16384xf32, #tpu.memory_space<hbm>>, %arg3: memref<24x16384xf32, #tpu.memory_space<hbm>>, %arg4: memref<8x16384xi32, #tpu.memory_space<hbm>>, %arg5: memref<32x16xf32, #tpu.memory_space<hbm>>, %arg6: memref<2x480x128xf32, #tpu.memory_space<vmem>>, %arg7: memref<2x24x128xf32, #tpu.memory_space<vmem>>, %arg8: memref<2x1x128xi32, #tpu.memory_space<vmem>>, %arg9: memref<16xf32, #tpu.memory_space<vmem>>, %arg10: memref<2x!tpu.dma_semaphore, #tpu.memory_space<semaphore_mem>>) attributes {dimension_semantics = [#tpu.dimension_semantics<core_parallel>, #tpu.dimension_semantics<subcore_parallel>], iteration_bounds = array<i64: 2, 16>, scalar_prefetch = 0 : i64, scratch_operands = 5 : i64, tpu.core_type = #tpu.core_type<sc_vector_subcore>, window_params = [{transform_indices = #map}, {transform_indices = #map}, {transform_indices = #map}, {transform_indices = #map}]} {
    %mul3A = arith.constant 2 : i32
    %mul3A_0 = arith.muli %arg1, %mul3A : i32
    %add3A = arith.addi %mul3A_0, %arg0 : i32
    %iota3A = tpu.iota {dimensions = array<i32: 0>} : vector<16xi32>
    %mul3A_1 = arith.constant 3 : i32
    %mul3A_2 = arith.muli %add3A, %mul3A_1 : i32
    %mul3A_3 = arith.constant 128 : i32
    %mul3A_4 = arith.muli %mul3A_2, %mul3A_3 : i32
    %broadcast_in_dim3A = arith.constant 0.000000e+00 : f32
    %broadcast_in_dim3A_5 = vector.broadcast %broadcast_in_dim3A : f32 to vector<16xf32>
    %add3A_6 = arith.constant 0 : i32
    %add3A_7 = arith.addi %mul3A_4, %add3A_6 : i32
    %dma_start3A = arith.constant 0 : i32
    %dma_start3A_8 = arith.constant 0 : i32
    %dma_start3A_9 = arith.constant 0 : i32
    %dma_start3A_10 = arith.constant 0 : i32
    %dma_start3A_11 = tpu.memref_slice %arg6[%dma_start3A, %dma_start3A_9, %dma_start3A_10] : memref<2x480x128xf32, #tpu.memory_space<vmem>> -> memref<1x480x128xf32, #tpu.memory_space<vmem>>
    %dma_start3A_12 = tpu.memref_squeeze %dma_start3A_11 : memref<1x480x128xf32, #tpu.memory_space<vmem>> -> memref<480x128xf32, #tpu.memory_space<vmem>>
    %dma_start3A_13 = arith.constant 0 : i32
    %dma_start3A_14 = tpu.memref_slice %arg2[%dma_start3A_13, %add3A_7] : memref<480x16384xf32, #tpu.memory_space<hbm>> -> memref<480x128xf32, #tpu.memory_space<hbm>>
    %dma_start3A_15 = tpu.memref_slice %arg10[%dma_start3A_8] : memref<2x!tpu.dma_semaphore, #tpu.memory_space<semaphore_mem>> -> memref<1x!tpu.dma_semaphore, #tpu.memory_space<semaphore_mem>>
    %dma_start3A_16 = tpu.memref_squeeze %dma_start3A_15 : memref<1x!tpu.dma_semaphore, #tpu.memory_space<semaphore_mem>> -> memref<!tpu.dma_semaphore, #tpu.memory_space<semaphore_mem>>
    %dma_start3A_17 = arith.constant 0 : i32
    %dma_start3A_18 = arith.constant 0 : i32
    %dma_start3A_19 = tpu.memref_slice %arg6[%dma_start3A, %dma_start3A_17, %dma_start3A_18] : memref<2x480x128xf32, #tpu.memory_space<vmem>> -> memref<1x480x128xf32, #tpu.memory_space<vmem>>
    %dma_start3A_20 = tpu.memref_squeeze %dma_start3A_19 : memref<1x480x128xf32, #tpu.memory_space<vmem>> -> memref<480x128xf32, #tpu.memory_space<vmem>>
    %dma_start3A_21 = arith.constant 0 : i32
    %dma_start3A_22 = tpu.memref_slice %arg2[%dma_start3A_21, %add3A_7] : memref<480x16384xf32, #tpu.memory_space<hbm>> -> memref<480x128xf32, #tpu.memory_space<hbm>>
    tpu.enqueue_dma source(%dma_start3A_22 : memref<480x128xf32, #tpu.memory_space<hbm>>) target(%dma_start3A_20 : memref<480x128xf32, #tpu.memory_space<vmem>>) target_semaphore(%dma_start3A_16 : memref<!tpu.dma_semaphore, #tpu.memory_space<semaphore_mem>>)
    %dma_start3A_23 = arith.constant 0 : i32
    %dma_start3A_24 = arith.constant 0 : i32
    %dma_start3A_25 = arith.constant 0 : i32
    %dma_start3A_26 = arith.constant 0 : i32
    %dma_start3A_27 = tpu.memref_slice %arg7[%dma_start3A_23, %dma_start3A_25, %dma_start3A_26] : memref<2x24x128xf32, #tpu.memory_space<vmem>> -> memref<1x24x128xf32, #tpu.memory_space<vmem>>
    %dma_start3A_28 = tpu.memref_squeeze %dma_start3A_27 : memref<1x24x128xf32, #tpu.memory_space<vmem>> -> memref<24x128xf32, #tpu.memory_space<vmem>>
    %dma_start3A_29 = arith.constant 0 : i32
    %dma_start3A_30 = tpu.memref_slice %arg3[%dma_start3A_29, %add3A_7] : memref<24x16384xf32, #tpu.memory_space<hbm>> -> memref<24x128xf32, #tpu.memory_space<hbm>>
    %dma_start3A_31 = tpu.memref_slice %arg10[%dma_start3A_24] : memref<2x!tpu.dma_semaphore, #tpu.memory_space<semaphore_mem>> -> memref<1x!tpu.dma_semaphore, #tpu.memory_space<semaphore_mem>>
    %dma_start3A_32 = tpu.memref_squeeze %dma_start3A_31 : memref<1x!tpu.dma_semaphore, #tpu.memory_space<semaphore_mem>> -> memref<!tpu.dma_semaphore, #tpu.memory_space<semaphore_mem>>
    %dma_start3A_33 = arith.constant 0 : i32
    %dma_start3A_34 = arith.constant 0 : i32
    %dma_start3A_35 = tpu.memref_slice %arg7[%dma_start3A_23, %dma_start3A_33, %dma_start3A_34] : memref<2x24x128xf32, #tpu.memory_space<vmem>> -> memref<1x24x128xf32, #tpu.memory_space<vmem>>
    %dma_start3A_36 = tpu.memref_squeeze %dma_start3A_35 : memref<1x24x128xf32, #tpu.memory_space<vmem>> -> memref<24x128xf32, #tpu.memory_space<vmem>>
    %dma_start3A_37 = arith.constant 0 : i32
    %dma_start3A_38 = tpu.memref_slice %arg3[%dma_start3A_37, %add3A_7] : memref<24x16384xf32, #tpu.memory_space<hbm>> -> memref<24x128xf32, #tpu.memory_space<hbm>>
    tpu.enqueue_dma source(%dma_start3A_38 : memref<24x128xf32, #tpu.memory_space<hbm>>) target(%dma_start3A_36 : memref<24x128xf32, #tpu.memory_space<vmem>>) target_semaphore(%dma_start3A_32 : memref<!tpu.dma_semaphore, #tpu.memory_space<semaphore_mem>>)
    %dma_start3A_39 = arith.constant 0 : i32
    %dma_start3A_40 = arith.constant 0 : i32
    %dma_start3A_41 = arith.constant 0 : i32
    %dma_start3A_42 = arith.constant 0 : i32
    %dma_start3A_43 = tpu.memref_slice %arg8[%dma_start3A_39, %dma_start3A_41, %dma_start3A_42] : memref<2x1x128xi32, #tpu.memory_space<vmem>> -> memref<1x1x128xi32, #tpu.memory_space<vmem>>
    %dma_start3A_44 = tpu.memref_squeeze %dma_start3A_43 : memref<1x1x128xi32, #tpu.memory_space<vmem>> -> memref<1x128xi32, #tpu.memory_space<vmem>>
    %dma_start3A_45 = arith.constant 0 : i32
    %dma_start3A_46 = tpu.memref_slice %arg4[%dma_start3A_45, %add3A_7] : memref<8x16384xi32, #tpu.memory_space<hbm>> -> memref<1x128xi32, #tpu.memory_space<hbm>>
    %dma_start3A_47 = tpu.memref_slice %arg10[%dma_start3A_40] : memref<2x!tpu.dma_semaphore, #tpu.memory_space<semaphore_mem>> -> memref<1x!tpu.dma_semaphore, #tpu.memory_space<semaphore_mem>>
    %dma_start3A_48 = tpu.memref_squeeze %dma_start3A_47 : memref<1x!tpu.dma_semaphore, #tpu.memory_space<semaphore_mem>> -> memref<!tpu.dma_semaphore, #tpu.memory_space<semaphore_mem>>
    %dma_start3A_49 = arith.constant 0 : i32
    %dma_start3A_50 = arith.constant 0 : i32
    %dma_start3A_51 = tpu.memref_slice %arg8[%dma_start3A_39, %dma_start3A_49, %dma_start3A_50] : memref<2x1x128xi32, #tpu.memory_space<vmem>> -> memref<1x1x128xi32, #tpu.memory_space<vmem>>
    %dma_start3A_52 = tpu.memref_squeeze %dma_start3A_51 : memref<1x1x128xi32, #tpu.memory_space<vmem>> -> memref<1x128xi32, #tpu.memory_space<vmem>>
    %dma_start3A_53 = arith.constant 0 : i32
    %dma_start3A_54 = tpu.memref_slice %arg4[%dma_start3A_53, %add3A_7] : memref<8x16384xi32, #tpu.memory_space<hbm>> -> memref<1x128xi32, #tpu.memory_space<hbm>>
    tpu.enqueue_dma source(%dma_start3A_54 : memref<1x128xi32, #tpu.memory_space<hbm>>) target(%dma_start3A_52 : memref<1x128xi32, #tpu.memory_space<vmem>>) target_semaphore(%dma_start3A_48 : memref<!tpu.dma_semaphore, #tpu.memory_space<semaphore_mem>>)
    %add3A_55 = arith.constant 128 : i32
    %add3A_56 = arith.addi %mul3A_4, %add3A_55 : i32
    %dma_start3A_57 = arith.constant 1 : i32
    %dma_start3A_58 = arith.constant 1 : i32
    %dma_start3A_59 = arith.constant 0 : i32
    %dma_start3A_60 = arith.constant 0 : i32
    %dma_start3A_61 = tpu.memref_slice %arg6[%dma_start3A_57, %dma_start3A_59, %dma_start3A_60] : memref<2x480x128xf32, #tpu.memory_space<vmem>> -> memref<1x480x128xf32, #tpu.memory_space<vmem>>
    %dma_start3A_62 = tpu.memref_squeeze %dma_start3A_61 : memref<1x480x128xf32, #tpu.memory_space<vmem>> -> memref<480x128xf32, #tpu.memory_space<vmem>>
    %dma_start3A_63 = arith.constant 0 : i32
    %dma_start3A_64 = tpu.memref_slice %arg2[%dma_start3A_63, %add3A_56] : memref<480x16384xf32, #tpu.memory_space<hbm>> -> memref<480x128xf32, #tpu.memory_space<hbm>>
    %dma_start3A_65 = tpu.memref_slice %arg10[%dma_start3A_58] : memref<2x!tpu.dma_semaphore, #tpu.memory_space<semaphore_mem>> -> memref<1x!tpu.dma_semaphore, #tpu.memory_space<semaphore_mem>>
    %dma_start3A_66 = tpu.memref_squeeze %dma_start3A_65 : memref<1x!tpu.dma_semaphore, #tpu.memory_space<semaphore_mem>> -> memref<!tpu.dma_semaphore, #tpu.memory_space<semaphore_mem>>
    %dma_start3A_67 = arith.constant 0 : i32
    %dma_start3A_68 = arith.constant 0 : i32
    %dma_start3A_69 = tpu.memref_slice %arg6[%dma_start3A_57, %dma_start3A_67, %dma_start3A_68] : memref<2x480x128xf32, #tpu.memory_space<vmem>> -> memref<1x480x128xf32, #tpu.memory_space<vmem>>
    %dma_start3A_70 = tpu.memref_squeeze %dma_start3A_69 : memref<1x480x128xf32, #tpu.memory_space<vmem>> -> memref<480x128xf32, #tpu.memory_space<vmem>>
    %dma_start3A_71 = arith.constant 0 : i32
    %dma_start3A_72 = tpu.memref_slice %arg2[%dma_start3A_71, %add3A_56] : memref<480x16384xf32, #tpu.memory_space<hbm>> -> memref<480x128xf32, #tpu.memory_space<hbm>>
    tpu.enqueue_dma source(%dma_start3A_72 : memref<480x128xf32, #tpu.memory_space<hbm>>) target(%dma_start3A_70 : memref<480x128xf32, #tpu.memory_space<vmem>>) target_semaphore(%dma_start3A_66 : memref<!tpu.dma_semaphore, #tpu.memory_space<semaphore_mem>>)
    %dma_start3A_73 = arith.constant 1 : i32
    %dma_start3A_74 = arith.constant 1 : i32
    %dma_start3A_75 = arith.constant 0 : i32
    %dma_start3A_76 = arith.constant 0 : i32
    %dma_start3A_77 = tpu.memref_slice %arg7[%dma_start3A_73, %dma_start3A_75, %dma_start3A_76] : memref<2x24x128xf32, #tpu.memory_space<vmem>> -> memref<1x24x128xf32, #tpu.memory_space<vmem>>
    %dma_start3A_78 = tpu.memref_squeeze %dma_start3A_77 : memref<1x24x128xf32, #tpu.memory_space<vmem>> -> memref<24x128xf32, #tpu.memory_space<vmem>>
    %dma_start3A_79 = arith.constant 0 : i32
    %dma_start3A_80 = tpu.memref_slice %arg3[%dma_start3A_79, %add3A_56] : memref<24x16384xf32, #tpu.memory_space<hbm>> -> memref<24x128xf32, #tpu.memory_space<hbm>>
    %dma_start3A_81 = tpu.memref_slice %arg10[%dma_start3A_74] : memref<2x!tpu.dma_semaphore, #tpu.memory_space<semaphore_mem>> -> memref<1x!tpu.dma_semaphore, #tpu.memory_space<semaphore_mem>>
    %dma_start3A_82 = tpu.memref_squeeze %dma_start3A_81 : memref<1x!tpu.dma_semaphore, #tpu.memory_space<semaphore_mem>> -> memref<!tpu.dma_semaphore, #tpu.memory_space<semaphore_mem>>
    %dma_start3A_83 = arith.constant 0 : i32
    %dma_start3A_84 = arith.constant 0 : i32
    %dma_start3A_85 = tpu.memref_slice %arg7[%dma_start3A_73, %dma_start3A_83, %dma_start3A_84] : memref<2x24x128xf32, #tpu.memory_space<vmem>> -> memref<1x24x128xf32, #tpu.memory_space<vmem>>
    %dma_start3A_86 = tpu.memref_squeeze %dma_start3A_85 : memref<1x24x128xf32, #tpu.memory_space<vmem>> -> memref<24x128xf32, #tpu.memory_space<vmem>>
    %dma_start3A_87 = arith.constant 0 : i32
    %dma_start3A_88 = tpu.memref_slice %arg3[%dma_start3A_87, %add3A_56] : memref<24x16384xf32, #tpu.memory_space<hbm>> -> memref<24x128xf32, #tpu.memory_space<hbm>>
    tpu.enqueue_dma source(%dma_start3A_88 : memref<24x128xf32, #tpu.memory_space<hbm>>) target(%dma_start3A_86 : memref<24x128xf32, #tpu.memory_space<vmem>>) target_semaphore(%dma_start3A_82 : memref<!tpu.dma_semaphore, #tpu.memory_space<semaphore_mem>>)
    %dma_start3A_89 = arith.constant 1 : i32
    %dma_start3A_90 = arith.constant 1 : i32
    %dma_start3A_91 = arith.constant 0 : i32
    %dma_start3A_92 = arith.constant 0 : i32
    %dma_start3A_93 = tpu.memref_slice %arg8[%dma_start3A_89, %dma_start3A_91, %dma_start3A_92] : memref<2x1x128xi32, #tpu.memory_space<vmem>> -> memref<1x1x128xi32, #tpu.memory_space<vmem>>
    %dma_start3A_94 = tpu.memref_squeeze %dma_start3A_93 : memref<1x1x128xi32, #tpu.memory_space<vmem>> -> memref<1x128xi32, #tpu.memory_space<vmem>>
    %dma_start3A_95 = arith.constant 0 : i32
    %dma_start3A_96 = tpu.memref_slice %arg4[%dma_start3A_95, %add3A_56] : memref<8x16384xi32, #tpu.memory_space<hbm>> -> memref<1x128xi32, #tpu.memory_space<hbm>>
    %dma_start3A_97 = tpu.memref_slice %arg10[%dma_start3A_90] : memref<2x!tpu.dma_semaphore, #tpu.memory_space<semaphore_mem>> -> memref<1x!tpu.dma_semaphore, #tpu.memory_space<semaphore_mem>>
    %dma_start3A_98 = tpu.memref_squeeze %dma_start3A_97 : memref<1x!tpu.dma_semaphore, #tpu.memory_space<semaphore_mem>> -> memref<!tpu.dma_semaphore, #tpu.memory_space<semaphore_mem>>
    %dma_start3A_99 = arith.constant 0 : i32
    %dma_start3A_100 = arith.constant 0 : i32
    %dma_start3A_101 = tpu.memref_slice %arg8[%dma_start3A_89, %dma_start3A_99, %dma_start3A_100] : memref<2x1x128xi32, #tpu.memory_space<vmem>> -> memref<1x1x128xi32, #tpu.memory_space<vmem>>
    %dma_start3A_102 = tpu.memref_squeeze %dma_start3A_101 : memref<1x1x128xi32, #tpu.memory_space<vmem>> -> memref<1x128xi32, #tpu.memory_space<vmem>>
    %dma_start3A_103 = arith.constant 0 : i32
    %dma_start3A_104 = tpu.memref_slice %arg4[%dma_start3A_103, %add3A_56] : memref<8x16384xi32, #tpu.memory_space<hbm>> -> memref<1x128xi32, #tpu.memory_space<hbm>>
    tpu.enqueue_dma source(%dma_start3A_104 : memref<1x128xi32, #tpu.memory_space<hbm>>) target(%dma_start3A_102 : memref<1x128xi32, #tpu.memory_space<vmem>>) target_semaphore(%dma_start3A_98 : memref<!tpu.dma_semaphore, #tpu.memory_space<semaphore_mem>>)
    %dma_wait3A = arith.constant 0 : i32
    %dma_wait3A_105 = arith.constant 0 : i32
    %dma_wait3A_106 = arith.constant 0 : i32
    %dma_wait3A_107 = arith.constant 0 : i32
    %dma_wait3A_108 = tpu.memref_slice %arg6[%dma_wait3A, %dma_wait3A_106, %dma_wait3A_107] : memref<2x480x128xf32, #tpu.memory_space<vmem>> -> memref<1x480x128xf32, #tpu.memory_space<vmem>>
    %dma_wait3A_109 = tpu.memref_squeeze %dma_wait3A_108 : memref<1x480x128xf32, #tpu.memory_space<vmem>> -> memref<480x128xf32, #tpu.memory_space<vmem>>
    %dma_wait3A_110 = arith.constant 0 : i32
    %dma_wait3A_111 = tpu.memref_slice %arg2[%dma_wait3A_110, %add3A_7] : memref<480x16384xf32, #tpu.memory_space<hbm>> -> memref<480x128xf32, #tpu.memory_space<hbm>>
    %dma_wait3A_112 = tpu.memref_slice %arg10[%dma_wait3A_105] : memref<2x!tpu.dma_semaphore, #tpu.memory_space<semaphore_mem>> -> memref<1x!tpu.dma_semaphore, #tpu.memory_space<semaphore_mem>>
    %dma_wait3A_113 = tpu.memref_squeeze %dma_wait3A_112 : memref<1x!tpu.dma_semaphore, #tpu.memory_space<semaphore_mem>> -> memref<!tpu.dma_semaphore, #tpu.memory_space<semaphore_mem>>
    %dma_wait3A_114 = arith.constant 0 : i32
    %dma_wait3A_115 = arith.constant 0 : i32
    %dma_wait3A_116 = tpu.memref_slice %arg6[%dma_wait3A, %dma_wait3A_114, %dma_wait3A_115] : memref<2x480x128xf32, #tpu.memory_space<vmem>> -> memref<1x480x128xf32, #tpu.memory_space<vmem>>
    %dma_wait3A_117 = tpu.memref_squeeze %dma_wait3A_116 : memref<1x480x128xf32, #tpu.memory_space<vmem>> -> memref<480x128xf32, #tpu.memory_space<vmem>>
    %dma_wait3A_118 = arith.constant 0 : i32
    %dma_wait3A_119 = tpu.memref_slice %arg2[%dma_wait3A_118, %add3A_7] : memref<480x16384xf32, #tpu.memory_space<hbm>> -> memref<480x128xf32, #tpu.memory_space<hbm>>
    tpu.wait_dma2 semaphore(%dma_wait3A_113 : memref<!tpu.dma_semaphore, #tpu.memory_space<semaphore_mem>>) src(%dma_wait3A_119 : memref<480x128xf32, #tpu.memory_space<hbm>>) dst(%dma_wait3A_117 : memref<480x128xf32, #tpu.memory_space<vmem>>)
    %dma_wait3A_120 = arith.constant 0 : i32
    %dma_wait3A_121 = arith.constant 0 : i32
    %dma_wait3A_122 = arith.constant 0 : i32
    %dma_wait3A_123 = arith.constant 0 : i32
    %dma_wait3A_124 = tpu.memref_slice %arg7[%dma_wait3A_120, %dma_wait3A_122, %dma_wait3A_123] : memref<2x24x128xf32, #tpu.memory_space<vmem>> -> memref<1x24x128xf32, #tpu.memory_space<vmem>>
    %dma_wait3A_125 = tpu.memref_squeeze %dma_wait3A_124 : memref<1x24x128xf32, #tpu.memory_space<vmem>> -> memref<24x128xf32, #tpu.memory_space<vmem>>
    %dma_wait3A_126 = arith.constant 0 : i32
    %dma_wait3A_127 = tpu.memref_slice %arg3[%dma_wait3A_126, %add3A_7] : memref<24x16384xf32, #tpu.memory_space<hbm>> -> memref<24x128xf32, #tpu.memory_space<hbm>>
    %dma_wait3A_128 = tpu.memref_slice %arg10[%dma_wait3A_121] : memref<2x!tpu.dma_semaphore, #tpu.memory_space<semaphore_mem>> -> memref<1x!tpu.dma_semaphore, #tpu.memory_space<semaphore_mem>>
    %dma_wait3A_129 = tpu.memref_squeeze %dma_wait3A_128 : memref<1x!tpu.dma_semaphore, #tpu.memory_space<semaphore_mem>> -> memref<!tpu.dma_semaphore, #tpu.memory_space<semaphore_mem>>
    %dma_wait3A_130 = arith.constant 0 : i32
    %dma_wait3A_131 = arith.constant 0 : i32
    %dma_wait3A_132 = tpu.memref_slice %arg7[%dma_wait3A_120, %dma_wait3A_130, %dma_wait3A_131] : memref<2x24x128xf32, #tpu.memory_space<vmem>> -> memref<1x24x128xf32, #tpu.memory_space<vmem>>
    %dma_wait3A_133 = tpu.memref_squeeze %dma_wait3A_132 : memref<1x24x128xf32, #tpu.memory_space<vmem>> -> memref<24x128xf32, #tpu.memory_space<vmem>>
    %dma_wait3A_134 = arith.constant 0 : i32
    %dma_wait3A_135 = tpu.memref_slice %arg3[%dma_wait3A_134, %add3A_7] : memref<24x16384xf32, #tpu.memory_space<hbm>> -> memref<24x128xf32, #tpu.memory_space<hbm>>
    tpu.wait_dma2 semaphore(%dma_wait3A_129 : memref<!tpu.dma_semaphore, #tpu.memory_space<semaphore_mem>>) src(%dma_wait3A_135 : memref<24x128xf32, #tpu.memory_space<hbm>>) dst(%dma_wait3A_133 : memref<24x128xf32, #tpu.memory_space<vmem>>)
    %dma_wait3A_136 = arith.constant 0 : i32
    %dma_wait3A_137 = arith.constant 0 : i32
    %dma_wait3A_138 = arith.constant 0 : i32
    %dma_wait3A_139 = arith.constant 0 : i32
    %dma_wait3A_140 = tpu.memref_slice %arg8[%dma_wait3A_136, %dma_wait3A_138, %dma_wait3A_139] : memref<2x1x128xi32, #tpu.memory_space<vmem>> -> memref<1x1x128xi32, #tpu.memory_space<vmem>>
    %dma_wait3A_141 = tpu.memref_squeeze %dma_wait3A_140 : memref<1x1x128xi32, #tpu.memory_space<vmem>> -> memref<1x128xi32, #tpu.memory_space<vmem>>
    %dma_wait3A_142 = arith.constant 0 : i32
    %dma_wait3A_143 = tpu.memref_slice %arg4[%dma_wait3A_142, %add3A_7] : memref<8x16384xi32, #tpu.memory_space<hbm>> -> memref<1x128xi32, #tpu.memory_space<hbm>>
    %dma_wait3A_144 = tpu.memref_slice %arg10[%dma_wait3A_137] : memref<2x!tpu.dma_semaphore, #tpu.memory_space<semaphore_mem>> -> memref<1x!tpu.dma_semaphore, #tpu.memory_space<semaphore_mem>>
    %dma_wait3A_145 = tpu.memref_squeeze %dma_wait3A_144 : memref<1x!tpu.dma_semaphore, #tpu.memory_space<semaphore_mem>> -> memref<!tpu.dma_semaphore, #tpu.memory_space<semaphore_mem>>
    %dma_wait3A_146 = arith.constant 0 : i32
    %dma_wait3A_147 = arith.constant 0 : i32
    %dma_wait3A_148 = tpu.memref_slice %arg8[%dma_wait3A_136, %dma_wait3A_146, %dma_wait3A_147] : memref<2x1x128xi32, #tpu.memory_space<vmem>> -> memref<1x1x128xi32, #tpu.memory_space<vmem>>
    %dma_wait3A_149 = tpu.memref_squeeze %dma_wait3A_148 : memref<1x1x128xi32, #tpu.memory_space<vmem>> -> memref<1x128xi32, #tpu.memory_space<vmem>>
    %dma_wait3A_150 = arith.constant 0 : i32
    %dma_wait3A_151 = tpu.memref_slice %arg4[%dma_wait3A_150, %add3A_7] : memref<8x16384xi32, #tpu.memory_space<hbm>> -> memref<1x128xi32, #tpu.memory_space<hbm>>
    tpu.wait_dma2 semaphore(%dma_wait3A_145 : memref<!tpu.dma_semaphore, #tpu.memory_space<semaphore_mem>>) src(%dma_wait3A_151 : memref<1x128xi32, #tpu.memory_space<hbm>>) dst(%dma_wait3A_149 : memref<1x128xi32, #tpu.memory_space<vmem>>)
    %scan3A = arith.constant 0 : i32
    %scan3A_152 = arith.constant 8 : i32
    %scan3A_153 = arith.addi %scan3A, %scan3A_152 : i32
    %scan3A_154 = arith.constant 1 : i32
    %scan3A_155 = scf.for %scan3A_316 = %scan3A to %scan3A_153 step %scan3A_154 iter_args(%scan3A_317 = %broadcast_in_dim3A_5) -> (vector<16xf32>)  : i32 {
      %mul3A_318 = arith.constant 16 : i32
      %mul3A_319 = arith.muli %scan3A_316, %mul3A_318 : i32
      %get3A = arith.constant 0 : i32
      %get3A_320 = arith.constant 0 : i32
      %get3A_321 = arith.index_cast %get3A : i32 to index
      %get3A_322 = arith.index_cast %get3A_320 : i32 to index
      %get3A_323 = arith.index_cast %mul3A_319 : i32 to index
      %get3A_324 = tpu.vector_load %arg8[%get3A_321, %get3A_322, %get3A_323] {strides = array<i32>} : memref<2x1x128xi32, #tpu.memory_space<vmem>>, vector<16xi32>,
      %mul3A_325 = arith.constant 24 : i32
      %mul3A_326 = vector.broadcast %mul3A_325 : i32 to vector<16xi32>
      %mul3A_327 = arith.muli %get3A_324, %mul3A_326 : vector<16xi32>
      %mul3A_328 = arith.constant 16 : i32
      %mul3A_329 = arith.muli %scan3A_316, %mul3A_328 : i32
      %add3A_330 = vector.broadcast %mul3A_329 : i32 to vector<16xi32>
      %add3A_331 = arith.addi %iota3A, %add3A_330 : vector<16xi32>
      %add3A_332 = arith.constant 0 : i32
      %add3A_333 = vector.broadcast %add3A_332 : i32 to vector<16xi32>
      %add3A_334 = arith.addi %mul3A_327, %add3A_333 : vector<16xi32>
      %gather3A = arith.constant 0 : i32
      %gather3A_335 = arith.constant 0 : i32
      %gather3A_336 = arith.constant 0 : i32
      %gather3A_337 = tpu.memref_slice %arg6[%gather3A, %gather3A_335, %gather3A_336] : memref<2x480x128xf32, #tpu.memory_space<vmem>> -> memref<1x480x128xf32, #tpu.memory_space<vmem>>
      %gather3A_338 = tpu.memref_squeeze %gather3A_337 : memref<1x480x128xf32, #tpu.memory_space<vmem>> -> memref<480x128xf32, #tpu.memory_space<vmem>>
      %gather3A_339 = tpu.vector_load_idx %gather3A_338[%add3A_334, %add3A_331] : memref<480x128xf32, #tpu.memory_space<vmem>>[vector<16xi32>, vector<16xi32>], vector<16xf32>,
      %mul3A_340 = arith.constant 16 : i32
      %mul3A_341 = arith.muli %scan3A_316, %mul3A_340 : i32
      %get3A_342 = arith.constant 0 : i32
      %get3A_343 = arith.constant 0 : i32
      %get3A_344 = arith.index_cast %get3A_342 : i32 to index
      %get3A_345 = arith.index_cast %get3A_343 : i32 to index
      %get3A_346 = arith.index_cast %mul3A_341 : i32 to index
      %get3A_347 = tpu.vector_load %arg7[%get3A_344, %get3A_345, %get3A_346] {strides = array<i32>} : memref<2x24x128xf32, #tpu.memory_space<vmem>>, vector<16xf32>,
      %sub3A = arith.subf %gather3A_339, %get3A_347 : vector<16xf32>
      %abs3A = math.absf %sub3A : vector<16xf32>
      %add3A_348 = arith.addf %scan3A_317, %abs3A : vector<16xf32>
      %add3A_349 = arith.constant 1 : i32
      %add3A_350 = vector.broadcast %add3A_349 : i32 to vector<16xi32>
      %add3A_351 = arith.addi %mul3A_327, %add3A_350 : vector<16xi32>
      %gather3A_352 = arith.constant 0 : i32
      %gather3A_353 = arith.constant 0 : i32
      %gather3A_354 = arith.constant 0 : i32
      %gather3A_355 = tpu.memref_slice %arg6[%gather3A_352, %gather3A_353, %gather3A_354] : memref<2x480x128xf32, #tpu.memory_space<vmem>> -> memref<1x480x128xf32, #tpu.memory_space<vmem>>
      %gather3A_356 = tpu.memref_squeeze %gather3A_355 : memref<1x480x128xf32, #tpu.memory_space<vmem>> -> memref<480x128xf32, #tpu.memory_space<vmem>>
      %gather3A_357 = tpu.vector_load_idx %gather3A_356[%add3A_351, %add3A_331] : memref<480x128xf32, #tpu.memory_space<vmem>>[vector<16xi32>, vector<16xi32>], vector<16xf32>,
      %mul3A_358 = arith.constant 16 : i32
      %mul3A_359 = arith.muli %scan3A_316, %mul3A_358 : i32
      %get3A_360 = arith.constant 0 : i32
      %get3A_361 = arith.constant 1 : i32
      %get3A_362 = arith.index_cast %get3A_360 : i32 to index
      %get3A_363 = arith.index_cast %get3A_361 : i32 to index
      %get3A_364 = arith.index_cast %mul3A_359 : i32 to index
      %get3A_365 = tpu.vector_load %arg7[%get3A_362, %get3A_363, %get3A_364] {strides = array<i32>} : memref<2x24x128xf32, #tpu.memory_space<vmem>>, vector<16xf32>,
      %sub3A_366 = arith.subf %gather3A_357, %get3A_365 : vector<16xf32>
      %abs3A_367 = math.absf %sub3A_366 : vector<16xf32>
      %add3A_368 = arith.addf %add3A_348, %abs3A_367 : vector<16xf32>
      %add3A_369 = arith.constant 2 : i32
      %add3A_370 = vector.broadcast %add3A_369 : i32 to vector<16xi32>
      %add3A_371 = arith.addi %mul3A_327, %add3A_370 : vector<16xi32>
      %gather3A_372 = arith.constant 0 : i32
      %gather3A_373 = arith.constant 0 : i32
      %gather3A_374 = arith.constant 0 : i32
      %gather3A_375 = tpu.memref_slice %arg6[%gather3A_372, %gather3A_373, %gather3A_374] : memref<2x480x128xf32, #tpu.memory_space<vmem>> -> memref<1x480x128xf32, #tpu.memory_space<vmem>>
      %gather3A_376 = tpu.memref_squeeze %gather3A_375 : memref<1x480x128xf32, #tpu.memory_space<vmem>> -> memref<480x128xf32, #tpu.memory_space<vmem>>
      %gather3A_377 = tpu.vector_load_idx %gather3A_376[%add3A_371, %add3A_331] : memref<480x128xf32, #tpu.memory_space<vmem>>[vector<16xi32>, vector<16xi32>], vector<16xf32>,
      %mul3A_378 = arith.constant 16 : i32
      %mul3A_379 = arith.muli %scan3A_316, %mul3A_378 : i32
      %get3A_380 = arith.constant 0 : i32
      %get3A_381 = arith.constant 2 : i32
      %get3A_382 = arith.index_cast %get3A_380 : i32 to index
      %get3A_383 = arith.index_cast %get3A_381 : i32 to index
      %get3A_384 = arith.index_cast %mul3A_379 : i32 to index
      %get3A_385 = tpu.vector_load %arg7[%get3A_382, %get3A_383, %get3A_384] {strides = array<i32>} : memref<2x24x128xf32, #tpu.memory_space<vmem>>, vector<16xf32>,
      %sub3A_386 = arith.subf %gather3A_377, %get3A_385 : vector<16xf32>
      %abs3A_387 = math.absf %sub3A_386 : vector<16xf32>
      %add3A_388 = arith.addf %add3A_368, %abs3A_387 : vector<16xf32>
      %add3A_389 = arith.constant 3 : i32
      %add3A_390 = vector.broadcast %add3A_389 : i32 to vector<16xi32>
      %add3A_391 = arith.addi %mul3A_327, %add3A_390 : vector<16xi32>
      %gather3A_392 = arith.constant 0 : i32
      %gather3A_393 = arith.constant 0 : i32
      %gather3A_394 = arith.constant 0 : i32
      %gather3A_395 = tpu.memref_slice %arg6[%gather3A_392, %gather3A_393, %gather3A_394] : memref<2x480x128xf32, #tpu.memory_space<vmem>> -> memref<1x480x128xf32, #tpu.memory_space<vmem>>
      %gather3A_396 = tpu.memref_squeeze %gather3A_395 : memref<1x480x128xf32, #tpu.memory_space<vmem>> -> memref<480x128xf32, #tpu.memory_space<vmem>>
      %gather3A_397 = tpu.vector_load_idx %gather3A_396[%add3A_391, %add3A_331] : memref<480x128xf32, #tpu.memory_space<vmem>>[vector<16xi32>, vector<16xi32>], vector<16xf32>,
      %mul3A_398 = arith.constant 16 : i32
      %mul3A_399 = arith.muli %scan3A_316, %mul3A_398 : i32
      %get3A_400 = arith.constant 0 : i32
      %get3A_401 = arith.constant 3 : i32
      %get3A_402 = arith.index_cast %get3A_400 : i32 to index
      %get3A_403 = arith.index_cast %get3A_401 : i32 to index
      %get3A_404 = arith.index_cast %mul3A_399 : i32 to index
      %get3A_405 = tpu.vector_load %arg7[%get3A_402, %get3A_403, %get3A_404] {strides = array<i32>} : memref<2x24x128xf32, #tpu.memory_space<vmem>>, vector<16xf32>,
      %sub3A_406 = arith.subf %gather3A_397, %get3A_405 : vector<16xf32>
      %abs3A_407 = math.absf %sub3A_406 : vector<16xf32>
      %add3A_408 = arith.addf %add3A_388, %abs3A_407 : vector<16xf32>
      %add3A_409 = arith.constant 4 : i32
      %add3A_410 = vector.broadcast %add3A_409 : i32 to vector<16xi32>
      %add3A_411 = arith.addi %mul3A_327, %add3A_410 : vector<16xi32>
      %gather3A_412 = arith.constant 0 : i32
      %gather3A_413 = arith.constant 0 : i32
      %gather3A_414 = arith.constant 0 : i32
      %gather3A_415 = tpu.memref_slice %arg6[%gather3A_412, %gather3A_413, %gather3A_414] : memref<2x480x128xf32, #tpu.memory_space<vmem>> -> memref<1x480x128xf32, #tpu.memory_space<vmem>>
      %gather3A_416 = tpu.memref_squeeze %gather3A_415 : memref<1x480x128xf32, #tpu.memory_space<vmem>> -> memref<480x128xf32, #tpu.memory_space<vmem>>
      %gather3A_417 = tpu.vector_load_idx %gather3A_416[%add3A_411, %add3A_331] : memref<480x128xf32, #tpu.memory_space<vmem>>[vector<16xi32>, vector<16xi32>], vector<16xf32>,
      %mul3A_418 = arith.constant 16 : i32
      %mul3A_419 = arith.muli %scan3A_316, %mul3A_418 : i32
      %get3A_420 = arith.constant 0 : i32
      %get3A_421 = arith.constant 4 : i32
      %get3A_422 = arith.index_cast %get3A_420 : i32 to index
      %get3A_423 = arith.index_cast %get3A_421 : i32 to index
      %get3A_424 = arith.index_cast %mul3A_419 : i32 to index
      %get3A_425 = tpu.vector_load %arg7[%get3A_422, %get3A_423, %get3A_424] {strides = array<i32>} : memref<2x24x128xf32, #tpu.memory_space<vmem>>, vector<16xf32>,
      %sub3A_426 = arith.subf %gather3A_417, %get3A_425 : vector<16xf32>
      %abs3A_427 = math.absf %sub3A_426 : vector<16xf32>
      %add3A_428 = arith.addf %add3A_408, %abs3A_427 : vector<16xf32>
      %add3A_429 = arith.constant 5 : i32
      %add3A_430 = vector.broadcast %add3A_429 : i32 to vector<16xi32>
      %add3A_431 = arith.addi %mul3A_327, %add3A_430 : vector<16xi32>
      %gather3A_432 = arith.constant 0 : i32
      %gather3A_433 = arith.constant 0 : i32
      %gather3A_434 = arith.constant 0 : i32
      %gather3A_435 = tpu.memref_slice %arg6[%gather3A_432, %gather3A_433, %gather3A_434] : memref<2x480x128xf32, #tpu.memory_space<vmem>> -> memref<1x480x128xf32, #tpu.memory_space<vmem>>
      %gather3A_436 = tpu.memref_squeeze %gather3A_435 : memref<1x480x128xf32, #tpu.memory_space<vmem>> -> memref<480x128xf32, #tpu.memory_space<vmem>>
      %gather3A_437 = tpu.vector_load_idx %gather3A_436[%add3A_431, %add3A_331] : memref<480x128xf32, #tpu.memory_space<vmem>>[vector<16xi32>, vector<16xi32>], vector<16xf32>,
      %mul3A_438 = arith.constant 16 : i32
      %mul3A_439 = arith.muli %scan3A_316, %mul3A_438 : i32
      %get3A_440 = arith.constant 0 : i32
      %get3A_441 = arith.constant 5 : i32
      %get3A_442 = arith.index_cast %get3A_440 : i32 to index
      %get3A_443 = arith.index_cast %get3A_441 : i32 to index
      %get3A_444 = arith.index_cast %mul3A_439 : i32 to index
      %get3A_445 = tpu.vector_load %arg7[%get3A_442, %get3A_443, %get3A_444] {strides = array<i32>} : memref<2x24x128xf32, #tpu.memory_space<vmem>>, vector<16xf32>,
      %sub3A_446 = arith.subf %gather3A_437, %get3A_445 : vector<16xf32>
      %abs3A_447 = math.absf %sub3A_446 : vector<16xf32>
      %add3A_448 = arith.addf %add3A_428, %abs3A_447 : vector<16xf32>
      %add3A_449 = arith.constant 6 : i32
      %add3A_450 = vector.broadcast %add3A_449 : i32 to vector<16xi32>
      %add3A_451 = arith.addi %mul3A_327, %add3A_450 : vector<16xi32>
      %gather3A_452 = arith.constant 0 : i32
      %gather3A_453 = arith.constant 0 : i32
      %gather3A_454 = arith.constant 0 : i32
      %gather3A_455 = tpu.memref_slice %arg6[%gather3A_452, %gather3A_453, %gather3A_454] : memref<2x480x128xf32, #tpu.memory_space<vmem>> -> memref<1x480x128xf32, #tpu.memory_space<vmem>>
      %gather3A_456 = tpu.memref_squeeze %gather3A_455 : memref<1x480x128xf32, #tpu.memory_space<vmem>> -> memref<480x128xf32, #tpu.memory_space<vmem>>
      %gather3A_457 = tpu.vector_load_idx %gather3A_456[%add3A_451, %add3A_331] : memref<480x128xf32, #tpu.memory_space<vmem>>[vector<16xi32>, vector<16xi32>], vector<16xf32>,
      %mul3A_458 = arith.constant 16 : i32
      %mul3A_459 = arith.muli %scan3A_316, %mul3A_458 : i32
      %get3A_460 = arith.constant 0 : i32
      %get3A_461 = arith.constant 6 : i32
      %get3A_462 = arith.index_cast %get3A_460 : i32 to index
      %get3A_463 = arith.index_cast %get3A_461 : i32 to index
      %get3A_464 = arith.index_cast %mul3A_459 : i32 to index
      %get3A_465 = tpu.vector_load %arg7[%get3A_462, %get3A_463, %get3A_464] {strides = array<i32>} : memref<2x24x128xf32, #tpu.memory_space<vmem>>, vector<16xf32>,
      %sub3A_466 = arith.subf %gather3A_457, %get3A_465 : vector<16xf32>
      %abs3A_467 = math.absf %sub3A_466 : vector<16xf32>
      %add3A_468 = arith.addf %add3A_448, %abs3A_467 : vector<16xf32>
      %add3A_469 = arith.constant 7 : i32
      %add3A_470 = vector.broadcast %add3A_469 : i32 to vector<16xi32>
      %add3A_471 = arith.addi %mul3A_327, %add3A_470 : vector<16xi32>
      %gather3A_472 = arith.constant 0 : i32
      %gather3A_473 = arith.constant 0 : i32
      %gather3A_474 = arith.constant 0 : i32
      %gather3A_475 = tpu.memref_slice %arg6[%gather3A_472, %gather3A_473, %gather3A_474] : memref<2x480x128xf32, #tpu.memory_space<vmem>> -> memref<1x480x128xf32, #tpu.memory_space<vmem>>
      %gather3A_476 = tpu.memref_squeeze %gather3A_475 : memref<1x480x128xf32, #tpu.memory_space<vmem>> -> memref<480x128xf32, #tpu.memory_space<vmem>>
      %gather3A_477 = tpu.vector_load_idx %gather3A_476[%add3A_471, %add3A_331] : memref<480x128xf32, #tpu.memory_space<vmem>>[vector<16xi32>, vector<16xi32>], vector<16xf32>,
      %mul3A_478 = arith.constant 16 : i32
      %mul3A_479 = arith.muli %scan3A_316, %mul3A_478 : i32
      %get3A_480 = arith.constant 0 : i32
      %get3A_481 = arith.constant 7 : i32
      %get3A_482 = arith.index_cast %get3A_480 : i32 to index
      %get3A_483 = arith.index_cast %get3A_481 : i32 to index
      %get3A_484 = arith.index_cast %mul3A_479 : i32 to index
      %get3A_485 = tpu.vector_load %arg7[%get3A_482, %get3A_483, %get3A_484] {strides = array<i32>} : memref<2x24x128xf32, #tpu.memory_space<vmem>>, vector<16xf32>,
      %sub3A_486 = arith.subf %gather3A_477, %get3A_485 : vector<16xf32>
      %abs3A_487 = math.absf %sub3A_486 : vector<16xf32>
      %add3A_488 = arith.addf %add3A_468, %abs3A_487 : vector<16xf32>
      %add3A_489 = arith.constant 8 : i32
      %add3A_490 = vector.broadcast %add3A_489 : i32 to vector<16xi32>
      %add3A_491 = arith.addi %mul3A_327, %add3A_490 : vector<16xi32>
      %gather3A_492 = arith.constant 0 : i32
      %gather3A_493 = arith.constant 0 : i32
      %gather3A_494 = arith.constant 0 : i32
      %gather3A_495 = tpu.memref_slice %arg6[%gather3A_492, %gather3A_493, %gather3A_494] : memref<2x480x128xf32, #tpu.memory_space<vmem>> -> memref<1x480x128xf32, #tpu.memory_space<vmem>>
      %gather3A_496 = tpu.memref_squeeze %gather3A_495 : memref<1x480x128xf32, #tpu.memory_space<vmem>> -> memref<480x128xf32, #tpu.memory_space<vmem>>
      %gather3A_497 = tpu.vector_load_idx %gather3A_496[%add3A_491, %add3A_331] : memref<480x128xf32, #tpu.memory_space<vmem>>[vector<16xi32>, vector<16xi32>], vector<16xf32>,
      %mul3A_498 = arith.constant 16 : i32
      %mul3A_499 = arith.muli %scan3A_316, %mul3A_498 : i32
      %get3A_500 = arith.constant 0 : i32
      %get3A_501 = arith.constant 8 : i32
      %get3A_502 = arith.index_cast %get3A_500 : i32 to index
      %get3A_503 = arith.index_cast %get3A_501 : i32 to index
      %get3A_504 = arith.index_cast %mul3A_499 : i32 to index
      %get3A_505 = tpu.vector_load %arg7[%get3A_502, %get3A_503, %get3A_504] {strides = array<i32>} : memref<2x24x128xf32, #tpu.memory_space<vmem>>, vector<16xf32>,
      %sub3A_506 = arith.subf %gather3A_497, %get3A_505 : vector<16xf32>
      %abs3A_507 = math.absf %sub3A_506 : vector<16xf32>
      %add3A_508 = arith.addf %add3A_488, %abs3A_507 : vector<16xf32>
      %add3A_509 = arith.constant 9 : i32
      %add3A_510 = vector.broadcast %add3A_509 : i32 to vector<16xi32>
      %add3A_511 = arith.addi %mul3A_327, %add3A_510 : vector<16xi32>
      %gather3A_512 = arith.constant 0 : i32
      %gather3A_513 = arith.constant 0 : i32
      %gather3A_514 = arith.constant 0 : i32
      %gather3A_515 = tpu.memref_slice %arg6[%gather3A_512, %gather3A_513, %gather3A_514] : memref<2x480x128xf32, #tpu.memory_space<vmem>> -> memref<1x480x128xf32, #tpu.memory_space<vmem>>
      %gather3A_516 = tpu.memref_squeeze %gather3A_515 : memref<1x480x128xf32, #tpu.memory_space<vmem>> -> memref<480x128xf32, #tpu.memory_space<vmem>>
      %gather3A_517 = tpu.vector_load_idx %gather3A_516[%add3A_511, %add3A_331] : memref<480x128xf32, #tpu.memory_space<vmem>>[vector<16xi32>, vector<16xi32>], vector<16xf32>,
      %mul3A_518 = arith.constant 16 : i32
      %mul3A_519 = arith.muli %scan3A_316, %mul3A_518 : i32
      %get3A_520 = arith.constant 0 : i32
      %get3A_521 = arith.constant 9 : i32
      %get3A_522 = arith.index_cast %get3A_520 : i32 to index
      %get3A_523 = arith.index_cast %get3A_521 : i32 to index
      %get3A_524 = arith.index_cast %mul3A_519 : i32 to index
      %get3A_525 = tpu.vector_load %arg7[%get3A_522, %get3A_523, %get3A_524] {strides = array<i32>} : memref<2x24x128xf32, #tpu.memory_space<vmem>>, vector<16xf32>,
      %sub3A_526 = arith.subf %gather3A_517, %get3A_525 : vector<16xf32>
      %abs3A_527 = math.absf %sub3A_526 : vector<16xf32>
      %add3A_528 = arith.addf %add3A_508, %abs3A_527 : vector<16xf32>
      %add3A_529 = arith.constant 10 : i32
      %add3A_530 = vector.broadcast %add3A_529 : i32 to vector<16xi32>
      %add3A_531 = arith.addi %mul3A_327, %add3A_530 : vector<16xi32>
      %gather3A_532 = arith.constant 0 : i32
      %gather3A_533 = arith.constant 0 : i32
      %gather3A_534 = arith.constant 0 : i32
      %gather3A_535 = tpu.memref_slice %arg6[%gather3A_532, %gather3A_533, %gather3A_534] : memref<2x480x128xf32, #tpu.memory_space<vmem>> -> memref<1x480x128xf32, #tpu.memory_space<vmem>>
      %gather3A_536 = tpu.memref_squeeze %gather3A_535 : memref<1x480x128xf32, #tpu.memory_space<vmem>> -> memref<480x128xf32, #tpu.memory_space<vmem>>
      %gather3A_537 = tpu.vector_load_idx %gather3A_536[%add3A_531, %add3A_331] : memref<480x128xf32, #tpu.memory_space<vmem>>[vector<16xi32>, vector<16xi32>], vector<16xf32>,
      %mul3A_538 = arith.constant 16 : i32
      %mul3A_539 = arith.muli %scan3A_316, %mul3A_538 : i32
      %get3A_540 = arith.constant 0 : i32
      %get3A_541 = arith.constant 10 : i32
      %get3A_542 = arith.index_cast %get3A_540 : i32 to index
      %get3A_543 = arith.index_cast %get3A_541 : i32 to index
      %get3A_544 = arith.index_cast %mul3A_539 : i32 to index
      %get3A_545 = tpu.vector_load %arg7[%get3A_542, %get3A_543, %get3A_544] {strides = array<i32>} : memref<2x24x128xf32, #tpu.memory_space<vmem>>, vector<16xf32>,
      %sub3A_546 = arith.subf %gather3A_537, %get3A_545 : vector<16xf32>
      %abs3A_547 = math.absf %sub3A_546 : vector<16xf32>
      %add3A_548 = arith.addf %add3A_528, %abs3A_547 : vector<16xf32>
      %add3A_549 = arith.constant 11 : i32
      %add3A_550 = vector.broadcast %add3A_549 : i32 to vector<16xi32>
      %add3A_551 = arith.addi %mul3A_327, %add3A_550 : vector<16xi32>
      %gather3A_552 = arith.constant 0 : i32
      %gather3A_553 = arith.constant 0 : i32
      %gather3A_554 = arith.constant 0 : i32
      %gather3A_555 = tpu.memref_slice %arg6[%gather3A_552, %gather3A_553, %gather3A_554] : memref<2x480x128xf32, #tpu.memory_space<vmem>> -> memref<1x480x128xf32, #tpu.memory_space<vmem>>
      %gather3A_556 = tpu.memref_squeeze %gather3A_555 : memref<1x480x128xf32, #tpu.memory_space<vmem>> -> memref<480x128xf32, #tpu.memory_space<vmem>>
      %gather3A_557 = tpu.vector_load_idx %gather3A_556[%add3A_551, %add3A_331] : memref<480x128xf32, #tpu.memory_space<vmem>>[vector<16xi32>, vector<16xi32>], vector<16xf32>,
      %mul3A_558 = arith.constant 16 : i32
      %mul3A_559 = arith.muli %scan3A_316, %mul3A_558 : i32
      %get3A_560 = arith.constant 0 : i32
      %get3A_561 = arith.constant 11 : i32
      %get3A_562 = arith.index_cast %get3A_560 : i32 to index
      %get3A_563 = arith.index_cast %get3A_561 : i32 to index
      %get3A_564 = arith.index_cast %mul3A_559 : i32 to index
      %get3A_565 = tpu.vector_load %arg7[%get3A_562, %get3A_563, %get3A_564] {strides = array<i32>} : memref<2x24x128xf32, #tpu.memory_space<vmem>>, vector<16xf32>,
      %sub3A_566 = arith.subf %gather3A_557, %get3A_565 : vector<16xf32>
      %abs3A_567 = math.absf %sub3A_566 : vector<16xf32>
      %add3A_568 = arith.addf %add3A_548, %abs3A_567 : vector<16xf32>
      %add3A_569 = arith.constant 12 : i32
      %add3A_570 = vector.broadcast %add3A_569 : i32 to vector<16xi32>
      %add3A_571 = arith.addi %mul3A_327, %add3A_570 : vector<16xi32>
      %gather3A_572 = arith.constant 0 : i32
      %gather3A_573 = arith.constant 0 : i32
      %gather3A_574 = arith.constant 0 : i32
      %gather3A_575 = tpu.memref_slice %arg6[%gather3A_572, %gather3A_573, %gather3A_574] : memref<2x480x128xf32, #tpu.memory_space<vmem>> -> memref<1x480x128xf32, #tpu.memory_space<vmem>>
      %gather3A_576 = tpu.memref_squeeze %gather3A_575 : memref<1x480x128xf32, #tpu.memory_space<vmem>> -> memref<480x128xf32, #tpu.memory_space<vmem>>
      %gather3A_577 = tpu.vector_load_idx %gather3A_576[%add3A_571, %add3A_331] : memref<480x128xf32, #tpu.memory_space<vmem>>[vector<16xi32>, vector<16xi32>], vector<16xf32>,
      %mul3A_578 = arith.constant 16 : i32
      %mul3A_579 = arith.muli %scan3A_316, %mul3A_578 : i32
      %get3A_580 = arith.constant 0 : i32
      %get3A_581 = arith.constant 12 : i32
      %get3A_582 = arith.index_cast %get3A_580 : i32 to index
      %get3A_583 = arith.index_cast %get3A_581 : i32 to index
      %get3A_584 = arith.index_cast %mul3A_579 : i32 to index
      %get3A_585 = tpu.vector_load %arg7[%get3A_582, %get3A_583, %get3A_584] {strides = array<i32>} : memref<2x24x128xf32, #tpu.memory_space<vmem>>, vector<16xf32>,
      %sub3A_586 = arith.subf %gather3A_577, %get3A_585 : vector<16xf32>
      %abs3A_587 = math.absf %sub3A_586 : vector<16xf32>
      %add3A_588 = arith.addf %add3A_568, %abs3A_587 : vector<16xf32>
      %add3A_589 = arith.constant 13 : i32
      %add3A_590 = vector.broadcast %add3A_589 : i32 to vector<16xi32>
      %add3A_591 = arith.addi %mul3A_327, %add3A_590 : vector<16xi32>
      %gather3A_592 = arith.constant 0 : i32
      %gather3A_593 = arith.constant 0 : i32
      %gather3A_594 = arith.constant 0 : i32
      %gather3A_595 = tpu.memref_slice %arg6[%gather3A_592, %gather3A_593, %gather3A_594] : memref<2x480x128xf32, #tpu.memory_space<vmem>> -> memref<1x480x128xf32, #tpu.memory_space<vmem>>
      %gather3A_596 = tpu.memref_squeeze %gather3A_595 : memref<1x480x128xf32, #tpu.memory_space<vmem>> -> memref<480x128xf32, #tpu.memory_space<vmem>>
      %gather3A_597 = tpu.vector_load_idx %gather3A_596[%add3A_591, %add3A_331] : memref<480x128xf32, #tpu.memory_space<vmem>>[vector<16xi32>, vector<16xi32>], vector<16xf32>,
      %mul3A_598 = arith.constant 16 : i32
      %mul3A_599 = arith.muli %scan3A_316, %mul3A_598 : i32
      %get3A_600 = arith.constant 0 : i32
      %get3A_601 = arith.constant 13 : i32
      %get3A_602 = arith.index_cast %get3A_600 : i32 to index
      %get3A_603 = arith.index_cast %get3A_601 : i32 to index
      %get3A_604 = arith.index_cast %mul3A_599 : i32 to index
      %get3A_605 = tpu.vector_load %arg7[%get3A_602, %get3A_603, %get3A_604] {strides = array<i32>} : memref<2x24x128xf32, #tpu.memory_space<vmem>>, vector<16xf32>,
      %sub3A_606 = arith.subf %gather3A_597, %get3A_605 : vector<16xf32>
      %abs3A_607 = math.absf %sub3A_606 : vector<16xf32>
      %add3A_608 = arith.addf %add3A_588, %abs3A_607 : vector<16xf32>
      %add3A_609 = arith.constant 14 : i32
      %add3A_610 = vector.broadcast %add3A_609 : i32 to vector<16xi32>
      %add3A_611 = arith.addi %mul3A_327, %add3A_610 : vector<16xi32>
      %gather3A_612 = arith.constant 0 : i32
      %gather3A_613 = arith.constant 0 : i32
      %gather3A_614 = arith.constant 0 : i32
      %gather3A_615 = tpu.memref_slice %arg6[%gather3A_612, %gather3A_613, %gather3A_614] : memref<2x480x128xf32, #tpu.memory_space<vmem>> -> memref<1x480x128xf32, #tpu.memory_space<vmem>>
      %gather3A_616 = tpu.memref_squeeze %gather3A_615 : memref<1x480x128xf32, #tpu.memory_space<vmem>> -> memref<480x128xf32, #tpu.memory_space<vmem>>
      %gather3A_617 = tpu.vector_load_idx %gather3A_616[%add3A_611, %add3A_331] : memref<480x128xf32, #tpu.memory_space<vmem>>[vector<16xi32>, vector<16xi32>], vector<16xf32>,
      %mul3A_618 = arith.constant 16 : i32
      %mul3A_619 = arith.muli %scan3A_316, %mul3A_618 : i32
      %get3A_620 = arith.constant 0 : i32
      %get3A_621 = arith.constant 14 : i32
      %get3A_622 = arith.index_cast %get3A_620 : i32 to index
      %get3A_623 = arith.index_cast %get3A_621 : i32 to index
      %get3A_624 = arith.index_cast %mul3A_619 : i32 to index
      %get3A_625 = tpu.vector_load %arg7[%get3A_622, %get3A_623, %get3A_624] {strides = array<i32>} : memref<2x24x128xf32, #tpu.memory_space<vmem>>, vector<16xf32>,
      %sub3A_626 = arith.subf %gather3A_617, %get3A_625 : vector<16xf32>
      %abs3A_627 = math.absf %sub3A_626 : vector<16xf32>
      %add3A_628 = arith.addf %add3A_608, %abs3A_627 : vector<16xf32>
      %add3A_629 = arith.constant 15 : i32
      %add3A_630 = vector.broadcast %add3A_629 : i32 to vector<16xi32>
      %add3A_631 = arith.addi %mul3A_327, %add3A_630 : vector<16xi32>
      %gather3A_632 = arith.constant 0 : i32
      %gather3A_633 = arith.constant 0 : i32
      %gather3A_634 = arith.constant 0 : i32
      %gather3A_635 = tpu.memref_slice %arg6[%gather3A_632, %gather3A_633, %gather3A_634] : memref<2x480x128xf32, #tpu.memory_space<vmem>> -> memref<1x480x128xf32, #tpu.memory_space<vmem>>
      %gather3A_636 = tpu.memref_squeeze %gather3A_635 : memref<1x480x128xf32, #tpu.memory_space<vmem>> -> memref<480x128xf32, #tpu.memory_space<vmem>>
      %gather3A_637 = tpu.vector_load_idx %gather3A_636[%add3A_631, %add3A_331] : memref<480x128xf32, #tpu.memory_space<vmem>>[vector<16xi32>, vector<16xi32>], vector<16xf32>,
      %mul3A_638 = arith.constant 16 : i32
      %mul3A_639 = arith.muli %scan3A_316, %mul3A_638 : i32
      %get3A_640 = arith.constant 0 : i32
      %get3A_641 = arith.constant 15 : i32
      %get3A_642 = arith.index_cast %get3A_640 : i32 to index
      %get3A_643 = arith.index_cast %get3A_641 : i32 to index
      %get3A_644 = arith.index_cast %mul3A_639 : i32 to index
      %get3A_645 = tpu.vector_load %arg7[%get3A_642, %get3A_643, %get3A_644] {strides = array<i32>} : memref<2x24x128xf32, #tpu.memory_space<vmem>>, vector<16xf32>,
      %sub3A_646 = arith.subf %gather3A_637, %get3A_645 : vector<16xf32>
      %abs3A_647 = math.absf %sub3A_646 : vector<16xf32>
      %add3A_648 = arith.addf %add3A_628, %abs3A_647 : vector<16xf32>
      %add3A_649 = arith.constant 16 : i32
      %add3A_650 = vector.broadcast %add3A_649 : i32 to vector<16xi32>
      %add3A_651 = arith.addi %mul3A_327, %add3A_650 : vector<16xi32>
      %gather3A_652 = arith.constant 0 : i32
      %gather3A_653 = arith.constant 0 : i32
      %gather3A_654 = arith.constant 0 : i32
      %gather3A_655 = tpu.memref_slice %arg6[%gather3A_652, %gather3A_653, %gather3A_654] : memref<2x480x128xf32, #tpu.memory_space<vmem>> -> memref<1x480x128xf32, #tpu.memory_space<vmem>>
      %gather3A_656 = tpu.memref_squeeze %gather3A_655 : memref<1x480x128xf32, #tpu.memory_space<vmem>> -> memref<480x128xf32, #tpu.memory_space<vmem>>
      %gather3A_657 = tpu.vector_load_idx %gather3A_656[%add3A_651, %add3A_331] : memref<480x128xf32, #tpu.memory_space<vmem>>[vector<16xi32>, vector<16xi32>], vector<16xf32>,
      %mul3A_658 = arith.constant 16 : i32
      %mul3A_659 = arith.muli %scan3A_316, %mul3A_658 : i32
      %get3A_660 = arith.constant 0 : i32
      %get3A_661 = arith.constant 16 : i32
      %get3A_662 = arith.index_cast %get3A_660 : i32 to index
      %get3A_663 = arith.index_cast %get3A_661 : i32 to index
      %get3A_664 = arith.index_cast %mul3A_659 : i32 to index
      %get3A_665 = tpu.vector_load %arg7[%get3A_662, %get3A_663, %get3A_664] {strides = array<i32>} : memref<2x24x128xf32, #tpu.memory_space<vmem>>, vector<16xf32>,
      %sub3A_666 = arith.subf %gather3A_657, %get3A_665 : vector<16xf32>
      %abs3A_667 = math.absf %sub3A_666 : vector<16xf32>
      %add3A_668 = arith.addf %add3A_648, %abs3A_667 : vector<16xf32>
      %add3A_669 = arith.constant 17 : i32
      %add3A_670 = vector.broadcast %add3A_669 : i32 to vector<16xi32>
      %add3A_671 = arith.addi %mul3A_327, %add3A_670 : vector<16xi32>
      %gather3A_672 = arith.constant 0 : i32
      %gather3A_673 = arith.constant 0 : i32
      %gather3A_674 = arith.constant 0 : i32
      %gather3A_675 = tpu.memref_slice %arg6[%gather3A_672, %gather3A_673, %gather3A_674] : memref<2x480x128xf32, #tpu.memory_space<vmem>> -> memref<1x480x128xf32, #tpu.memory_space<vmem>>
      %gather3A_676 = tpu.memref_squeeze %gather3A_675 : memref<1x480x128xf32, #tpu.memory_space<vmem>> -> memref<480x128xf32, #tpu.memory_space<vmem>>
      %gather3A_677 = tpu.vector_load_idx %gather3A_676[%add3A_671, %add3A_331] : memref<480x128xf32, #tpu.memory_space<vmem>>[vector<16xi32>, vector<16xi32>], vector<16xf32>,
      %mul3A_678 = arith.constant 16 : i32
      %mul3A_679 = arith.muli %scan3A_316, %mul3A_678 : i32
      %get3A_680 = arith.constant 0 : i32
      %get3A_681 = arith.constant 17 : i32
      %get3A_682 = arith.index_cast %get3A_680 : i32 to index
      %get3A_683 = arith.index_cast %get3A_681 : i32 to index
      %get3A_684 = arith.index_cast %mul3A_679 : i32 to index
      %get3A_685 = tpu.vector_load %arg7[%get3A_682, %get3A_683, %get3A_684] {strides = array<i32>} : memref<2x24x128xf32, #tpu.memory_space<vmem>>, vector<16xf32>,
      %sub3A_686 = arith.subf %gather3A_677, %get3A_685 : vector<16xf32>
      %abs3A_687 = math.absf %sub3A_686 : vector<16xf32>
      %add3A_688 = arith.addf %add3A_668, %abs3A_687 : vector<16xf32>
      %add3A_689 = arith.constant 18 : i32
      %add3A_690 = vector.broadcast %add3A_689 : i32 to vector<16xi32>
      %add3A_691 = arith.addi %mul3A_327, %add3A_690 : vector<16xi32>
      %gather3A_692 = arith.constant 0 : i32
      %gather3A_693 = arith.constant 0 : i32
      %gather3A_694 = arith.constant 0 : i32
      %gather3A_695 = tpu.memref_slice %arg6[%gather3A_692, %gather3A_693, %gather3A_694] : memref<2x480x128xf32, #tpu.memory_space<vmem>> -> memref<1x480x128xf32, #tpu.memory_space<vmem>>
      %gather3A_696 = tpu.memref_squeeze %gather3A_695 : memref<1x480x128xf32, #tpu.memory_space<vmem>> -> memref<480x128xf32, #tpu.memory_space<vmem>>
      %gather3A_697 = tpu.vector_load_idx %gather3A_696[%add3A_691, %add3A_331] : memref<480x128xf32, #tpu.memory_space<vmem>>[vector<16xi32>, vector<16xi32>], vector<16xf32>,
      %mul3A_698 = arith.constant 16 : i32
      %mul3A_699 = arith.muli %scan3A_316, %mul3A_698 : i32
      %get3A_700 = arith.constant 0 : i32
      %get3A_701 = arith.constant 18 : i32
      %get3A_702 = arith.index_cast %get3A_700 : i32 to index
      %get3A_703 = arith.index_cast %get3A_701 : i32 to index
      %get3A_704 = arith.index_cast %mul3A_699 : i32 to index
      %get3A_705 = tpu.vector_load %arg7[%get3A_702, %get3A_703, %get3A_704] {strides = array<i32>} : memref<2x24x128xf32, #tpu.memory_space<vmem>>, vector<16xf32>,
      %sub3A_706 = arith.subf %gather3A_697, %get3A_705 : vector<16xf32>
      %abs3A_707 = math.absf %sub3A_706 : vector<16xf32>
      %add3A_708 = arith.addf %add3A_688, %abs3A_707 : vector<16xf32>
      %add3A_709 = arith.constant 19 : i32
      %add3A_710 = vector.broadcast %add3A_709 : i32 to vector<16xi32>
      %add3A_711 = arith.addi %mul3A_327, %add3A_710 : vector<16xi32>
      %gather3A_712 = arith.constant 0 : i32
      %gather3A_713 = arith.constant 0 : i32
      %gather3A_714 = arith.constant 0 : i32
      %gather3A_715 = tpu.memref_slice %arg6[%gather3A_712, %gather3A_713, %gather3A_714] : memref<2x480x128xf32, #tpu.memory_space<vmem>> -> memref<1x480x128xf32, #tpu.memory_space<vmem>>
      %gather3A_716 = tpu.memref_squeeze %gather3A_715 : memref<1x480x128xf32, #tpu.memory_space<vmem>> -> memref<480x128xf32, #tpu.memory_space<vmem>>
      %gather3A_717 = tpu.vector_load_idx %gather3A_716[%add3A_711, %add3A_331] : memref<480x128xf32, #tpu.memory_space<vmem>>[vector<16xi32>, vector<16xi32>], vector<16xf32>,
      %mul3A_718 = arith.constant 16 : i32
      %mul3A_719 = arith.muli %scan3A_316, %mul3A_718 : i32
      %get3A_720 = arith.constant 0 : i32
      %get3A_721 = arith.constant 19 : i32
      %get3A_722 = arith.index_cast %get3A_720 : i32 to index
      %get3A_723 = arith.index_cast %get3A_721 : i32 to index
      %get3A_724 = arith.index_cast %mul3A_719 : i32 to index
      %get3A_725 = tpu.vector_load %arg7[%get3A_722, %get3A_723, %get3A_724] {strides = array<i32>} : memref<2x24x128xf32, #tpu.memory_space<vmem>>, vector<16xf32>,
      %sub3A_726 = arith.subf %gather3A_717, %get3A_725 : vector<16xf32>
      %abs3A_727 = math.absf %sub3A_726 : vector<16xf32>
      %add3A_728 = arith.addf %add3A_708, %abs3A_727 : vector<16xf32>
      %add3A_729 = arith.constant 20 : i32
      %add3A_730 = vector.broadcast %add3A_729 : i32 to vector<16xi32>
      %add3A_731 = arith.addi %mul3A_327, %add3A_730 : vector<16xi32>
      %gather3A_732 = arith.constant 0 : i32
      %gather3A_733 = arith.constant 0 : i32
      %gather3A_734 = arith.constant 0 : i32
      %gather3A_735 = tpu.memref_slice %arg6[%gather3A_732, %gather3A_733, %gather3A_734] : memref<2x480x128xf32, #tpu.memory_space<vmem>> -> memref<1x480x128xf32, #tpu.memory_space<vmem>>
      %gather3A_736 = tpu.memref_squeeze %gather3A_735 : memref<1x480x128xf32, #tpu.memory_space<vmem>> -> memref<480x128xf32, #tpu.memory_space<vmem>>
      %gather3A_737 = tpu.vector_load_idx %gather3A_736[%add3A_731, %add3A_331] : memref<480x128xf32, #tpu.memory_space<vmem>>[vector<16xi32>, vector<16xi32>], vector<16xf32>,
      %mul3A_738 = arith.constant 16 : i32
      %mul3A_739 = arith.muli %scan3A_316, %mul3A_738 : i32
      %get3A_740 = arith.constant 0 : i32
      %get3A_741 = arith.constant 20 : i32
      %get3A_742 = arith.index_cast %get3A_740 : i32 to index
      %get3A_743 = arith.index_cast %get3A_741 : i32 to index
      %get3A_744 = arith.index_cast %mul3A_739 : i32 to index
      %get3A_745 = tpu.vector_load %arg7[%get3A_742, %get3A_743, %get3A_744] {strides = array<i32>} : memref<2x24x128xf32, #tpu.memory_space<vmem>>, vector<16xf32>,
      %sub3A_746 = arith.subf %gather3A_737, %get3A_745 : vector<16xf32>
      %abs3A_747 = math.absf %sub3A_746 : vector<16xf32>
      %add3A_748 = arith.addf %add3A_728, %abs3A_747 : vector<16xf32>
      %add3A_749 = arith.constant 21 : i32
      %add3A_750 = vector.broadcast %add3A_749 : i32 to vector<16xi32>
      %add3A_751 = arith.addi %mul3A_327, %add3A_750 : vector<16xi32>
      %gather3A_752 = arith.constant 0 : i32
      %gather3A_753 = arith.constant 0 : i32
      %gather3A_754 = arith.constant 0 : i32
      %gather3A_755 = tpu.memref_slice %arg6[%gather3A_752, %gather3A_753, %gather3A_754] : memref<2x480x128xf32, #tpu.memory_space<vmem>> -> memref<1x480x128xf32, #tpu.memory_space<vmem>>
      %gather3A_756 = tpu.memref_squeeze %gather3A_755 : memref<1x480x128xf32, #tpu.memory_space<vmem>> -> memref<480x128xf32, #tpu.memory_space<vmem>>
      %gather3A_757 = tpu.vector_load_idx %gather3A_756[%add3A_751, %add3A_331] : memref<480x128xf32, #tpu.memory_space<vmem>>[vector<16xi32>, vector<16xi32>], vector<16xf32>,
      %mul3A_758 = arith.constant 16 : i32
      %mul3A_759 = arith.muli %scan3A_316, %mul3A_758 : i32
      %get3A_760 = arith.constant 0 : i32
      %get3A_761 = arith.constant 21 : i32
      %get3A_762 = arith.index_cast %get3A_760 : i32 to index
      %get3A_763 = arith.index_cast %get3A_761 : i32 to index
      %get3A_764 = arith.index_cast %mul3A_759 : i32 to index
      %get3A_765 = tpu.vector_load %arg7[%get3A_762, %get3A_763, %get3A_764] {strides = array<i32>} : memref<2x24x128xf32, #tpu.memory_space<vmem>>, vector<16xf32>,
      %sub3A_766 = arith.subf %gather3A_757, %get3A_765 : vector<16xf32>
      %abs3A_767 = math.absf %sub3A_766 : vector<16xf32>
      %add3A_768 = arith.addf %add3A_748, %abs3A_767 : vector<16xf32>
      %add3A_769 = arith.constant 22 : i32
      %add3A_770 = vector.broadcast %add3A_769 : i32 to vector<16xi32>
      %add3A_771 = arith.addi %mul3A_327, %add3A_770 : vector<16xi32>
      %gather3A_772 = arith.constant 0 : i32
      %gather3A_773 = arith.constant 0 : i32
      %gather3A_774 = arith.constant 0 : i32
      %gather3A_775 = tpu.memref_slice %arg6[%gather3A_772, %gather3A_773, %gather3A_774] : memref<2x480x128xf32, #tpu.memory_space<vmem>> -> memref<1x480x128xf32, #tpu.memory_space<vmem>>
      %gather3A_776 = tpu.memref_squeeze %gather3A_775 : memref<1x480x128xf32, #tpu.memory_space<vmem>> -> memref<480x128xf32, #tpu.memory_space<vmem>>
      %gather3A_777 = tpu.vector_load_idx %gather3A_776[%add3A_771, %add3A_331] : memref<480x128xf32, #tpu.memory_space<vmem>>[vector<16xi32>, vector<16xi32>], vector<16xf32>,
      %mul3A_778 = arith.constant 16 : i32
      %mul3A_779 = arith.muli %scan3A_316, %mul3A_778 : i32
      %get3A_780 = arith.constant 0 : i32
      %get3A_781 = arith.constant 22 : i32
      %get3A_782 = arith.index_cast %get3A_780 : i32 to index
      %get3A_783 = arith.index_cast %get3A_781 : i32 to index
      %get3A_784 = arith.index_cast %mul3A_779 : i32 to index
      %get3A_785 = tpu.vector_load %arg7[%get3A_782, %get3A_783, %get3A_784] {strides = array<i32>} : memref<2x24x128xf32, #tpu.memory_space<vmem>>, vector<16xf32>,
      %sub3A_786 = arith.subf %gather3A_777, %get3A_785 : vector<16xf32>
      %abs3A_787 = math.absf %sub3A_786 : vector<16xf32>
      %add3A_788 = arith.addf %add3A_768, %abs3A_787 : vector<16xf32>
      %add3A_789 = arith.constant 23 : i32
      %add3A_790 = vector.broadcast %add3A_789 : i32 to vector<16xi32>
      %add3A_791 = arith.addi %mul3A_327, %add3A_790 : vector<16xi32>
      %gather3A_792 = arith.constant 0 : i32
      %gather3A_793 = arith.constant 0 : i32
      %gather3A_794 = arith.constant 0 : i32
      %gather3A_795 = tpu.memref_slice %arg6[%gather3A_792, %gather3A_793, %gather3A_794] : memref<2x480x128xf32, #tpu.memory_space<vmem>> -> memref<1x480x128xf32, #tpu.memory_space<vmem>>
      %gather3A_796 = tpu.memref_squeeze %gather3A_795 : memref<1x480x128xf32, #tpu.memory_space<vmem>> -> memref<480x128xf32, #tpu.memory_space<vmem>>
      %gather3A_797 = tpu.vector_load_idx %gather3A_796[%add3A_791, %add3A_331] : memref<480x128xf32, #tpu.memory_space<vmem>>[vector<16xi32>, vector<16xi32>], vector<16xf32>,
      %mul3A_798 = arith.constant 16 : i32
      %mul3A_799 = arith.muli %scan3A_316, %mul3A_798 : i32
      %get3A_800 = arith.constant 0 : i32
      %get3A_801 = arith.constant 23 : i32
      %get3A_802 = arith.index_cast %get3A_800 : i32 to index
      %get3A_803 = arith.index_cast %get3A_801 : i32 to index
      %get3A_804 = arith.index_cast %mul3A_799 : i32 to index
      %get3A_805 = tpu.vector_load %arg7[%get3A_802, %get3A_803, %get3A_804] {strides = array<i32>} : memref<2x24x128xf32, #tpu.memory_space<vmem>>, vector<16xf32>,
      %sub3A_806 = arith.subf %gather3A_797, %get3A_805 : vector<16xf32>
      %abs3A_807 = math.absf %sub3A_806 : vector<16xf32>
      %add3A_808 = arith.addf %add3A_788, %abs3A_807 : vector<16xf32>
      scf.yield %add3A_808 : vector<16xf32>
    }
    %scan3A_156 = arith.constant 8 : i32
    %add3A_157 = arith.constant 256 : i32
    %add3A_158 = arith.addi %mul3A_4, %add3A_157 : i32
    %dma_start3A_159 = arith.constant 0 : i32
    %dma_start3A_160 = arith.constant 0 : i32
    %dma_start3A_161 = arith.constant 0 : i32
    %dma_start3A_162 = arith.constant 0 : i32
    %dma_start3A_163 = tpu.memref_slice %arg6[%dma_start3A_159, %dma_start3A_161, %dma_start3A_162] : memref<2x480x128xf32, #tpu.memory_space<vmem>> -> memref<1x480x128xf32, #tpu.memory_space<vmem>>
    %dma_start3A_164 = tpu.memref_squeeze %dma_start3A_163 : memref<1x480x128xf32, #tpu.memory_space<vmem>> -> memref<480x128xf32, #tpu.memory_space<vmem>>
    %dma_start3A_165 = arith.constant 0 : i32
    %dma_start3A_166 = tpu.memref_slice %arg2[%dma_start3A_165, %add3A_158] : memref<480x16384xf32, #tpu.memory_space<hbm>> -> memref<480x128xf32, #tpu.memory_space<hbm>>
    %dma_start3A_167 = tpu.memref_slice %arg10[%dma_start3A_160] : memref<2x!tpu.dma_semaphore, #tpu.memory_space<semaphore_mem>> -> memref<1x!tpu.dma_semaphore, #tpu.memory_space<semaphore_mem>>
    %dma_start3A_168 = tpu.memref_squeeze %dma_start3A_167 : memref<1x!tpu.dma_semaphore, #tpu.memory_space<semaphore_mem>> -> memref<!tpu.dma_semaphore, #tpu.memory_space<semaphore_mem>>
    %dma_start3A_169 = arith.constant 0 : i32
    %dma_start3A_170 = arith.constant 0 : i32
    %dma_start3A_171 = tpu.memref_slice %arg6[%dma_start3A_159, %dma_start3A_169, %dma_start3A_170] : memref<2x480x128xf32, #tpu.memory_space<vmem>> -> memref<1x480x128xf32, #tpu.memory_space<vmem>>
    %dma_start3A_172 = tpu.memref_squeeze %dma_start3A_171 : memref<1x480x128xf32, #tpu.memory_space<vmem>> -> memref<480x128xf32, #tpu.memory_space<vmem>>
    %dma_start3A_173 = arith.constant 0 : i32
    %dma_start3A_174 = tpu.memref_slice %arg2[%dma_start3A_173, %add3A_158] : memref<480x16384xf32, #tpu.memory_space<hbm>> -> memref<480x128xf32, #tpu.memory_space<hbm>>
    tpu.enqueue_dma source(%dma_start3A_174 : memref<480x128xf32, #tpu.memory_space<hbm>>) target(%dma_start3A_172 : memref<480x128xf32, #tpu.memory_space<vmem>>) target_semaphore(%dma_start3A_168 : memref<!tpu.dma_semaphore, #tpu.memory_space<semaphore_mem>>)
    %dma_start3A_175 = arith.constant 0 : i32
    %dma_start3A_176 = arith.constant 0 : i32
    %dma_start3A_177 = arith.constant 0 : i32
    %dma_start3A_178 = arith.constant 0 : i32
    %dma_start3A_179 = tpu.memref_slice %arg7[%dma_start3A_175, %dma_start3A_177, %dma_start3A_178] : memref<2x24x128xf32, #tpu.memory_space<vmem>> -> memref<1x24x128xf32, #tpu.memory_space<vmem>>
    %dma_start3A_180 = tpu.memref_squeeze %dma_start3A_179 : memref<1x24x128xf32, #tpu.memory_space<vmem>> -> memref<24x128xf32, #tpu.memory_space<vmem>>
    %dma_start3A_181 = arith.constant 0 : i32
    %dma_start3A_182 = tpu.memref_slice %arg3[%dma_start3A_181, %add3A_158] : memref<24x16384xf32, #tpu.memory_space<hbm>> -> memref<24x128xf32, #tpu.memory_space<hbm>>
    %dma_start3A_183 = tpu.memref_slice %arg10[%dma_start3A_176] : memref<2x!tpu.dma_semaphore, #tpu.memory_space<semaphore_mem>> -> memref<1x!tpu.dma_semaphore, #tpu.memory_space<semaphore_mem>>
    %dma_start3A_184 = tpu.memref_squeeze %dma_start3A_183 : memref<1x!tpu.dma_semaphore, #tpu.memory_space<semaphore_mem>> -> memref<!tpu.dma_semaphore, #tpu.memory_space<semaphore_mem>>
    %dma_start3A_185 = arith.constant 0 : i32
    %dma_start3A_186 = arith.constant 0 : i32
    %dma_start3A_187 = tpu.memref_slice %arg7[%dma_start3A_175, %dma_start3A_185, %dma_start3A_186] : memref<2x24x128xf32, #tpu.memory_space<vmem>> -> memref<1x24x128xf32, #tpu.memory_space<vmem>>
    %dma_start3A_188 = tpu.memref_squeeze %dma_start3A_187 : memref<1x24x128xf32, #tpu.memory_space<vmem>> -> memref<24x128xf32, #tpu.memory_space<vmem>>
    %dma_start3A_189 = arith.constant 0 : i32
    %dma_start3A_190 = tpu.memref_slice %arg3[%dma_start3A_189, %add3A_158] : memref<24x16384xf32, #tpu.memory_space<hbm>> -> memref<24x128xf32, #tpu.memory_space<hbm>>
    tpu.enqueue_dma source(%dma_start3A_190 : memref<24x128xf32, #tpu.memory_space<hbm>>) target(%dma_start3A_188 : memref<24x128xf32, #tpu.memory_space<vmem>>) target_semaphore(%dma_start3A_184 : memref<!tpu.dma_semaphore, #tpu.memory_space<semaphore_mem>>)
    %dma_start3A_191 = arith.constant 0 : i32
    %dma_start3A_192 = arith.constant 0 : i32
    %dma_start3A_193 = arith.constant 0 : i32
    %dma_start3A_194 = arith.constant 0 : i32
    %dma_start3A_195 = tpu.memref_slice %arg8[%dma_start3A_191, %dma_start3A_193, %dma_start3A_194] : memref<2x1x128xi32, #tpu.memory_space<vmem>> -> memref<1x1x128xi32, #tpu.memory_space<vmem>>
    %dma_start3A_196 = tpu.memref_squeeze %dma_start3A_195 : memref<1x1x128xi32, #tpu.memory_space<vmem>> -> memref<1x128xi32, #tpu.memory_space<vmem>>
    %dma_start3A_197 = arith.constant 0 : i32
    %dma_start3A_198 = tpu.memref_slice %arg4[%dma_start3A_197, %add3A_158] : memref<8x16384xi32, #tpu.memory_space<hbm>> -> memref<1x128xi32, #tpu.memory_space<hbm>>
    %dma_start3A_199 = tpu.memref_slice %arg10[%dma_start3A_192] : memref<2x!tpu.dma_semaphore, #tpu.memory_space<semaphore_mem>> -> memref<1x!tpu.dma_semaphore, #tpu.memory_space<semaphore_mem>>
    %dma_start3A_200 = tpu.memref_squeeze %dma_start3A_199 : memref<1x!tpu.dma_semaphore, #tpu.memory_space<semaphore_mem>> -> memref<!tpu.dma_semaphore, #tpu.memory_space<semaphore_mem>>
    %dma_start3A_201 = arith.constant 0 : i32
    %dma_start3A_202 = arith.constant 0 : i32
    %dma_start3A_203 = tpu.memref_slice %arg8[%dma_start3A_191, %dma_start3A_201, %dma_start3A_202] : memref<2x1x128xi32, #tpu.memory_space<vmem>> -> memref<1x1x128xi32, #tpu.memory_space<vmem>>
    %dma_start3A_204 = tpu.memref_squeeze %dma_start3A_203 : memref<1x1x128xi32, #tpu.memory_space<vmem>> -> memref<1x128xi32, #tpu.memory_space<vmem>>
    %dma_start3A_205 = arith.constant 0 : i32
    %dma_start3A_206 = tpu.memref_slice %arg4[%dma_start3A_205, %add3A_158] : memref<8x16384xi32, #tpu.memory_space<hbm>> -> memref<1x128xi32, #tpu.memory_space<hbm>>
    tpu.enqueue_dma source(%dma_start3A_206 : memref<1x128xi32, #tpu.memory_space<hbm>>) target(%dma_start3A_204 : memref<1x128xi32, #tpu.memory_space<vmem>>) target_semaphore(%dma_start3A_200 : memref<!tpu.dma_semaphore, #tpu.memory_space<semaphore_mem>>)
    %dma_wait3A_207 = arith.constant 1 : i32
    %dma_wait3A_208 = arith.constant 1 : i32
    %dma_wait3A_209 = arith.constant 0 : i32
    %dma_wait3A_210 = arith.constant 0 : i32
    %dma_wait3A_211 = tpu.memref_slice %arg6[%dma_wait3A_207, %dma_wait3A_209, %dma_wait3A_210] : memref<2x480x128xf32, #tpu.memory_space<vmem>> -> memref<1x480x128xf32, #tpu.memory_space<vmem>>
    %dma_wait3A_212 = tpu.memref_squeeze %dma_wait3A_211 : memref<1x480x128xf32, #tpu.memory_space<vmem>> -> memref<480x128xf32, #tpu.memory_space<vmem>>
    %dma_wait3A_213 = arith.constant 0 : i32
    %dma_wait3A_214 = tpu.memref_slice %arg2[%dma_wait3A_213, %add3A_56] : memref<480x16384xf32, #tpu.memory_space<hbm>> -> memref<480x128xf32, #tpu.memory_space<hbm>>
    %dma_wait3A_215 = tpu.memref_slice %arg10[%dma_wait3A_208] : memref<2x!tpu.dma_semaphore, #tpu.memory_space<semaphore_mem>> -> memref<1x!tpu.dma_semaphore, #tpu.memory_space<semaphore_mem>>
    %dma_wait3A_216 = tpu.memref_squeeze %dma_wait3A_215 : memref<1x!tpu.dma_semaphore, #tpu.memory_space<semaphore_mem>> -> memref<!tpu.dma_semaphore, #tpu.memory_space<semaphore_mem>>
    %dma_wait3A_217 = arith.constant 0 : i32
    %dma_wait3A_218 = arith.constant 0 : i32
    %dma_wait3A_219 = tpu.memref_slice %arg6[%dma_wait3A_207, %dma_wait3A_217, %dma_wait3A_218] : memref<2x480x128xf32, #tpu.memory_space<vmem>> -> memref<1x480x128xf32, #tpu.memory_space<vmem>>
    %dma_wait3A_220 = tpu.memref_squeeze %dma_wait3A_219 : memref<1x480x128xf32, #tpu.memory_space<vmem>> -> memref<480x128xf32, #tpu.memory_space<vmem>>
    %dma_wait3A_221 = arith.constant 0 : i32
    %dma_wait3A_222 = tpu.memref_slice %arg2[%dma_wait3A_221, %add3A_56] : memref<480x16384xf32, #tpu.memory_space<hbm>> -> memref<480x128xf32, #tpu.memory_space<hbm>>
    tpu.wait_dma2 semaphore(%dma_wait3A_216 : memref<!tpu.dma_semaphore, #tpu.memory_space<semaphore_mem>>) src(%dma_wait3A_222 : memref<480x128xf32, #tpu.memory_space<hbm>>) dst(%dma_wait3A_220 : memref<480x128xf32, #tpu.memory_space<vmem>>)
    %dma_wait3A_223 = arith.constant 1 : i32
    %dma_wait3A_224 = arith.constant 1 : i32
    %dma_wait3A_225 = arith.constant 0 : i32
    %dma_wait3A_226 = arith.constant 0 : i32
    %dma_wait3A_227 = tpu.memref_slice %arg7[%dma_wait3A_223, %dma_wait3A_225, %dma_wait3A_226] : memref<2x24x128xf32, #tpu.memory_space<vmem>> -> memref<1x24x128xf32, #tpu.memory_space<vmem>>
    %dma_wait3A_228 = tpu.memref_squeeze %dma_wait3A_227 : memref<1x24x128xf32, #tpu.memory_space<vmem>> -> memref<24x128xf32, #tpu.memory_space<vmem>>
    %dma_wait3A_229 = arith.constant 0 : i32
    %dma_wait3A_230 = tpu.memref_slice %arg3[%dma_wait3A_229, %add3A_56] : memref<24x16384xf32, #tpu.memory_space<hbm>> -> memref<24x128xf32, #tpu.memory_space<hbm>>
    %dma_wait3A_231 = tpu.memref_slice %arg10[%dma_wait3A_224] : memref<2x!tpu.dma_semaphore, #tpu.memory_space<semaphore_mem>> -> memref<1x!tpu.dma_semaphore, #tpu.memory_space<semaphore_mem>>
    %dma_wait3A_232 = tpu.memref_squeeze %dma_wait3A_231 : memref<1x!tpu.dma_semaphore, #tpu.memory_space<semaphore_mem>> -> memref<!tpu.dma_semaphore, #tpu.memory_space<semaphore_mem>>
    %dma_wait3A_233 = arith.constant 0 : i32
    %dma_wait3A_234 = arith.constant 0 : i32
    %dma_wait3A_235 = tpu.memref_slice %arg7[%dma_wait3A_223, %dma_wait3A_233, %dma_wait3A_234] : memref<2x24x128xf32, #tpu.memory_space<vmem>> -> memref<1x24x128xf32, #tpu.memory_space<vmem>>
    %dma_wait3A_236 = tpu.memref_squeeze %dma_wait3A_235 : memref<1x24x128xf32, #tpu.memory_space<vmem>> -> memref<24x128xf32, #tpu.memory_space<vmem>>
    %dma_wait3A_237 = arith.constant 0 : i32
    %dma_wait3A_238 = tpu.memref_slice %arg3[%dma_wait3A_237, %add3A_56] : memref<24x16384xf32, #tpu.memory_space<hbm>> -> memref<24x128xf32, #tpu.memory_space<hbm>>
    tpu.wait_dma2 semaphore(%dma_wait3A_232 : memref<!tpu.dma_semaphore, #tpu.memory_space<semaphore_mem>>) src(%dma_wait3A_238 : memref<24x128xf32, #tpu.memory_space<hbm>>) dst(%dma_wait3A_236 : memref<24x128xf32, #tpu.memory_space<vmem>>)
    %dma_wait3A_239 = arith.constant 1 : i32
    %dma_wait3A_240 = arith.constant 1 : i32
    %dma_wait3A_241 = arith.constant 0 : i32
    %dma_wait3A_242 = arith.constant 0 : i32
    %dma_wait3A_243 = tpu.memref_slice %arg8[%dma_wait3A_239, %dma_wait3A_241, %dma_wait3A_242] : memref<2x1x128xi32, #tpu.memory_space<vmem>> -> memref<1x1x128xi32, #tpu.memory_space<vmem>>
    %dma_wait3A_244 = tpu.memref_squeeze %dma_wait3A_243 : memref<1x1x128xi32, #tpu.memory_space<vmem>> -> memref<1x128xi32, #tpu.memory_space<vmem>>
    %dma_wait3A_245 = arith.constant 0 : i32
    %dma_wait3A_246 = tpu.memref_slice %arg4[%dma_wait3A_245, %add3A_56] : memref<8x16384xi32, #tpu.memory_space<hbm>> -> memref<1x128xi32, #tpu.memory_space<hbm>>
    %dma_wait3A_247 = tpu.memref_slice %arg10[%dma_wait3A_240] : memref<2x!tpu.dma_semaphore, #tpu.memory_space<semaphore_mem>> -> memref<1x!tpu.dma_semaphore, #tpu.memory_space<semaphore_mem>>
    %dma_wait3A_248 = tpu.memref_squeeze %dma_wait3A_247 : memref<1x!tpu.dma_semaphore, #tpu.memory_space<semaphore_mem>> -> memref<!tpu.dma_semaphore, #tpu.memory_space<semaphore_mem>>
    %dma_wait3A_249 = arith.constant 0 : i32
    %dma_wait3A_250 = arith.constant 0 : i32
    %dma_wait3A_251 = tpu.memref_slice %arg8[%dma_wait3A_239, %dma_wait3A_249, %dma_wait3A_250] : memref<2x1x128xi32, #tpu.memory_space<vmem>> -> memref<1x1x128xi32, #tpu.memory_space<vmem>>
    %dma_wait3A_252 = tpu.memref_squeeze %dma_wait3A_251 : memref<1x1x128xi32, #tpu.memory_space<vmem>> -> memref<1x128xi32, #tpu.memory_space<vmem>>
    %dma_wait3A_253 = arith.constant 0 : i32
    %dma_wait3A_254 = tpu.memref_slice %arg4[%dma_wait3A_253, %add3A_56] : memref<8x16384xi32, #tpu.memory_space<hbm>> -> memref<1x128xi32, #tpu.memory_space<hbm>>
    tpu.wait_dma2 semaphore(%dma_wait3A_248 : memref<!tpu.dma_semaphore, #tpu.memory_space<semaphore_mem>>) src(%dma_wait3A_254 : memref<1x128xi32, #tpu.memory_space<hbm>>) dst(%dma_wait3A_252 : memref<1x128xi32, #tpu.memory_space<vmem>>)
    %scan3A_255 = arith.constant 0 : i32
    %scan3A_256 = arith.constant 8 : i32
    %scan3A_257 = arith.addi %scan3A_255, %scan3A_256 : i32
    %scan3A_258 = arith.constant 1 : i32
    %scan3A_259 = scf.for %scan3A_316 = %scan3A_255 to %scan3A_257 step %scan3A_258 iter_args(%scan3A_317 = %scan3A_155) -> (vector<16xf32>)  : i32 {
      %mul3A_318 = arith.constant 16 : i32
      %mul3A_319 = arith.muli %scan3A_316, %mul3A_318 : i32
      %get3A = arith.constant 1 : i32
      %get3A_320 = arith.constant 0 : i32
      %get3A_321 = arith.index_cast %get3A : i32 to index
      %get3A_322 = arith.index_cast %get3A_320 : i32 to index
      %get3A_323 = arith.index_cast %mul3A_319 : i32 to index
      %get3A_324 = tpu.vector_load %arg8[%get3A_321, %get3A_322, %get3A_323] {strides = array<i32>} : memref<2x1x128xi32, #tpu.memory_space<vmem>>, vector<16xi32>,
      %mul3A_325 = arith.constant 24 : i32
      %mul3A_326 = vector.broadcast %mul3A_325 : i32 to vector<16xi32>
      %mul3A_327 = arith.muli %get3A_324, %mul3A_326 : vector<16xi32>
      %mul3A_328 = arith.constant 16 : i32
      %mul3A_329 = arith.muli %scan3A_316, %mul3A_328 : i32
      %add3A_330 = vector.broadcast %mul3A_329 : i32 to vector<16xi32>
      %add3A_331 = arith.addi %iota3A, %add3A_330 : vector<16xi32>
      %add3A_332 = arith.constant 0 : i32
      %add3A_333 = vector.broadcast %add3A_332 : i32 to vector<16xi32>
      %add3A_334 = arith.addi %mul3A_327, %add3A_333 : vector<16xi32>
      %gather3A = arith.constant 1 : i32
      %gather3A_335 = arith.constant 0 : i32
      %gather3A_336 = arith.constant 0 : i32
      %gather3A_337 = tpu.memref_slice %arg6[%gather3A, %gather3A_335, %gather3A_336] : memref<2x480x128xf32, #tpu.memory_space<vmem>> -> memref<1x480x128xf32, #tpu.memory_space<vmem>>
      %gather3A_338 = tpu.memref_squeeze %gather3A_337 : memref<1x480x128xf32, #tpu.memory_space<vmem>> -> memref<480x128xf32, #tpu.memory_space<vmem>>
      %gather3A_339 = tpu.vector_load_idx %gather3A_338[%add3A_334, %add3A_331] : memref<480x128xf32, #tpu.memory_space<vmem>>[vector<16xi32>, vector<16xi32>], vector<16xf32>,
      %mul3A_340 = arith.constant 16 : i32
      %mul3A_341 = arith.muli %scan3A_316, %mul3A_340 : i32
      %get3A_342 = arith.constant 1 : i32
      %get3A_343 = arith.constant 0 : i32
      %get3A_344 = arith.index_cast %get3A_342 : i32 to index
      %get3A_345 = arith.index_cast %get3A_343 : i32 to index
      %get3A_346 = arith.index_cast %mul3A_341 : i32 to index
      %get3A_347 = tpu.vector_load %arg7[%get3A_344, %get3A_345, %get3A_346] {strides = array<i32>} : memref<2x24x128xf32, #tpu.memory_space<vmem>>, vector<16xf32>,
      %sub3A = arith.subf %gather3A_339, %get3A_347 : vector<16xf32>
      %abs3A = math.absf %sub3A : vector<16xf32>
      %add3A_348 = arith.addf %scan3A_317, %abs3A : vector<16xf32>
      %add3A_349 = arith.constant 1 : i32
      %add3A_350 = vector.broadcast %add3A_349 : i32 to vector<16xi32>
      %add3A_351 = arith.addi %mul3A_327, %add3A_350 : vector<16xi32>
      %gather3A_352 = arith.constant 1 : i32
      %gather3A_353 = arith.constant 0 : i32
      %gather3A_354 = arith.constant 0 : i32
      %gather3A_355 = tpu.memref_slice %arg6[%gather3A_352, %gather3A_353, %gather3A_354] : memref<2x480x128xf32, #tpu.memory_space<vmem>> -> memref<1x480x128xf32, #tpu.memory_space<vmem>>
      %gather3A_356 = tpu.memref_squeeze %gather3A_355 : memref<1x480x128xf32, #tpu.memory_space<vmem>> -> memref<480x128xf32, #tpu.memory_space<vmem>>
      %gather3A_357 = tpu.vector_load_idx %gather3A_356[%add3A_351, %add3A_331] : memref<480x128xf32, #tpu.memory_space<vmem>>[vector<16xi32>, vector<16xi32>], vector<16xf32>,
      %mul3A_358 = arith.constant 16 : i32
      %mul3A_359 = arith.muli %scan3A_316, %mul3A_358 : i32
      %get3A_360 = arith.constant 1 : i32
      %get3A_361 = arith.constant 1 : i32
      %get3A_362 = arith.index_cast %get3A_360 : i32 to index
      %get3A_363 = arith.index_cast %get3A_361 : i32 to index
      %get3A_364 = arith.index_cast %mul3A_359 : i32 to index
      %get3A_365 = tpu.vector_load %arg7[%get3A_362, %get3A_363, %get3A_364] {strides = array<i32>} : memref<2x24x128xf32, #tpu.memory_space<vmem>>, vector<16xf32>,
      %sub3A_366 = arith.subf %gather3A_357, %get3A_365 : vector<16xf32>
      %abs3A_367 = math.absf %sub3A_366 : vector<16xf32>
      %add3A_368 = arith.addf %add3A_348, %abs3A_367 : vector<16xf32>
      %add3A_369 = arith.constant 2 : i32
      %add3A_370 = vector.broadcast %add3A_369 : i32 to vector<16xi32>
      %add3A_371 = arith.addi %mul3A_327, %add3A_370 : vector<16xi32>
      %gather3A_372 = arith.constant 1 : i32
      %gather3A_373 = arith.constant 0 : i32
      %gather3A_374 = arith.constant 0 : i32
      %gather3A_375 = tpu.memref_slice %arg6[%gather3A_372, %gather3A_373, %gather3A_374] : memref<2x480x128xf32, #tpu.memory_space<vmem>> -> memref<1x480x128xf32, #tpu.memory_space<vmem>>
      %gather3A_376 = tpu.memref_squeeze %gather3A_375 : memref<1x480x128xf32, #tpu.memory_space<vmem>> -> memref<480x128xf32, #tpu.memory_space<vmem>>
      %gather3A_377 = tpu.vector_load_idx %gather3A_376[%add3A_371, %add3A_331] : memref<480x128xf32, #tpu.memory_space<vmem>>[vector<16xi32>, vector<16xi32>], vector<16xf32>,
      %mul3A_378 = arith.constant 16 : i32
      %mul3A_379 = arith.muli %scan3A_316, %mul3A_378 : i32
      %get3A_380 = arith.constant 1 : i32
      %get3A_381 = arith.constant 2 : i32
      %get3A_382 = arith.index_cast %get3A_380 : i32 to index
      %get3A_383 = arith.index_cast %get3A_381 : i32 to index
      %get3A_384 = arith.index_cast %mul3A_379 : i32 to index
      %get3A_385 = tpu.vector_load %arg7[%get3A_382, %get3A_383, %get3A_384] {strides = array<i32>} : memref<2x24x128xf32, #tpu.memory_space<vmem>>, vector<16xf32>,
      %sub3A_386 = arith.subf %gather3A_377, %get3A_385 : vector<16xf32>
      %abs3A_387 = math.absf %sub3A_386 : vector<16xf32>
      %add3A_388 = arith.addf %add3A_368, %abs3A_387 : vector<16xf32>
      %add3A_389 = arith.constant 3 : i32
      %add3A_390 = vector.broadcast %add3A_389 : i32 to vector<16xi32>
      %add3A_391 = arith.addi %mul3A_327, %add3A_390 : vector<16xi32>
      %gather3A_392 = arith.constant 1 : i32
      %gather3A_393 = arith.constant 0 : i32
      %gather3A_394 = arith.constant 0 : i32
      %gather3A_395 = tpu.memref_slice %arg6[%gather3A_392, %gather3A_393, %gather3A_394] : memref<2x480x128xf32, #tpu.memory_space<vmem>> -> memref<1x480x128xf32, #tpu.memory_space<vmem>>
      %gather3A_396 = tpu.memref_squeeze %gather3A_395 : memref<1x480x128xf32, #tpu.memory_space<vmem>> -> memref<480x128xf32, #tpu.memory_space<vmem>>
      %gather3A_397 = tpu.vector_load_idx %gather3A_396[%add3A_391, %add3A_331] : memref<480x128xf32, #tpu.memory_space<vmem>>[vector<16xi32>, vector<16xi32>], vector<16xf32>,
      %mul3A_398 = arith.constant 16 : i32
      %mul3A_399 = arith.muli %scan3A_316, %mul3A_398 : i32
      %get3A_400 = arith.constant 1 : i32
      %get3A_401 = arith.constant 3 : i32
      %get3A_402 = arith.index_cast %get3A_400 : i32 to index
      %get3A_403 = arith.index_cast %get3A_401 : i32 to index
      %get3A_404 = arith.index_cast %mul3A_399 : i32 to index
      %get3A_405 = tpu.vector_load %arg7[%get3A_402, %get3A_403, %get3A_404] {strides = array<i32>} : memref<2x24x128xf32, #tpu.memory_space<vmem>>, vector<16xf32>,
      %sub3A_406 = arith.subf %gather3A_397, %get3A_405 : vector<16xf32>
      %abs3A_407 = math.absf %sub3A_406 : vector<16xf32>
      %add3A_408 = arith.addf %add3A_388, %abs3A_407 : vector<16xf32>
      %add3A_409 = arith.constant 4 : i32
      %add3A_410 = vector.broadcast %add3A_409 : i32 to vector<16xi32>
      %add3A_411 = arith.addi %mul3A_327, %add3A_410 : vector<16xi32>
      %gather3A_412 = arith.constant 1 : i32
      %gather3A_413 = arith.constant 0 : i32
      %gather3A_414 = arith.constant 0 : i32
      %gather3A_415 = tpu.memref_slice %arg6[%gather3A_412, %gather3A_413, %gather3A_414] : memref<2x480x128xf32, #tpu.memory_space<vmem>> -> memref<1x480x128xf32, #tpu.memory_space<vmem>>
      %gather3A_416 = tpu.memref_squeeze %gather3A_415 : memref<1x480x128xf32, #tpu.memory_space<vmem>> -> memref<480x128xf32, #tpu.memory_space<vmem>>
      %gather3A_417 = tpu.vector_load_idx %gather3A_416[%add3A_411, %add3A_331] : memref<480x128xf32, #tpu.memory_space<vmem>>[vector<16xi32>, vector<16xi32>], vector<16xf32>,
      %mul3A_418 = arith.constant 16 : i32
      %mul3A_419 = arith.muli %scan3A_316, %mul3A_418 : i32
      %get3A_420 = arith.constant 1 : i32
      %get3A_421 = arith.constant 4 : i32
      %get3A_422 = arith.index_cast %get3A_420 : i32 to index
      %get3A_423 = arith.index_cast %get3A_421 : i32 to index
      %get3A_424 = arith.index_cast %mul3A_419 : i32 to index
      %get3A_425 = tpu.vector_load %arg7[%get3A_422, %get3A_423, %get3A_424] {strides = array<i32>} : memref<2x24x128xf32, #tpu.memory_space<vmem>>, vector<16xf32>,
      %sub3A_426 = arith.subf %gather3A_417, %get3A_425 : vector<16xf32>
      %abs3A_427 = math.absf %sub3A_426 : vector<16xf32>
      %add3A_428 = arith.addf %add3A_408, %abs3A_427 : vector<16xf32>
      %add3A_429 = arith.constant 5 : i32
      %add3A_430 = vector.broadcast %add3A_429 : i32 to vector<16xi32>
      %add3A_431 = arith.addi %mul3A_327, %add3A_430 : vector<16xi32>
      %gather3A_432 = arith.constant 1 : i32
      %gather3A_433 = arith.constant 0 : i32
      %gather3A_434 = arith.constant 0 : i32
      %gather3A_435 = tpu.memref_slice %arg6[%gather3A_432, %gather3A_433, %gather3A_434] : memref<2x480x128xf32, #tpu.memory_space<vmem>> -> memref<1x480x128xf32, #tpu.memory_space<vmem>>
      %gather3A_436 = tpu.memref_squeeze %gather3A_435 : memref<1x480x128xf32, #tpu.memory_space<vmem>> -> memref<480x128xf32, #tpu.memory_space<vmem>>
      %gather3A_437 = tpu.vector_load_idx %gather3A_436[%add3A_431, %add3A_331] : memref<480x128xf32, #tpu.memory_space<vmem>>[vector<16xi32>, vector<16xi32>], vector<16xf32>,
      %mul3A_438 = arith.constant 16 : i32
      %mul3A_439 = arith.muli %scan3A_316, %mul3A_438 : i32
      %get3A_440 = arith.constant 1 : i32
      %get3A_441 = arith.constant 5 : i32
      %get3A_442 = arith.index_cast %get3A_440 : i32 to index
      %get3A_443 = arith.index_cast %get3A_441 : i32 to index
      %get3A_444 = arith.index_cast %mul3A_439 : i32 to index
      %get3A_445 = tpu.vector_load %arg7[%get3A_442, %get3A_443, %get3A_444] {strides = array<i32>} : memref<2x24x128xf32, #tpu.memory_space<vmem>>, vector<16xf32>,
      %sub3A_446 = arith.subf %gather3A_437, %get3A_445 : vector<16xf32>
      %abs3A_447 = math.absf %sub3A_446 : vector<16xf32>
      %add3A_448 = arith.addf %add3A_428, %abs3A_447 : vector<16xf32>
      %add3A_449 = arith.constant 6 : i32
      %add3A_450 = vector.broadcast %add3A_449 : i32 to vector<16xi32>
      %add3A_451 = arith.addi %mul3A_327, %add3A_450 : vector<16xi32>
      %gather3A_452 = arith.constant 1 : i32
      %gather3A_453 = arith.constant 0 : i32
      %gather3A_454 = arith.constant 0 : i32
      %gather3A_455 = tpu.memref_slice %arg6[%gather3A_452, %gather3A_453, %gather3A_454] : memref<2x480x128xf32, #tpu.memory_space<vmem>> -> memref<1x480x128xf32, #tpu.memory_space<vmem>>
      %gather3A_456 = tpu.memref_squeeze %gather3A_455 : memref<1x480x128xf32, #tpu.memory_space<vmem>> -> memref<480x128xf32, #tpu.memory_space<vmem>>
      %gather3A_457 = tpu.vector_load_idx %gather3A_456[%add3A_451, %add3A_331] : memref<480x128xf32, #tpu.memory_space<vmem>>[vector<16xi32>, vector<16xi32>], vector<16xf32>,
      %mul3A_458 = arith.constant 16 : i32
      %mul3A_459 = arith.muli %scan3A_316, %mul3A_458 : i32
      %get3A_460 = arith.constant 1 : i32
      %get3A_461 = arith.constant 6 : i32
      %get3A_462 = arith.index_cast %get3A_460 : i32 to index
      %get3A_463 = arith.index_cast %get3A_461 : i32 to index
      %get3A_464 = arith.index_cast %mul3A_459 : i32 to index
      %get3A_465 = tpu.vector_load %arg7[%get3A_462, %get3A_463, %get3A_464] {strides = array<i32>} : memref<2x24x128xf32, #tpu.memory_space<vmem>>, vector<16xf32>,
      %sub3A_466 = arith.subf %gather3A_457, %get3A_465 : vector<16xf32>
      %abs3A_467 = math.absf %sub3A_466 : vector<16xf32>
      %add3A_468 = arith.addf %add3A_448, %abs3A_467 : vector<16xf32>
      %add3A_469 = arith.constant 7 : i32
      %add3A_470 = vector.broadcast %add3A_469 : i32 to vector<16xi32>
      %add3A_471 = arith.addi %mul3A_327, %add3A_470 : vector<16xi32>
      %gather3A_472 = arith.constant 1 : i32
      %gather3A_473 = arith.constant 0 : i32
      %gather3A_474 = arith.constant 0 : i32
      %gather3A_475 = tpu.memref_slice %arg6[%gather3A_472, %gather3A_473, %gather3A_474] : memref<2x480x128xf32, #tpu.memory_space<vmem>> -> memref<1x480x128xf32, #tpu.memory_space<vmem>>
      %gather3A_476 = tpu.memref_squeeze %gather3A_475 : memref<1x480x128xf32, #tpu.memory_space<vmem>> -> memref<480x128xf32, #tpu.memory_space<vmem>>
      %gather3A_477 = tpu.vector_load_idx %gather3A_476[%add3A_471, %add3A_331] : memref<480x128xf32, #tpu.memory_space<vmem>>[vector<16xi32>, vector<16xi32>], vector<16xf32>,
      %mul3A_478 = arith.constant 16 : i32
      %mul3A_479 = arith.muli %scan3A_316, %mul3A_478 : i32
      %get3A_480 = arith.constant 1 : i32
      %get3A_481 = arith.constant 7 : i32
      %get3A_482 = arith.index_cast %get3A_480 : i32 to index
      %get3A_483 = arith.index_cast %get3A_481 : i32 to index
      %get3A_484 = arith.index_cast %mul3A_479 : i32 to index
      %get3A_485 = tpu.vector_load %arg7[%get3A_482, %get3A_483, %get3A_484] {strides = array<i32>} : memref<2x24x128xf32, #tpu.memory_space<vmem>>, vector<16xf32>,
      %sub3A_486 = arith.subf %gather3A_477, %get3A_485 : vector<16xf32>
      %abs3A_487 = math.absf %sub3A_486 : vector<16xf32>
      %add3A_488 = arith.addf %add3A_468, %abs3A_487 : vector<16xf32>
      %add3A_489 = arith.constant 8 : i32
      %add3A_490 = vector.broadcast %add3A_489 : i32 to vector<16xi32>
      %add3A_491 = arith.addi %mul3A_327, %add3A_490 : vector<16xi32>
      %gather3A_492 = arith.constant 1 : i32
      %gather3A_493 = arith.constant 0 : i32
      %gather3A_494 = arith.constant 0 : i32
      %gather3A_495 = tpu.memref_slice %arg6[%gather3A_492, %gather3A_493, %gather3A_494] : memref<2x480x128xf32, #tpu.memory_space<vmem>> -> memref<1x480x128xf32, #tpu.memory_space<vmem>>
      %gather3A_496 = tpu.memref_squeeze %gather3A_495 : memref<1x480x128xf32, #tpu.memory_space<vmem>> -> memref<480x128xf32, #tpu.memory_space<vmem>>
      %gather3A_497 = tpu.vector_load_idx %gather3A_496[%add3A_491, %add3A_331] : memref<480x128xf32, #tpu.memory_space<vmem>>[vector<16xi32>, vector<16xi32>], vector<16xf32>,
      %mul3A_498 = arith.constant 16 : i32
      %mul3A_499 = arith.muli %scan3A_316, %mul3A_498 : i32
      %get3A_500 = arith.constant 1 : i32
      %get3A_501 = arith.constant 8 : i32
      %get3A_502 = arith.index_cast %get3A_500 : i32 to index
      %get3A_503 = arith.index_cast %get3A_501 : i32 to index
      %get3A_504 = arith.index_cast %mul3A_499 : i32 to index
      %get3A_505 = tpu.vector_load %arg7[%get3A_502, %get3A_503, %get3A_504] {strides = array<i32>} : memref<2x24x128xf32, #tpu.memory_space<vmem>>, vector<16xf32>,
      %sub3A_506 = arith.subf %gather3A_497, %get3A_505 : vector<16xf32>
      %abs3A_507 = math.absf %sub3A_506 : vector<16xf32>
      %add3A_508 = arith.addf %add3A_488, %abs3A_507 : vector<16xf32>
      %add3A_509 = arith.constant 9 : i32
      %add3A_510 = vector.broadcast %add3A_509 : i32 to vector<16xi32>
      %add3A_511 = arith.addi %mul3A_327, %add3A_510 : vector<16xi32>
      %gather3A_512 = arith.constant 1 : i32
      %gather3A_513 = arith.constant 0 : i32
      %gather3A_514 = arith.constant 0 : i32
      %gather3A_515 = tpu.memref_slice %arg6[%gather3A_512, %gather3A_513, %gather3A_514] : memref<2x480x128xf32, #tpu.memory_space<vmem>> -> memref<1x480x128xf32, #tpu.memory_space<vmem>>
      %gather3A_516 = tpu.memref_squeeze %gather3A_515 : memref<1x480x128xf32, #tpu.memory_space<vmem>> -> memref<480x128xf32, #tpu.memory_space<vmem>>
      %gather3A_517 = tpu.vector_load_idx %gather3A_516[%add3A_511, %add3A_331] : memref<480x128xf32, #tpu.memory_space<vmem>>[vector<16xi32>, vector<16xi32>], vector<16xf32>,
      %mul3A_518 = arith.constant 16 : i32
      %mul3A_519 = arith.muli %scan3A_316, %mul3A_518 : i32
      %get3A_520 = arith.constant 1 : i32
      %get3A_521 = arith.constant 9 : i32
      %get3A_522 = arith.index_cast %get3A_520 : i32 to index
      %get3A_523 = arith.index_cast %get3A_521 : i32 to index
      %get3A_524 = arith.index_cast %mul3A_519 : i32 to index
      %get3A_525 = tpu.vector_load %arg7[%get3A_522, %get3A_523, %get3A_524] {strides = array<i32>} : memref<2x24x128xf32, #tpu.memory_space<vmem>>, vector<16xf32>,
      %sub3A_526 = arith.subf %gather3A_517, %get3A_525 : vector<16xf32>
      %abs3A_527 = math.absf %sub3A_526 : vector<16xf32>
      %add3A_528 = arith.addf %add3A_508, %abs3A_527 : vector<16xf32>
      %add3A_529 = arith.constant 10 : i32
      %add3A_530 = vector.broadcast %add3A_529 : i32 to vector<16xi32>
      %add3A_531 = arith.addi %mul3A_327, %add3A_530 : vector<16xi32>
      %gather3A_532 = arith.constant 1 : i32
      %gather3A_533 = arith.constant 0 : i32
      %gather3A_534 = arith.constant 0 : i32
      %gather3A_535 = tpu.memref_slice %arg6[%gather3A_532, %gather3A_533, %gather3A_534] : memref<2x480x128xf32, #tpu.memory_space<vmem>> -> memref<1x480x128xf32, #tpu.memory_space<vmem>>
      %gather3A_536 = tpu.memref_squeeze %gather3A_535 : memref<1x480x128xf32, #tpu.memory_space<vmem>> -> memref<480x128xf32, #tpu.memory_space<vmem>>
      %gather3A_537 = tpu.vector_load_idx %gather3A_536[%add3A_531, %add3A_331] : memref<480x128xf32, #tpu.memory_space<vmem>>[vector<16xi32>, vector<16xi32>], vector<16xf32>,
      %mul3A_538 = arith.constant 16 : i32
      %mul3A_539 = arith.muli %scan3A_316, %mul3A_538 : i32
      %get3A_540 = arith.constant 1 : i32
      %get3A_541 = arith.constant 10 : i32
      %get3A_542 = arith.index_cast %get3A_540 : i32 to index
      %get3A_543 = arith.index_cast %get3A_541 : i32 to index
      %get3A_544 = arith.index_cast %mul3A_539 : i32 to index
      %get3A_545 = tpu.vector_load %arg7[%get3A_542, %get3A_543, %get3A_544] {strides = array<i32>} : memref<2x24x128xf32, #tpu.memory_space<vmem>>, vector<16xf32>,
      %sub3A_546 = arith.subf %gather3A_537, %get3A_545 : vector<16xf32>
      %abs3A_547 = math.absf %sub3A_546 : vector<16xf32>
      %add3A_548 = arith.addf %add3A_528, %abs3A_547 : vector<16xf32>
      %add3A_549 = arith.constant 11 : i32
      %add3A_550 = vector.broadcast %add3A_549 : i32 to vector<16xi32>
      %add3A_551 = arith.addi %mul3A_327, %add3A_550 : vector<16xi32>
      %gather3A_552 = arith.constant 1 : i32
      %gather3A_553 = arith.constant 0 : i32
      %gather3A_554 = arith.constant 0 : i32
      %gather3A_555 = tpu.memref_slice %arg6[%gather3A_552, %gather3A_553, %gather3A_554] : memref<2x480x128xf32, #tpu.memory_space<vmem>> -> memref<1x480x128xf32, #tpu.memory_space<vmem>>
      %gather3A_556 = tpu.memref_squeeze %gather3A_555 : memref<1x480x128xf32, #tpu.memory_space<vmem>> -> memref<480x128xf32, #tpu.memory_space<vmem>>
      %gather3A_557 = tpu.vector_load_idx %gather3A_556[%add3A_551, %add3A_331] : memref<480x128xf32, #tpu.memory_space<vmem>>[vector<16xi32>, vector<16xi32>], vector<16xf32>,
      %mul3A_558 = arith.constant 16 : i32
      %mul3A_559 = arith.muli %scan3A_316, %mul3A_558 : i32
      %get3A_560 = arith.constant 1 : i32
      %get3A_561 = arith.constant 11 : i32
      %get3A_562 = arith.index_cast %get3A_560 : i32 to index
      %get3A_563 = arith.index_cast %get3A_561 : i32 to index
      %get3A_564 = arith.index_cast %mul3A_559 : i32 to index
      %get3A_565 = tpu.vector_load %arg7[%get3A_562, %get3A_563, %get3A_564] {strides = array<i32>} : memref<2x24x128xf32, #tpu.memory_space<vmem>>, vector<16xf32>,
      %sub3A_566 = arith.subf %gather3A_557, %get3A_565 : vector<16xf32>
      %abs3A_567 = math.absf %sub3A_566 : vector<16xf32>
      %add3A_568 = arith.addf %add3A_548, %abs3A_567 : vector<16xf32>
      %add3A_569 = arith.constant 12 : i32
      %add3A_570 = vector.broadcast %add3A_569 : i32 to vector<16xi32>
      %add3A_571 = arith.addi %mul3A_327, %add3A_570 : vector<16xi32>
      %gather3A_572 = arith.constant 1 : i32
      %gather3A_573 = arith.constant 0 : i32
      %gather3A_574 = arith.constant 0 : i32
      %gather3A_575 = tpu.memref_slice %arg6[%gather3A_572, %gather3A_573, %gather3A_574] : memref<2x480x128xf32, #tpu.memory_space<vmem>> -> memref<1x480x128xf32, #tpu.memory_space<vmem>>
      %gather3A_576 = tpu.memref_squeeze %gather3A_575 : memref<1x480x128xf32, #tpu.memory_space<vmem>> -> memref<480x128xf32, #tpu.memory_space<vmem>>
      %gather3A_577 = tpu.vector_load_idx %gather3A_576[%add3A_571, %add3A_331] : memref<480x128xf32, #tpu.memory_space<vmem>>[vector<16xi32>, vector<16xi32>], vector<16xf32>,
      %mul3A_578 = arith.constant 16 : i32
      %mul3A_579 = arith.muli %scan3A_316, %mul3A_578 : i32
      %get3A_580 = arith.constant 1 : i32
      %get3A_581 = arith.constant 12 : i32
      %get3A_582 = arith.index_cast %get3A_580 : i32 to index
      %get3A_583 = arith.index_cast %get3A_581 : i32 to index
      %get3A_584 = arith.index_cast %mul3A_579 : i32 to index
      %get3A_585 = tpu.vector_load %arg7[%get3A_582, %get3A_583, %get3A_584] {strides = array<i32>} : memref<2x24x128xf32, #tpu.memory_space<vmem>>, vector<16xf32>,
      %sub3A_586 = arith.subf %gather3A_577, %get3A_585 : vector<16xf32>
      %abs3A_587 = math.absf %sub3A_586 : vector<16xf32>
      %add3A_588 = arith.addf %add3A_568, %abs3A_587 : vector<16xf32>
      %add3A_589 = arith.constant 13 : i32
      %add3A_590 = vector.broadcast %add3A_589 : i32 to vector<16xi32>
      %add3A_591 = arith.addi %mul3A_327, %add3A_590 : vector<16xi32>
      %gather3A_592 = arith.constant 1 : i32
      %gather3A_593 = arith.constant 0 : i32
      %gather3A_594 = arith.constant 0 : i32
      %gather3A_595 = tpu.memref_slice %arg6[%gather3A_592, %gather3A_593, %gather3A_594] : memref<2x480x128xf32, #tpu.memory_space<vmem>> -> memref<1x480x128xf32, #tpu.memory_space<vmem>>
      %gather3A_596 = tpu.memref_squeeze %gather3A_595 : memref<1x480x128xf32, #tpu.memory_space<vmem>> -> memref<480x128xf32, #tpu.memory_space<vmem>>
      %gather3A_597 = tpu.vector_load_idx %gather3A_596[%add3A_591, %add3A_331] : memref<480x128xf32, #tpu.memory_space<vmem>>[vector<16xi32>, vector<16xi32>], vector<16xf32>,
      %mul3A_598 = arith.constant 16 : i32
      %mul3A_599 = arith.muli %scan3A_316, %mul3A_598 : i32
      %get3A_600 = arith.constant 1 : i32
      %get3A_601 = arith.constant 13 : i32
      %get3A_602 = arith.index_cast %get3A_600 : i32 to index
      %get3A_603 = arith.index_cast %get3A_601 : i32 to index
      %get3A_604 = arith.index_cast %mul3A_599 : i32 to index
      %get3A_605 = tpu.vector_load %arg7[%get3A_602, %get3A_603, %get3A_604] {strides = array<i32>} : memref<2x24x128xf32, #tpu.memory_space<vmem>>, vector<16xf32>,
      %sub3A_606 = arith.subf %gather3A_597, %get3A_605 : vector<16xf32>
      %abs3A_607 = math.absf %sub3A_606 : vector<16xf32>
      %add3A_608 = arith.addf %add3A_588, %abs3A_607 : vector<16xf32>
      %add3A_609 = arith.constant 14 : i32
      %add3A_610 = vector.broadcast %add3A_609 : i32 to vector<16xi32>
      %add3A_611 = arith.addi %mul3A_327, %add3A_610 : vector<16xi32>
      %gather3A_612 = arith.constant 1 : i32
      %gather3A_613 = arith.constant 0 : i32
      %gather3A_614 = arith.constant 0 : i32
      %gather3A_615 = tpu.memref_slice %arg6[%gather3A_612, %gather3A_613, %gather3A_614] : memref<2x480x128xf32, #tpu.memory_space<vmem>> -> memref<1x480x128xf32, #tpu.memory_space<vmem>>
      %gather3A_616 = tpu.memref_squeeze %gather3A_615 : memref<1x480x128xf32, #tpu.memory_space<vmem>> -> memref<480x128xf32, #tpu.memory_space<vmem>>
      %gather3A_617 = tpu.vector_load_idx %gather3A_616[%add3A_611, %add3A_331] : memref<480x128xf32, #tpu.memory_space<vmem>>[vector<16xi32>, vector<16xi32>], vector<16xf32>,
      %mul3A_618 = arith.constant 16 : i32
      %mul3A_619 = arith.muli %scan3A_316, %mul3A_618 : i32
      %get3A_620 = arith.constant 1 : i32
      %get3A_621 = arith.constant 14 : i32
      %get3A_622 = arith.index_cast %get3A_620 : i32 to index
      %get3A_623 = arith.index_cast %get3A_621 : i32 to index
      %get3A_624 = arith.index_cast %mul3A_619 : i32 to index
      %get3A_625 = tpu.vector_load %arg7[%get3A_622, %get3A_623, %get3A_624] {strides = array<i32>} : memref<2x24x128xf32, #tpu.memory_space<vmem>>, vector<16xf32>,
      %sub3A_626 = arith.subf %gather3A_617, %get3A_625 : vector<16xf32>
      %abs3A_627 = math.absf %sub3A_626 : vector<16xf32>
      %add3A_628 = arith.addf %add3A_608, %abs3A_627 : vector<16xf32>
      %add3A_629 = arith.constant 15 : i32
      %add3A_630 = vector.broadcast %add3A_629 : i32 to vector<16xi32>
      %add3A_631 = arith.addi %mul3A_327, %add3A_630 : vector<16xi32>
      %gather3A_632 = arith.constant 1 : i32
      %gather3A_633 = arith.constant 0 : i32
      %gather3A_634 = arith.constant 0 : i32
      %gather3A_635 = tpu.memref_slice %arg6[%gather3A_632, %gather3A_633, %gather3A_634] : memref<2x480x128xf32, #tpu.memory_space<vmem>> -> memref<1x480x128xf32, #tpu.memory_space<vmem>>
      %gather3A_636 = tpu.memref_squeeze %gather3A_635 : memref<1x480x128xf32, #tpu.memory_space<vmem>> -> memref<480x128xf32, #tpu.memory_space<vmem>>
      %gather3A_637 = tpu.vector_load_idx %gather3A_636[%add3A_631, %add3A_331] : memref<480x128xf32, #tpu.memory_space<vmem>>[vector<16xi32>, vector<16xi32>], vector<16xf32>,
      %mul3A_638 = arith.constant 16 : i32
      %mul3A_639 = arith.muli %scan3A_316, %mul3A_638 : i32
      %get3A_640 = arith.constant 1 : i32
      %get3A_641 = arith.constant 15 : i32
      %get3A_642 = arith.index_cast %get3A_640 : i32 to index
      %get3A_643 = arith.index_cast %get3A_641 : i32 to index
      %get3A_644 = arith.index_cast %mul3A_639 : i32 to index
      %get3A_645 = tpu.vector_load %arg7[%get3A_642, %get3A_643, %get3A_644] {strides = array<i32>} : memref<2x24x128xf32, #tpu.memory_space<vmem>>, vector<16xf32>,
      %sub3A_646 = arith.subf %gather3A_637, %get3A_645 : vector<16xf32>
      %abs3A_647 = math.absf %sub3A_646 : vector<16xf32>
      %add3A_648 = arith.addf %add3A_628, %abs3A_647 : vector<16xf32>
      %add3A_649 = arith.constant 16 : i32
      %add3A_650 = vector.broadcast %add3A_649 : i32 to vector<16xi32>
      %add3A_651 = arith.addi %mul3A_327, %add3A_650 : vector<16xi32>
      %gather3A_652 = arith.constant 1 : i32
      %gather3A_653 = arith.constant 0 : i32
      %gather3A_654 = arith.constant 0 : i32
      %gather3A_655 = tpu.memref_slice %arg6[%gather3A_652, %gather3A_653, %gather3A_654] : memref<2x480x128xf32, #tpu.memory_space<vmem>> -> memref<1x480x128xf32, #tpu.memory_space<vmem>>
      %gather3A_656 = tpu.memref_squeeze %gather3A_655 : memref<1x480x128xf32, #tpu.memory_space<vmem>> -> memref<480x128xf32, #tpu.memory_space<vmem>>
      %gather3A_657 = tpu.vector_load_idx %gather3A_656[%add3A_651, %add3A_331] : memref<480x128xf32, #tpu.memory_space<vmem>>[vector<16xi32>, vector<16xi32>], vector<16xf32>,
      %mul3A_658 = arith.constant 16 : i32
      %mul3A_659 = arith.muli %scan3A_316, %mul3A_658 : i32
      %get3A_660 = arith.constant 1 : i32
      %get3A_661 = arith.constant 16 : i32
      %get3A_662 = arith.index_cast %get3A_660 : i32 to index
      %get3A_663 = arith.index_cast %get3A_661 : i32 to index
      %get3A_664 = arith.index_cast %mul3A_659 : i32 to index
      %get3A_665 = tpu.vector_load %arg7[%get3A_662, %get3A_663, %get3A_664] {strides = array<i32>} : memref<2x24x128xf32, #tpu.memory_space<vmem>>, vector<16xf32>,
      %sub3A_666 = arith.subf %gather3A_657, %get3A_665 : vector<16xf32>
      %abs3A_667 = math.absf %sub3A_666 : vector<16xf32>
      %add3A_668 = arith.addf %add3A_648, %abs3A_667 : vector<16xf32>
      %add3A_669 = arith.constant 17 : i32
      %add3A_670 = vector.broadcast %add3A_669 : i32 to vector<16xi32>
      %add3A_671 = arith.addi %mul3A_327, %add3A_670 : vector<16xi32>
      %gather3A_672 = arith.constant 1 : i32
      %gather3A_673 = arith.constant 0 : i32
      %gather3A_674 = arith.constant 0 : i32
      %gather3A_675 = tpu.memref_slice %arg6[%gather3A_672, %gather3A_673, %gather3A_674] : memref<2x480x128xf32, #tpu.memory_space<vmem>> -> memref<1x480x128xf32, #tpu.memory_space<vmem>>
      %gather3A_676 = tpu.memref_squeeze %gather3A_675 : memref<1x480x128xf32, #tpu.memory_space<vmem>> -> memref<480x128xf32, #tpu.memory_space<vmem>>
      %gather3A_677 = tpu.vector_load_idx %gather3A_676[%add3A_671, %add3A_331] : memref<480x128xf32, #tpu.memory_space<vmem>>[vector<16xi32>, vector<16xi32>], vector<16xf32>,
      %mul3A_678 = arith.constant 16 : i32
      %mul3A_679 = arith.muli %scan3A_316, %mul3A_678 : i32
      %get3A_680 = arith.constant 1 : i32
      %get3A_681 = arith.constant 17 : i32
      %get3A_682 = arith.index_cast %get3A_680 : i32 to index
      %get3A_683 = arith.index_cast %get3A_681 : i32 to index
      %get3A_684 = arith.index_cast %mul3A_679 : i32 to index
      %get3A_685 = tpu.vector_load %arg7[%get3A_682, %get3A_683, %get3A_684] {strides = array<i32>} : memref<2x24x128xf32, #tpu.memory_space<vmem>>, vector<16xf32>,
      %sub3A_686 = arith.subf %gather3A_677, %get3A_685 : vector<16xf32>
      %abs3A_687 = math.absf %sub3A_686 : vector<16xf32>
      %add3A_688 = arith.addf %add3A_668, %abs3A_687 : vector<16xf32>
      %add3A_689 = arith.constant 18 : i32
      %add3A_690 = vector.broadcast %add3A_689 : i32 to vector<16xi32>
      %add3A_691 = arith.addi %mul3A_327, %add3A_690 : vector<16xi32>
      %gather3A_692 = arith.constant 1 : i32
      %gather3A_693 = arith.constant 0 : i32
      %gather3A_694 = arith.constant 0 : i32
      %gather3A_695 = tpu.memref_slice %arg6[%gather3A_692, %gather3A_693, %gather3A_694] : memref<2x480x128xf32, #tpu.memory_space<vmem>> -> memref<1x480x128xf32, #tpu.memory_space<vmem>>
      %gather3A_696 = tpu.memref_squeeze %gather3A_695 : memref<1x480x128xf32, #tpu.memory_space<vmem>> -> memref<480x128xf32, #tpu.memory_space<vmem>>
      %gather3A_697 = tpu.vector_load_idx %gather3A_696[%add3A_691, %add3A_331] : memref<480x128xf32, #tpu.memory_space<vmem>>[vector<16xi32>, vector<16xi32>], vector<16xf32>,
      %mul3A_698 = arith.constant 16 : i32
      %mul3A_699 = arith.muli %scan3A_316, %mul3A_698 : i32
      %get3A_700 = arith.constant 1 : i32
      %get3A_701 = arith.constant 18 : i32
      %get3A_702 = arith.index_cast %get3A_700 : i32 to index
      %get3A_703 = arith.index_cast %get3A_701 : i32 to index
      %get3A_704 = arith.index_cast %mul3A_699 : i32 to index
      %get3A_705 = tpu.vector_load %arg7[%get3A_702, %get3A_703, %get3A_704] {strides = array<i32>} : memref<2x24x128xf32, #tpu.memory_space<vmem>>, vector<16xf32>,
      %sub3A_706 = arith.subf %gather3A_697, %get3A_705 : vector<16xf32>
      %abs3A_707 = math.absf %sub3A_706 : vector<16xf32>
      %add3A_708 = arith.addf %add3A_688, %abs3A_707 : vector<16xf32>
      %add3A_709 = arith.constant 19 : i32
      %add3A_710 = vector.broadcast %add3A_709 : i32 to vector<16xi32>
      %add3A_711 = arith.addi %mul3A_327, %add3A_710 : vector<16xi32>
      %gather3A_712 = arith.constant 1 : i32
      %gather3A_713 = arith.constant 0 : i32
      %gather3A_714 = arith.constant 0 : i32
      %gather3A_715 = tpu.memref_slice %arg6[%gather3A_712, %gather3A_713, %gather3A_714] : memref<2x480x128xf32, #tpu.memory_space<vmem>> -> memref<1x480x128xf32, #tpu.memory_space<vmem>>
      %gather3A_716 = tpu.memref_squeeze %gather3A_715 : memref<1x480x128xf32, #tpu.memory_space<vmem>> -> memref<480x128xf32, #tpu.memory_space<vmem>>
      %gather3A_717 = tpu.vector_load_idx %gather3A_716[%add3A_711, %add3A_331] : memref<480x128xf32, #tpu.memory_space<vmem>>[vector<16xi32>, vector<16xi32>], vector<16xf32>,
      %mul3A_718 = arith.constant 16 : i32
      %mul3A_719 = arith.muli %scan3A_316, %mul3A_718 : i32
      %get3A_720 = arith.constant 1 : i32
      %get3A_721 = arith.constant 19 : i32
      %get3A_722 = arith.index_cast %get3A_720 : i32 to index
      %get3A_723 = arith.index_cast %get3A_721 : i32 to index
      %get3A_724 = arith.index_cast %mul3A_719 : i32 to index
      %get3A_725 = tpu.vector_load %arg7[%get3A_722, %get3A_723, %get3A_724] {strides = array<i32>} : memref<2x24x128xf32, #tpu.memory_space<vmem>>, vector<16xf32>,
      %sub3A_726 = arith.subf %gather3A_717, %get3A_725 : vector<16xf32>
      %abs3A_727 = math.absf %sub3A_726 : vector<16xf32>
      %add3A_728 = arith.addf %add3A_708, %abs3A_727 : vector<16xf32>
      %add3A_729 = arith.constant 20 : i32
      %add3A_730 = vector.broadcast %add3A_729 : i32 to vector<16xi32>
      %add3A_731 = arith.addi %mul3A_327, %add3A_730 : vector<16xi32>
      %gather3A_732 = arith.constant 1 : i32
      %gather3A_733 = arith.constant 0 : i32
      %gather3A_734 = arith.constant 0 : i32
      %gather3A_735 = tpu.memref_slice %arg6[%gather3A_732, %gather3A_733, %gather3A_734] : memref<2x480x128xf32, #tpu.memory_space<vmem>> -> memref<1x480x128xf32, #tpu.memory_space<vmem>>
      %gather3A_736 = tpu.memref_squeeze %gather3A_735 : memref<1x480x128xf32, #tpu.memory_space<vmem>> -> memref<480x128xf32, #tpu.memory_space<vmem>>
      %gather3A_737 = tpu.vector_load_idx %gather3A_736[%add3A_731, %add3A_331] : memref<480x128xf32, #tpu.memory_space<vmem>>[vector<16xi32>, vector<16xi32>], vector<16xf32>,
      %mul3A_738 = arith.constant 16 : i32
      %mul3A_739 = arith.muli %scan3A_316, %mul3A_738 : i32
      %get3A_740 = arith.constant 1 : i32
      %get3A_741 = arith.constant 20 : i32
      %get3A_742 = arith.index_cast %get3A_740 : i32 to index
      %get3A_743 = arith.index_cast %get3A_741 : i32 to index
      %get3A_744 = arith.index_cast %mul3A_739 : i32 to index
      %get3A_745 = tpu.vector_load %arg7[%get3A_742, %get3A_743, %get3A_744] {strides = array<i32>} : memref<2x24x128xf32, #tpu.memory_space<vmem>>, vector<16xf32>,
      %sub3A_746 = arith.subf %gather3A_737, %get3A_745 : vector<16xf32>
      %abs3A_747 = math.absf %sub3A_746 : vector<16xf32>
      %add3A_748 = arith.addf %add3A_728, %abs3A_747 : vector<16xf32>
      %add3A_749 = arith.constant 21 : i32
      %add3A_750 = vector.broadcast %add3A_749 : i32 to vector<16xi32>
      %add3A_751 = arith.addi %mul3A_327, %add3A_750 : vector<16xi32>
      %gather3A_752 = arith.constant 1 : i32
      %gather3A_753 = arith.constant 0 : i32
      %gather3A_754 = arith.constant 0 : i32
      %gather3A_755 = tpu.memref_slice %arg6[%gather3A_752, %gather3A_753, %gather3A_754] : memref<2x480x128xf32, #tpu.memory_space<vmem>> -> memref<1x480x128xf32, #tpu.memory_space<vmem>>
      %gather3A_756 = tpu.memref_squeeze %gather3A_755 : memref<1x480x128xf32, #tpu.memory_space<vmem>> -> memref<480x128xf32, #tpu.memory_space<vmem>>
      %gather3A_757 = tpu.vector_load_idx %gather3A_756[%add3A_751, %add3A_331] : memref<480x128xf32, #tpu.memory_space<vmem>>[vector<16xi32>, vector<16xi32>], vector<16xf32>,
      %mul3A_758 = arith.constant 16 : i32
      %mul3A_759 = arith.muli %scan3A_316, %mul3A_758 : i32
      %get3A_760 = arith.constant 1 : i32
      %get3A_761 = arith.constant 21 : i32
      %get3A_762 = arith.index_cast %get3A_760 : i32 to index
      %get3A_763 = arith.index_cast %get3A_761 : i32 to index
      %get3A_764 = arith.index_cast %mul3A_759 : i32 to index
      %get3A_765 = tpu.vector_load %arg7[%get3A_762, %get3A_763, %get3A_764] {strides = array<i32>} : memref<2x24x128xf32, #tpu.memory_space<vmem>>, vector<16xf32>,
      %sub3A_766 = arith.subf %gather3A_757, %get3A_765 : vector<16xf32>
      %abs3A_767 = math.absf %sub3A_766 : vector<16xf32>
      %add3A_768 = arith.addf %add3A_748, %abs3A_767 : vector<16xf32>
      %add3A_769 = arith.constant 22 : i32
      %add3A_770 = vector.broadcast %add3A_769 : i32 to vector<16xi32>
      %add3A_771 = arith.addi %mul3A_327, %add3A_770 : vector<16xi32>
      %gather3A_772 = arith.constant 1 : i32
      %gather3A_773 = arith.constant 0 : i32
      %gather3A_774 = arith.constant 0 : i32
      %gather3A_775 = tpu.memref_slice %arg6[%gather3A_772, %gather3A_773, %gather3A_774] : memref<2x480x128xf32, #tpu.memory_space<vmem>> -> memref<1x480x128xf32, #tpu.memory_space<vmem>>
      %gather3A_776 = tpu.memref_squeeze %gather3A_775 : memref<1x480x128xf32, #tpu.memory_space<vmem>> -> memref<480x128xf32, #tpu.memory_space<vmem>>
      %gather3A_777 = tpu.vector_load_idx %gather3A_776[%add3A_771, %add3A_331] : memref<480x128xf32, #tpu.memory_space<vmem>>[vector<16xi32>, vector<16xi32>], vector<16xf32>,
      %mul3A_778 = arith.constant 16 : i32
      %mul3A_779 = arith.muli %scan3A_316, %mul3A_778 : i32
      %get3A_780 = arith.constant 1 : i32
      %get3A_781 = arith.constant 22 : i32
      %get3A_782 = arith.index_cast %get3A_780 : i32 to index
      %get3A_783 = arith.index_cast %get3A_781 : i32 to index
      %get3A_784 = arith.index_cast %mul3A_779 : i32 to index
      %get3A_785 = tpu.vector_load %arg7[%get3A_782, %get3A_783, %get3A_784] {strides = array<i32>} : memref<2x24x128xf32, #tpu.memory_space<vmem>>, vector<16xf32>,
      %sub3A_786 = arith.subf %gather3A_777, %get3A_785 : vector<16xf32>
      %abs3A_787 = math.absf %sub3A_786 : vector<16xf32>
      %add3A_788 = arith.addf %add3A_768, %abs3A_787 : vector<16xf32>
      %add3A_789 = arith.constant 23 : i32
      %add3A_790 = vector.broadcast %add3A_789 : i32 to vector<16xi32>
      %add3A_791 = arith.addi %mul3A_327, %add3A_790 : vector<16xi32>
      %gather3A_792 = arith.constant 1 : i32
      %gather3A_793 = arith.constant 0 : i32
      %gather3A_794 = arith.constant 0 : i32
      %gather3A_795 = tpu.memref_slice %arg6[%gather3A_792, %gather3A_793, %gather3A_794] : memref<2x480x128xf32, #tpu.memory_space<vmem>> -> memref<1x480x128xf32, #tpu.memory_space<vmem>>
      %gather3A_796 = tpu.memref_squeeze %gather3A_795 : memref<1x480x128xf32, #tpu.memory_space<vmem>> -> memref<480x128xf32, #tpu.memory_space<vmem>>
      %gather3A_797 = tpu.vector_load_idx %gather3A_796[%add3A_791, %add3A_331] : memref<480x128xf32, #tpu.memory_space<vmem>>[vector<16xi32>, vector<16xi32>], vector<16xf32>,
      %mul3A_798 = arith.constant 16 : i32
      %mul3A_799 = arith.muli %scan3A_316, %mul3A_798 : i32
      %get3A_800 = arith.constant 1 : i32
      %get3A_801 = arith.constant 23 : i32
      %get3A_802 = arith.index_cast %get3A_800 : i32 to index
      %get3A_803 = arith.index_cast %get3A_801 : i32 to index
      %get3A_804 = arith.index_cast %mul3A_799 : i32 to index
      %get3A_805 = tpu.vector_load %arg7[%get3A_802, %get3A_803, %get3A_804] {strides = array<i32>} : memref<2x24x128xf32, #tpu.memory_space<vmem>>, vector<16xf32>,
      %sub3A_806 = arith.subf %gather3A_797, %get3A_805 : vector<16xf32>
      %abs3A_807 = math.absf %sub3A_806 : vector<16xf32>
      %add3A_808 = arith.addf %add3A_788, %abs3A_807 : vector<16xf32>
      scf.yield %add3A_808 : vector<16xf32>
    }
    %scan3A_260 = arith.constant 8 : i32
    %dma_wait3A_261 = arith.constant 0 : i32
    %dma_wait3A_262 = arith.constant 0 : i32
    %dma_wait3A_263 = arith.constant 0 : i32
    %dma_wait3A_264 = arith.constant 0 : i32
    %dma_wait3A_265 = tpu.memref_slice %arg6[%dma_wait3A_261, %dma_wait3A_263, %dma_wait3A_264] : memref<2x480x128xf32, #tpu.memory_space<vmem>> -> memref<1x480x128xf32, #tpu.memory_space<vmem>>
    %dma_wait3A_266 = tpu.memref_squeeze %dma_wait3A_265 : memref<1x480x128xf32, #tpu.memory_space<vmem>> -> memref<480x128xf32, #tpu.memory_space<vmem>>
    %dma_wait3A_267 = arith.constant 0 : i32
    %dma_wait3A_268 = tpu.memref_slice %arg2[%dma_wait3A_267, %add3A_158] : memref<480x16384xf32, #tpu.memory_space<hbm>> -> memref<480x128xf32, #tpu.memory_space<hbm>>
    %dma_wait3A_269 = tpu.memref_slice %arg10[%dma_wait3A_262] : memref<2x!tpu.dma_semaphore, #tpu.memory_space<semaphore_mem>> -> memref<1x!tpu.dma_semaphore, #tpu.memory_space<semaphore_mem>>
    %dma_wait3A_270 = tpu.memref_squeeze %dma_wait3A_269 : memref<1x!tpu.dma_semaphore, #tpu.memory_space<semaphore_mem>> -> memref<!tpu.dma_semaphore, #tpu.memory_space<semaphore_mem>>
    %dma_wait3A_271 = arith.constant 0 : i32
    %dma_wait3A_272 = arith.constant 0 : i32
    %dma_wait3A_273 = tpu.memref_slice %arg6[%dma_wait3A_261, %dma_wait3A_271, %dma_wait3A_272] : memref<2x480x128xf32, #tpu.memory_space<vmem>> -> memref<1x480x128xf32, #tpu.memory_space<vmem>>
    %dma_wait3A_274 = tpu.memref_squeeze %dma_wait3A_273 : memref<1x480x128xf32, #tpu.memory_space<vmem>> -> memref<480x128xf32, #tpu.memory_space<vmem>>
    %dma_wait3A_275 = arith.constant 0 : i32
    %dma_wait3A_276 = tpu.memref_slice %arg2[%dma_wait3A_275, %add3A_158] : memref<480x16384xf32, #tpu.memory_space<hbm>> -> memref<480x128xf32, #tpu.memory_space<hbm>>
    tpu.wait_dma2 semaphore(%dma_wait3A_270 : memref<!tpu.dma_semaphore, #tpu.memory_space<semaphore_mem>>) src(%dma_wait3A_276 : memref<480x128xf32, #tpu.memory_space<hbm>>) dst(%dma_wait3A_274 : memref<480x128xf32, #tpu.memory_space<vmem>>)
    %dma_wait3A_277 = arith.constant 0 : i32
    %dma_wait3A_278 = arith.constant 0 : i32
    %dma_wait3A_279 = arith.constant 0 : i32
    %dma_wait3A_280 = arith.constant 0 : i32
    %dma_wait3A_281 = tpu.memref_slice %arg7[%dma_wait3A_277, %dma_wait3A_279, %dma_wait3A_280] : memref<2x24x128xf32, #tpu.memory_space<vmem>> -> memref<1x24x128xf32, #tpu.memory_space<vmem>>
    %dma_wait3A_282 = tpu.memref_squeeze %dma_wait3A_281 : memref<1x24x128xf32, #tpu.memory_space<vmem>> -> memref<24x128xf32, #tpu.memory_space<vmem>>
    %dma_wait3A_283 = arith.constant 0 : i32
    %dma_wait3A_284 = tpu.memref_slice %arg3[%dma_wait3A_283, %add3A_158] : memref<24x16384xf32, #tpu.memory_space<hbm>> -> memref<24x128xf32, #tpu.memory_space<hbm>>
    %dma_wait3A_285 = tpu.memref_slice %arg10[%dma_wait3A_278] : memref<2x!tpu.dma_semaphore, #tpu.memory_space<semaphore_mem>> -> memref<1x!tpu.dma_semaphore, #tpu.memory_space<semaphore_mem>>
    %dma_wait3A_286 = tpu.memref_squeeze %dma_wait3A_285 : memref<1x!tpu.dma_semaphore, #tpu.memory_space<semaphore_mem>> -> memref<!tpu.dma_semaphore, #tpu.memory_space<semaphore_mem>>
    %dma_wait3A_287 = arith.constant 0 : i32
    %dma_wait3A_288 = arith.constant 0 : i32
    %dma_wait3A_289 = tpu.memref_slice %arg7[%dma_wait3A_277, %dma_wait3A_287, %dma_wait3A_288] : memref<2x24x128xf32, #tpu.memory_space<vmem>> -> memref<1x24x128xf32, #tpu.memory_space<vmem>>
    %dma_wait3A_290 = tpu.memref_squeeze %dma_wait3A_289 : memref<1x24x128xf32, #tpu.memory_space<vmem>> -> memref<24x128xf32, #tpu.memory_space<vmem>>
    %dma_wait3A_291 = arith.constant 0 : i32
    %dma_wait3A_292 = tpu.memref_slice %arg3[%dma_wait3A_291, %add3A_158] : memref<24x16384xf32, #tpu.memory_space<hbm>> -> memref<24x128xf32, #tpu.memory_space<hbm>>
    tpu.wait_dma2 semaphore(%dma_wait3A_286 : memref<!tpu.dma_semaphore, #tpu.memory_space<semaphore_mem>>) src(%dma_wait3A_292 : memref<24x128xf32, #tpu.memory_space<hbm>>) dst(%dma_wait3A_290 : memref<24x128xf32, #tpu.memory_space<vmem>>)
    %dma_wait3A_293 = arith.constant 0 : i32
    %dma_wait3A_294 = arith.constant 0 : i32
    %dma_wait3A_295 = arith.constant 0 : i32
    %dma_wait3A_296 = arith.constant 0 : i32
    %dma_wait3A_297 = tpu.memref_slice %arg8[%dma_wait3A_293, %dma_wait3A_295, %dma_wait3A_296] : memref<2x1x128xi32, #tpu.memory_space<vmem>> -> memref<1x1x128xi32, #tpu.memory_space<vmem>>
    %dma_wait3A_298 = tpu.memref_squeeze %dma_wait3A_297 : memref<1x1x128xi32, #tpu.memory_space<vmem>> -> memref<1x128xi32, #tpu.memory_space<vmem>>
    %dma_wait3A_299 = arith.constant 0 : i32
    %dma_wait3A_300 = tpu.memref_slice %arg4[%dma_wait3A_299, %add3A_158] : memref<8x16384xi32, #tpu.memory_space<hbm>> -> memref<1x128xi32, #tpu.memory_space<hbm>>
    %dma_wait3A_301 = tpu.memref_slice %arg10[%dma_wait3A_294] : memref<2x!tpu.dma_semaphore, #tpu.memory_space<semaphore_mem>> -> memref<1x!tpu.dma_semaphore, #tpu.memory_space<semaphore_mem>>
    %dma_wait3A_302 = tpu.memref_squeeze %dma_wait3A_301 : memref<1x!tpu.dma_semaphore, #tpu.memory_space<semaphore_mem>> -> memref<!tpu.dma_semaphore, #tpu.memory_space<semaphore_mem>>
    %dma_wait3A_303 = arith.constant 0 : i32
    %dma_wait3A_304 = arith.constant 0 : i32
    %dma_wait3A_305 = tpu.memref_slice %arg8[%dma_wait3A_293, %dma_wait3A_303, %dma_wait3A_304] : memref<2x1x128xi32, #tpu.memory_space<vmem>> -> memref<1x1x128xi32, #tpu.memory_space<vmem>>
    %dma_wait3A_306 = tpu.memref_squeeze %dma_wait3A_305 : memref<1x1x128xi32, #tpu.memory_space<vmem>> -> memref<1x128xi32, #tpu.memory_space<vmem>>
    %dma_wait3A_307 = arith.constant 0 : i32
    %dma_wait3A_308 = tpu.memref_slice %arg4[%dma_wait3A_307, %add3A_158] : memref<8x16384xi32, #tpu.memory_space<hbm>> -> memref<1x128xi32, #tpu.memory_space<hbm>>
    tpu.wait_dma2 semaphore(%dma_wait3A_302 : memref<!tpu.dma_semaphore, #tpu.memory_space<semaphore_mem>>) src(%dma_wait3A_308 : memref<1x128xi32, #tpu.memory_space<hbm>>) dst(%dma_wait3A_306 : memref<1x128xi32, #tpu.memory_space<vmem>>)
    %scan3A_309 = arith.constant 0 : i32
    %scan3A_310 = arith.constant 8 : i32
    %scan3A_311 = arith.addi %scan3A_309, %scan3A_310 : i32
    %scan3A_312 = arith.constant 1 : i32
    %scan3A_313 = scf.for %scan3A_316 = %scan3A_309 to %scan3A_311 step %scan3A_312 iter_args(%scan3A_317 = %scan3A_259) -> (vector<16xf32>)  : i32 {
      %mul3A_318 = arith.constant 16 : i32
      %mul3A_319 = arith.muli %scan3A_316, %mul3A_318 : i32
      %get3A = arith.constant 0 : i32
      %get3A_320 = arith.constant 0 : i32
      %get3A_321 = arith.index_cast %get3A : i32 to index
      %get3A_322 = arith.index_cast %get3A_320 : i32 to index
      %get3A_323 = arith.index_cast %mul3A_319 : i32 to index
      %get3A_324 = tpu.vector_load %arg8[%get3A_321, %get3A_322, %get3A_323] {strides = array<i32>} : memref<2x1x128xi32, #tpu.memory_space<vmem>>, vector<16xi32>,
      %mul3A_325 = arith.constant 24 : i32
      %mul3A_326 = vector.broadcast %mul3A_325 : i32 to vector<16xi32>
      %mul3A_327 = arith.muli %get3A_324, %mul3A_326 : vector<16xi32>
      %mul3A_328 = arith.constant 16 : i32
      %mul3A_329 = arith.muli %scan3A_316, %mul3A_328 : i32
      %add3A_330 = vector.broadcast %mul3A_329 : i32 to vector<16xi32>
      %add3A_331 = arith.addi %iota3A, %add3A_330 : vector<16xi32>
      %add3A_332 = arith.constant 0 : i32
      %add3A_333 = vector.broadcast %add3A_332 : i32 to vector<16xi32>
      %add3A_334 = arith.addi %mul3A_327, %add3A_333 : vector<16xi32>
      %gather3A = arith.constant 0 : i32
      %gather3A_335 = arith.constant 0 : i32
      %gather3A_336 = arith.constant 0 : i32
      %gather3A_337 = tpu.memref_slice %arg6[%gather3A, %gather3A_335, %gather3A_336] : memref<2x480x128xf32, #tpu.memory_space<vmem>> -> memref<1x480x128xf32, #tpu.memory_space<vmem>>
      %gather3A_338 = tpu.memref_squeeze %gather3A_337 : memref<1x480x128xf32, #tpu.memory_space<vmem>> -> memref<480x128xf32, #tpu.memory_space<vmem>>
      %gather3A_339 = tpu.vector_load_idx %gather3A_338[%add3A_334, %add3A_331] : memref<480x128xf32, #tpu.memory_space<vmem>>[vector<16xi32>, vector<16xi32>], vector<16xf32>,
      %mul3A_340 = arith.constant 16 : i32
      %mul3A_341 = arith.muli %scan3A_316, %mul3A_340 : i32
      %get3A_342 = arith.constant 0 : i32
      %get3A_343 = arith.constant 0 : i32
      %get3A_344 = arith.index_cast %get3A_342 : i32 to index
      %get3A_345 = arith.index_cast %get3A_343 : i32 to index
      %get3A_346 = arith.index_cast %mul3A_341 : i32 to index
      %get3A_347 = tpu.vector_load %arg7[%get3A_344, %get3A_345, %get3A_346] {strides = array<i32>} : memref<2x24x128xf32, #tpu.memory_space<vmem>>, vector<16xf32>,
      %sub3A = arith.subf %gather3A_339, %get3A_347 : vector<16xf32>
      %abs3A = math.absf %sub3A : vector<16xf32>
      %add3A_348 = arith.addf %scan3A_317, %abs3A : vector<16xf32>
      %add3A_349 = arith.constant 1 : i32
      %add3A_350 = vector.broadcast %add3A_349 : i32 to vector<16xi32>
      %add3A_351 = arith.addi %mul3A_327, %add3A_350 : vector<16xi32>
      %gather3A_352 = arith.constant 0 : i32
      %gather3A_353 = arith.constant 0 : i32
      %gather3A_354 = arith.constant 0 : i32
      %gather3A_355 = tpu.memref_slice %arg6[%gather3A_352, %gather3A_353, %gather3A_354] : memref<2x480x128xf32, #tpu.memory_space<vmem>> -> memref<1x480x128xf32, #tpu.memory_space<vmem>>
      %gather3A_356 = tpu.memref_squeeze %gather3A_355 : memref<1x480x128xf32, #tpu.memory_space<vmem>> -> memref<480x128xf32, #tpu.memory_space<vmem>>
      %gather3A_357 = tpu.vector_load_idx %gather3A_356[%add3A_351, %add3A_331] : memref<480x128xf32, #tpu.memory_space<vmem>>[vector<16xi32>, vector<16xi32>], vector<16xf32>,
      %mul3A_358 = arith.constant 16 : i32
      %mul3A_359 = arith.muli %scan3A_316, %mul3A_358 : i32
      %get3A_360 = arith.constant 0 : i32
      %get3A_361 = arith.constant 1 : i32
      %get3A_362 = arith.index_cast %get3A_360 : i32 to index
      %get3A_363 = arith.index_cast %get3A_361 : i32 to index
      %get3A_364 = arith.index_cast %mul3A_359 : i32 to index
      %get3A_365 = tpu.vector_load %arg7[%get3A_362, %get3A_363, %get3A_364] {strides = array<i32>} : memref<2x24x128xf32, #tpu.memory_space<vmem>>, vector<16xf32>,
      %sub3A_366 = arith.subf %gather3A_357, %get3A_365 : vector<16xf32>
      %abs3A_367 = math.absf %sub3A_366 : vector<16xf32>
      %add3A_368 = arith.addf %add3A_348, %abs3A_367 : vector<16xf32>
      %add3A_369 = arith.constant 2 : i32
      %add3A_370 = vector.broadcast %add3A_369 : i32 to vector<16xi32>
      %add3A_371 = arith.addi %mul3A_327, %add3A_370 : vector<16xi32>
      %gather3A_372 = arith.constant 0 : i32
      %gather3A_373 = arith.constant 0 : i32
      %gather3A_374 = arith.constant 0 : i32
      %gather3A_375 = tpu.memref_slice %arg6[%gather3A_372, %gather3A_373, %gather3A_374] : memref<2x480x128xf32, #tpu.memory_space<vmem>> -> memref<1x480x128xf32, #tpu.memory_space<vmem>>
      %gather3A_376 = tpu.memref_squeeze %gather3A_375 : memref<1x480x128xf32, #tpu.memory_space<vmem>> -> memref<480x128xf32, #tpu.memory_space<vmem>>
      %gather3A_377 = tpu.vector_load_idx %gather3A_376[%add3A_371, %add3A_331] : memref<480x128xf32, #tpu.memory_space<vmem>>[vector<16xi32>, vector<16xi32>], vector<16xf32>,
      %mul3A_378 = arith.constant 16 : i32
      %mul3A_379 = arith.muli %scan3A_316, %mul3A_378 : i32
      %get3A_380 = arith.constant 0 : i32
      %get3A_381 = arith.constant 2 : i32
      %get3A_382 = arith.index_cast %get3A_380 : i32 to index
      %get3A_383 = arith.index_cast %get3A_381 : i32 to index
      %get3A_384 = arith.index_cast %mul3A_379 : i32 to index
      %get3A_385 = tpu.vector_load %arg7[%get3A_382, %get3A_383, %get3A_384] {strides = array<i32>} : memref<2x24x128xf32, #tpu.memory_space<vmem>>, vector<16xf32>,
      %sub3A_386 = arith.subf %gather3A_377, %get3A_385 : vector<16xf32>
      %abs3A_387 = math.absf %sub3A_386 : vector<16xf32>
      %add3A_388 = arith.addf %add3A_368, %abs3A_387 : vector<16xf32>
      %add3A_389 = arith.constant 3 : i32
      %add3A_390 = vector.broadcast %add3A_389 : i32 to vector<16xi32>
      %add3A_391 = arith.addi %mul3A_327, %add3A_390 : vector<16xi32>
      %gather3A_392 = arith.constant 0 : i32
      %gather3A_393 = arith.constant 0 : i32
      %gather3A_394 = arith.constant 0 : i32
      %gather3A_395 = tpu.memref_slice %arg6[%gather3A_392, %gather3A_393, %gather3A_394] : memref<2x480x128xf32, #tpu.memory_space<vmem>> -> memref<1x480x128xf32, #tpu.memory_space<vmem>>
      %gather3A_396 = tpu.memref_squeeze %gather3A_395 : memref<1x480x128xf32, #tpu.memory_space<vmem>> -> memref<480x128xf32, #tpu.memory_space<vmem>>
      %gather3A_397 = tpu.vector_load_idx %gather3A_396[%add3A_391, %add3A_331] : memref<480x128xf32, #tpu.memory_space<vmem>>[vector<16xi32>, vector<16xi32>], vector<16xf32>,
      %mul3A_398 = arith.constant 16 : i32
      %mul3A_399 = arith.muli %scan3A_316, %mul3A_398 : i32
      %get3A_400 = arith.constant 0 : i32
      %get3A_401 = arith.constant 3 : i32
      %get3A_402 = arith.index_cast %get3A_400 : i32 to index
      %get3A_403 = arith.index_cast %get3A_401 : i32 to index
      %get3A_404 = arith.index_cast %mul3A_399 : i32 to index
      %get3A_405 = tpu.vector_load %arg7[%get3A_402, %get3A_403, %get3A_404] {strides = array<i32>} : memref<2x24x128xf32, #tpu.memory_space<vmem>>, vector<16xf32>,
      %sub3A_406 = arith.subf %gather3A_397, %get3A_405 : vector<16xf32>
      %abs3A_407 = math.absf %sub3A_406 : vector<16xf32>
      %add3A_408 = arith.addf %add3A_388, %abs3A_407 : vector<16xf32>
      %add3A_409 = arith.constant 4 : i32
      %add3A_410 = vector.broadcast %add3A_409 : i32 to vector<16xi32>
      %add3A_411 = arith.addi %mul3A_327, %add3A_410 : vector<16xi32>
      %gather3A_412 = arith.constant 0 : i32
      %gather3A_413 = arith.constant 0 : i32
      %gather3A_414 = arith.constant 0 : i32
      %gather3A_415 = tpu.memref_slice %arg6[%gather3A_412, %gather3A_413, %gather3A_414] : memref<2x480x128xf32, #tpu.memory_space<vmem>> -> memref<1x480x128xf32, #tpu.memory_space<vmem>>
      %gather3A_416 = tpu.memref_squeeze %gather3A_415 : memref<1x480x128xf32, #tpu.memory_space<vmem>> -> memref<480x128xf32, #tpu.memory_space<vmem>>
      %gather3A_417 = tpu.vector_load_idx %gather3A_416[%add3A_411, %add3A_331] : memref<480x128xf32, #tpu.memory_space<vmem>>[vector<16xi32>, vector<16xi32>], vector<16xf32>,
      %mul3A_418 = arith.constant 16 : i32
      %mul3A_419 = arith.muli %scan3A_316, %mul3A_418 : i32
      %get3A_420 = arith.constant 0 : i32
      %get3A_421 = arith.constant 4 : i32
      %get3A_422 = arith.index_cast %get3A_420 : i32 to index
      %get3A_423 = arith.index_cast %get3A_421 : i32 to index
      %get3A_424 = arith.index_cast %mul3A_419 : i32 to index
      %get3A_425 = tpu.vector_load %arg7[%get3A_422, %get3A_423, %get3A_424] {strides = array<i32>} : memref<2x24x128xf32, #tpu.memory_space<vmem>>, vector<16xf32>,
      %sub3A_426 = arith.subf %gather3A_417, %get3A_425 : vector<16xf32>
      %abs3A_427 = math.absf %sub3A_426 : vector<16xf32>
      %add3A_428 = arith.addf %add3A_408, %abs3A_427 : vector<16xf32>
      %add3A_429 = arith.constant 5 : i32
      %add3A_430 = vector.broadcast %add3A_429 : i32 to vector<16xi32>
      %add3A_431 = arith.addi %mul3A_327, %add3A_430 : vector<16xi32>
      %gather3A_432 = arith.constant 0 : i32
      %gather3A_433 = arith.constant 0 : i32
      %gather3A_434 = arith.constant 0 : i32
      %gather3A_435 = tpu.memref_slice %arg6[%gather3A_432, %gather3A_433, %gather3A_434] : memref<2x480x128xf32, #tpu.memory_space<vmem>> -> memref<1x480x128xf32, #tpu.memory_space<vmem>>
      %gather3A_436 = tpu.memref_squeeze %gather3A_435 : memref<1x480x128xf32, #tpu.memory_space<vmem>> -> memref<480x128xf32, #tpu.memory_space<vmem>>
      %gather3A_437 = tpu.vector_load_idx %gather3A_436[%add3A_431, %add3A_331] : memref<480x128xf32, #tpu.memory_space<vmem>>[vector<16xi32>, vector<16xi32>], vector<16xf32>,
      %mul3A_438 = arith.constant 16 : i32
      %mul3A_439 = arith.muli %scan3A_316, %mul3A_438 : i32
      %get3A_440 = arith.constant 0 : i32
      %get3A_441 = arith.constant 5 : i32
      %get3A_442 = arith.index_cast %get3A_440 : i32 to index
      %get3A_443 = arith.index_cast %get3A_441 : i32 to index
      %get3A_444 = arith.index_cast %mul3A_439 : i32 to index
      %get3A_445 = tpu.vector_load %arg7[%get3A_442, %get3A_443, %get3A_444] {strides = array<i32>} : memref<2x24x128xf32, #tpu.memory_space<vmem>>, vector<16xf32>,
      %sub3A_446 = arith.subf %gather3A_437, %get3A_445 : vector<16xf32>
      %abs3A_447 = math.absf %sub3A_446 : vector<16xf32>
      %add3A_448 = arith.addf %add3A_428, %abs3A_447 : vector<16xf32>
      %add3A_449 = arith.constant 6 : i32
      %add3A_450 = vector.broadcast %add3A_449 : i32 to vector<16xi32>
      %add3A_451 = arith.addi %mul3A_327, %add3A_450 : vector<16xi32>
      %gather3A_452 = arith.constant 0 : i32
      %gather3A_453 = arith.constant 0 : i32
      %gather3A_454 = arith.constant 0 : i32
      %gather3A_455 = tpu.memref_slice %arg6[%gather3A_452, %gather3A_453, %gather3A_454] : memref<2x480x128xf32, #tpu.memory_space<vmem>> -> memref<1x480x128xf32, #tpu.memory_space<vmem>>
      %gather3A_456 = tpu.memref_squeeze %gather3A_455 : memref<1x480x128xf32, #tpu.memory_space<vmem>> -> memref<480x128xf32, #tpu.memory_space<vmem>>
      %gather3A_457 = tpu.vector_load_idx %gather3A_456[%add3A_451, %add3A_331] : memref<480x128xf32, #tpu.memory_space<vmem>>[vector<16xi32>, vector<16xi32>], vector<16xf32>,
      %mul3A_458 = arith.constant 16 : i32
      %mul3A_459 = arith.muli %scan3A_316, %mul3A_458 : i32
      %get3A_460 = arith.constant 0 : i32
      %get3A_461 = arith.constant 6 : i32
      %get3A_462 = arith.index_cast %get3A_460 : i32 to index
      %get3A_463 = arith.index_cast %get3A_461 : i32 to index
      %get3A_464 = arith.index_cast %mul3A_459 : i32 to index
      %get3A_465 = tpu.vector_load %arg7[%get3A_462, %get3A_463, %get3A_464] {strides = array<i32>} : memref<2x24x128xf32, #tpu.memory_space<vmem>>, vector<16xf32>,
      %sub3A_466 = arith.subf %gather3A_457, %get3A_465 : vector<16xf32>
      %abs3A_467 = math.absf %sub3A_466 : vector<16xf32>
      %add3A_468 = arith.addf %add3A_448, %abs3A_467 : vector<16xf32>
      %add3A_469 = arith.constant 7 : i32
      %add3A_470 = vector.broadcast %add3A_469 : i32 to vector<16xi32>
      %add3A_471 = arith.addi %mul3A_327, %add3A_470 : vector<16xi32>
      %gather3A_472 = arith.constant 0 : i32
      %gather3A_473 = arith.constant 0 : i32
      %gather3A_474 = arith.constant 0 : i32
      %gather3A_475 = tpu.memref_slice %arg6[%gather3A_472, %gather3A_473, %gather3A_474] : memref<2x480x128xf32, #tpu.memory_space<vmem>> -> memref<1x480x128xf32, #tpu.memory_space<vmem>>
      %gather3A_476 = tpu.memref_squeeze %gather3A_475 : memref<1x480x128xf32, #tpu.memory_space<vmem>> -> memref<480x128xf32, #tpu.memory_space<vmem>>
      %gather3A_477 = tpu.vector_load_idx %gather3A_476[%add3A_471, %add3A_331] : memref<480x128xf32, #tpu.memory_space<vmem>>[vector<16xi32>, vector<16xi32>], vector<16xf32>,
      %mul3A_478 = arith.constant 16 : i32
      %mul3A_479 = arith.muli %scan3A_316, %mul3A_478 : i32
      %get3A_480 = arith.constant 0 : i32
      %get3A_481 = arith.constant 7 : i32
      %get3A_482 = arith.index_cast %get3A_480 : i32 to index
      %get3A_483 = arith.index_cast %get3A_481 : i32 to index
      %get3A_484 = arith.index_cast %mul3A_479 : i32 to index
      %get3A_485 = tpu.vector_load %arg7[%get3A_482, %get3A_483, %get3A_484] {strides = array<i32>} : memref<2x24x128xf32, #tpu.memory_space<vmem>>, vector<16xf32>,
      %sub3A_486 = arith.subf %gather3A_477, %get3A_485 : vector<16xf32>
      %abs3A_487 = math.absf %sub3A_486 : vector<16xf32>
      %add3A_488 = arith.addf %add3A_468, %abs3A_487 : vector<16xf32>
      %add3A_489 = arith.constant 8 : i32
      %add3A_490 = vector.broadcast %add3A_489 : i32 to vector<16xi32>
      %add3A_491 = arith.addi %mul3A_327, %add3A_490 : vector<16xi32>
      %gather3A_492 = arith.constant 0 : i32
      %gather3A_493 = arith.constant 0 : i32
      %gather3A_494 = arith.constant 0 : i32
      %gather3A_495 = tpu.memref_slice %arg6[%gather3A_492, %gather3A_493, %gather3A_494] : memref<2x480x128xf32, #tpu.memory_space<vmem>> -> memref<1x480x128xf32, #tpu.memory_space<vmem>>
      %gather3A_496 = tpu.memref_squeeze %gather3A_495 : memref<1x480x128xf32, #tpu.memory_space<vmem>> -> memref<480x128xf32, #tpu.memory_space<vmem>>
      %gather3A_497 = tpu.vector_load_idx %gather3A_496[%add3A_491, %add3A_331] : memref<480x128xf32, #tpu.memory_space<vmem>>[vector<16xi32>, vector<16xi32>], vector<16xf32>,
      %mul3A_498 = arith.constant 16 : i32
      %mul3A_499 = arith.muli %scan3A_316, %mul3A_498 : i32
      %get3A_500 = arith.constant 0 : i32
      %get3A_501 = arith.constant 8 : i32
      %get3A_502 = arith.index_cast %get3A_500 : i32 to index
      %get3A_503 = arith.index_cast %get3A_501 : i32 to index
      %get3A_504 = arith.index_cast %mul3A_499 : i32 to index
      %get3A_505 = tpu.vector_load %arg7[%get3A_502, %get3A_503, %get3A_504] {strides = array<i32>} : memref<2x24x128xf32, #tpu.memory_space<vmem>>, vector<16xf32>,
      %sub3A_506 = arith.subf %gather3A_497, %get3A_505 : vector<16xf32>
      %abs3A_507 = math.absf %sub3A_506 : vector<16xf32>
      %add3A_508 = arith.addf %add3A_488, %abs3A_507 : vector<16xf32>
      %add3A_509 = arith.constant 9 : i32
      %add3A_510 = vector.broadcast %add3A_509 : i32 to vector<16xi32>
      %add3A_511 = arith.addi %mul3A_327, %add3A_510 : vector<16xi32>
      %gather3A_512 = arith.constant 0 : i32
      %gather3A_513 = arith.constant 0 : i32
      %gather3A_514 = arith.constant 0 : i32
      %gather3A_515 = tpu.memref_slice %arg6[%gather3A_512, %gather3A_513, %gather3A_514] : memref<2x480x128xf32, #tpu.memory_space<vmem>> -> memref<1x480x128xf32, #tpu.memory_space<vmem>>
      %gather3A_516 = tpu.memref_squeeze %gather3A_515 : memref<1x480x128xf32, #tpu.memory_space<vmem>> -> memref<480x128xf32, #tpu.memory_space<vmem>>
      %gather3A_517 = tpu.vector_load_idx %gather3A_516[%add3A_511, %add3A_331] : memref<480x128xf32, #tpu.memory_space<vmem>>[vector<16xi32>, vector<16xi32>], vector<16xf32>,
      %mul3A_518 = arith.constant 16 : i32
      %mul3A_519 = arith.muli %scan3A_316, %mul3A_518 : i32
      %get3A_520 = arith.constant 0 : i32
      %get3A_521 = arith.constant 9 : i32
      %get3A_522 = arith.index_cast %get3A_520 : i32 to index
      %get3A_523 = arith.index_cast %get3A_521 : i32 to index
      %get3A_524 = arith.index_cast %mul3A_519 : i32 to index
      %get3A_525 = tpu.vector_load %arg7[%get3A_522, %get3A_523, %get3A_524] {strides = array<i32>} : memref<2x24x128xf32, #tpu.memory_space<vmem>>, vector<16xf32>,
      %sub3A_526 = arith.subf %gather3A_517, %get3A_525 : vector<16xf32>
      %abs3A_527 = math.absf %sub3A_526 : vector<16xf32>
      %add3A_528 = arith.addf %add3A_508, %abs3A_527 : vector<16xf32>
      %add3A_529 = arith.constant 10 : i32
      %add3A_530 = vector.broadcast %add3A_529 : i32 to vector<16xi32>
      %add3A_531 = arith.addi %mul3A_327, %add3A_530 : vector<16xi32>
      %gather3A_532 = arith.constant 0 : i32
      %gather3A_533 = arith.constant 0 : i32
      %gather3A_534 = arith.constant 0 : i32
      %gather3A_535 = tpu.memref_slice %arg6[%gather3A_532, %gather3A_533, %gather3A_534] : memref<2x480x128xf32, #tpu.memory_space<vmem>> -> memref<1x480x128xf32, #tpu.memory_space<vmem>>
      %gather3A_536 = tpu.memref_squeeze %gather3A_535 : memref<1x480x128xf32, #tpu.memory_space<vmem>> -> memref<480x128xf32, #tpu.memory_space<vmem>>
      %gather3A_537 = tpu.vector_load_idx %gather3A_536[%add3A_531, %add3A_331] : memref<480x128xf32, #tpu.memory_space<vmem>>[vector<16xi32>, vector<16xi32>], vector<16xf32>,
      %mul3A_538 = arith.constant 16 : i32
      %mul3A_539 = arith.muli %scan3A_316, %mul3A_538 : i32
      %get3A_540 = arith.constant 0 : i32
      %get3A_541 = arith.constant 10 : i32
      %get3A_542 = arith.index_cast %get3A_540 : i32 to index
      %get3A_543 = arith.index_cast %get3A_541 : i32 to index
      %get3A_544 = arith.index_cast %mul3A_539 : i32 to index
      %get3A_545 = tpu.vector_load %arg7[%get3A_542, %get3A_543, %get3A_544] {strides = array<i32>} : memref<2x24x128xf32, #tpu.memory_space<vmem>>, vector<16xf32>,
      %sub3A_546 = arith.subf %gather3A_537, %get3A_545 : vector<16xf32>
      %abs3A_547 = math.absf %sub3A_546 : vector<16xf32>
      %add3A_548 = arith.addf %add3A_528, %abs3A_547 : vector<16xf32>
      %add3A_549 = arith.constant 11 : i32
      %add3A_550 = vector.broadcast %add3A_549 : i32 to vector<16xi32>
      %add3A_551 = arith.addi %mul3A_327, %add3A_550 : vector<16xi32>
      %gather3A_552 = arith.constant 0 : i32
      %gather3A_553 = arith.constant 0 : i32
      %gather3A_554 = arith.constant 0 : i32
      %gather3A_555 = tpu.memref_slice %arg6[%gather3A_552, %gather3A_553, %gather3A_554] : memref<2x480x128xf32, #tpu.memory_space<vmem>> -> memref<1x480x128xf32, #tpu.memory_space<vmem>>
      %gather3A_556 = tpu.memref_squeeze %gather3A_555 : memref<1x480x128xf32, #tpu.memory_space<vmem>> -> memref<480x128xf32, #tpu.memory_space<vmem>>
      %gather3A_557 = tpu.vector_load_idx %gather3A_556[%add3A_551, %add3A_331] : memref<480x128xf32, #tpu.memory_space<vmem>>[vector<16xi32>, vector<16xi32>], vector<16xf32>,
      %mul3A_558 = arith.constant 16 : i32
      %mul3A_559 = arith.muli %scan3A_316, %mul3A_558 : i32
      %get3A_560 = arith.constant 0 : i32
      %get3A_561 = arith.constant 11 : i32
      %get3A_562 = arith.index_cast %get3A_560 : i32 to index
      %get3A_563 = arith.index_cast %get3A_561 : i32 to index
      %get3A_564 = arith.index_cast %mul3A_559 : i32 to index
      %get3A_565 = tpu.vector_load %arg7[%get3A_562, %get3A_563, %get3A_564] {strides = array<i32>} : memref<2x24x128xf32, #tpu.memory_space<vmem>>, vector<16xf32>,
      %sub3A_566 = arith.subf %gather3A_557, %get3A_565 : vector<16xf32>
      %abs3A_567 = math.absf %sub3A_566 : vector<16xf32>
      %add3A_568 = arith.addf %add3A_548, %abs3A_567 : vector<16xf32>
      %add3A_569 = arith.constant 12 : i32
      %add3A_570 = vector.broadcast %add3A_569 : i32 to vector<16xi32>
      %add3A_571 = arith.addi %mul3A_327, %add3A_570 : vector<16xi32>
      %gather3A_572 = arith.constant 0 : i32
      %gather3A_573 = arith.constant 0 : i32
      %gather3A_574 = arith.constant 0 : i32
      %gather3A_575 = tpu.memref_slice %arg6[%gather3A_572, %gather3A_573, %gather3A_574] : memref<2x480x128xf32, #tpu.memory_space<vmem>> -> memref<1x480x128xf32, #tpu.memory_space<vmem>>
      %gather3A_576 = tpu.memref_squeeze %gather3A_575 : memref<1x480x128xf32, #tpu.memory_space<vmem>> -> memref<480x128xf32, #tpu.memory_space<vmem>>
      %gather3A_577 = tpu.vector_load_idx %gather3A_576[%add3A_571, %add3A_331] : memref<480x128xf32, #tpu.memory_space<vmem>>[vector<16xi32>, vector<16xi32>], vector<16xf32>,
      %mul3A_578 = arith.constant 16 : i32
      %mul3A_579 = arith.muli %scan3A_316, %mul3A_578 : i32
      %get3A_580 = arith.constant 0 : i32
      %get3A_581 = arith.constant 12 : i32
      %get3A_582 = arith.index_cast %get3A_580 : i32 to index
      %get3A_583 = arith.index_cast %get3A_581 : i32 to index
      %get3A_584 = arith.index_cast %mul3A_579 : i32 to index
      %get3A_585 = tpu.vector_load %arg7[%get3A_582, %get3A_583, %get3A_584] {strides = array<i32>} : memref<2x24x128xf32, #tpu.memory_space<vmem>>, vector<16xf32>,
      %sub3A_586 = arith.subf %gather3A_577, %get3A_585 : vector<16xf32>
      %abs3A_587 = math.absf %sub3A_586 : vector<16xf32>
      %add3A_588 = arith.addf %add3A_568, %abs3A_587 : vector<16xf32>
      %add3A_589 = arith.constant 13 : i32
      %add3A_590 = vector.broadcast %add3A_589 : i32 to vector<16xi32>
      %add3A_591 = arith.addi %mul3A_327, %add3A_590 : vector<16xi32>
      %gather3A_592 = arith.constant 0 : i32
      %gather3A_593 = arith.constant 0 : i32
      %gather3A_594 = arith.constant 0 : i32
      %gather3A_595 = tpu.memref_slice %arg6[%gather3A_592, %gather3A_593, %gather3A_594] : memref<2x480x128xf32, #tpu.memory_space<vmem>> -> memref<1x480x128xf32, #tpu.memory_space<vmem>>
      %gather3A_596 = tpu.memref_squeeze %gather3A_595 : memref<1x480x128xf32, #tpu.memory_space<vmem>> -> memref<480x128xf32, #tpu.memory_space<vmem>>
      %gather3A_597 = tpu.vector_load_idx %gather3A_596[%add3A_591, %add3A_331] : memref<480x128xf32, #tpu.memory_space<vmem>>[vector<16xi32>, vector<16xi32>], vector<16xf32>,
      %mul3A_598 = arith.constant 16 : i32
      %mul3A_599 = arith.muli %scan3A_316, %mul3A_598 : i32
      %get3A_600 = arith.constant 0 : i32
      %get3A_601 = arith.constant 13 : i32
      %get3A_602 = arith.index_cast %get3A_600 : i32 to index
      %get3A_603 = arith.index_cast %get3A_601 : i32 to index
      %get3A_604 = arith.index_cast %mul3A_599 : i32 to index
      %get3A_605 = tpu.vector_load %arg7[%get3A_602, %get3A_603, %get3A_604] {strides = array<i32>} : memref<2x24x128xf32, #tpu.memory_space<vmem>>, vector<16xf32>,
      %sub3A_606 = arith.subf %gather3A_597, %get3A_605 : vector<16xf32>
      %abs3A_607 = math.absf %sub3A_606 : vector<16xf32>
      %add3A_608 = arith.addf %add3A_588, %abs3A_607 : vector<16xf32>
      %add3A_609 = arith.constant 14 : i32
      %add3A_610 = vector.broadcast %add3A_609 : i32 to vector<16xi32>
      %add3A_611 = arith.addi %mul3A_327, %add3A_610 : vector<16xi32>
      %gather3A_612 = arith.constant 0 : i32
      %gather3A_613 = arith.constant 0 : i32
      %gather3A_614 = arith.constant 0 : i32
      %gather3A_615 = tpu.memref_slice %arg6[%gather3A_612, %gather3A_613, %gather3A_614] : memref<2x480x128xf32, #tpu.memory_space<vmem>> -> memref<1x480x128xf32, #tpu.memory_space<vmem>>
      %gather3A_616 = tpu.memref_squeeze %gather3A_615 : memref<1x480x128xf32, #tpu.memory_space<vmem>> -> memref<480x128xf32, #tpu.memory_space<vmem>>
      %gather3A_617 = tpu.vector_load_idx %gather3A_616[%add3A_611, %add3A_331] : memref<480x128xf32, #tpu.memory_space<vmem>>[vector<16xi32>, vector<16xi32>], vector<16xf32>,
      %mul3A_618 = arith.constant 16 : i32
      %mul3A_619 = arith.muli %scan3A_316, %mul3A_618 : i32
      %get3A_620 = arith.constant 0 : i32
      %get3A_621 = arith.constant 14 : i32
      %get3A_622 = arith.index_cast %get3A_620 : i32 to index
      %get3A_623 = arith.index_cast %get3A_621 : i32 to index
      %get3A_624 = arith.index_cast %mul3A_619 : i32 to index
      %get3A_625 = tpu.vector_load %arg7[%get3A_622, %get3A_623, %get3A_624] {strides = array<i32>} : memref<2x24x128xf32, #tpu.memory_space<vmem>>, vector<16xf32>,
      %sub3A_626 = arith.subf %gather3A_617, %get3A_625 : vector<16xf32>
      %abs3A_627 = math.absf %sub3A_626 : vector<16xf32>
      %add3A_628 = arith.addf %add3A_608, %abs3A_627 : vector<16xf32>
      %add3A_629 = arith.constant 15 : i32
      %add3A_630 = vector.broadcast %add3A_629 : i32 to vector<16xi32>
      %add3A_631 = arith.addi %mul3A_327, %add3A_630 : vector<16xi32>
      %gather3A_632 = arith.constant 0 : i32
      %gather3A_633 = arith.constant 0 : i32
      %gather3A_634 = arith.constant 0 : i32
      %gather3A_635 = tpu.memref_slice %arg6[%gather3A_632, %gather3A_633, %gather3A_634] : memref<2x480x128xf32, #tpu.memory_space<vmem>> -> memref<1x480x128xf32, #tpu.memory_space<vmem>>
      %gather3A_636 = tpu.memref_squeeze %gather3A_635 : memref<1x480x128xf32, #tpu.memory_space<vmem>> -> memref<480x128xf32, #tpu.memory_space<vmem>>
      %gather3A_637 = tpu.vector_load_idx %gather3A_636[%add3A_631, %add3A_331] : memref<480x128xf32, #tpu.memory_space<vmem>>[vector<16xi32>, vector<16xi32>], vector<16xf32>,
      %mul3A_638 = arith.constant 16 : i32
      %mul3A_639 = arith.muli %scan3A_316, %mul3A_638 : i32
      %get3A_640 = arith.constant 0 : i32
      %get3A_641 = arith.constant 15 : i32
      %get3A_642 = arith.index_cast %get3A_640 : i32 to index
      %get3A_643 = arith.index_cast %get3A_641 : i32 to index
      %get3A_644 = arith.index_cast %mul3A_639 : i32 to index
      %get3A_645 = tpu.vector_load %arg7[%get3A_642, %get3A_643, %get3A_644] {strides = array<i32>} : memref<2x24x128xf32, #tpu.memory_space<vmem>>, vector<16xf32>,
      %sub3A_646 = arith.subf %gather3A_637, %get3A_645 : vector<16xf32>
      %abs3A_647 = math.absf %sub3A_646 : vector<16xf32>
      %add3A_648 = arith.addf %add3A_628, %abs3A_647 : vector<16xf32>
      %add3A_649 = arith.constant 16 : i32
      %add3A_650 = vector.broadcast %add3A_649 : i32 to vector<16xi32>
      %add3A_651 = arith.addi %mul3A_327, %add3A_650 : vector<16xi32>
      %gather3A_652 = arith.constant 0 : i32
      %gather3A_653 = arith.constant 0 : i32
      %gather3A_654 = arith.constant 0 : i32
      %gather3A_655 = tpu.memref_slice %arg6[%gather3A_652, %gather3A_653, %gather3A_654] : memref<2x480x128xf32, #tpu.memory_space<vmem>> -> memref<1x480x128xf32, #tpu.memory_space<vmem>>
      %gather3A_656 = tpu.memref_squeeze %gather3A_655 : memref<1x480x128xf32, #tpu.memory_space<vmem>> -> memref<480x128xf32, #tpu.memory_space<vmem>>
      %gather3A_657 = tpu.vector_load_idx %gather3A_656[%add3A_651, %add3A_331] : memref<480x128xf32, #tpu.memory_space<vmem>>[vector<16xi32>, vector<16xi32>], vector<16xf32>,
      %mul3A_658 = arith.constant 16 : i32
      %mul3A_659 = arith.muli %scan3A_316, %mul3A_658 : i32
      %get3A_660 = arith.constant 0 : i32
      %get3A_661 = arith.constant 16 : i32
      %get3A_662 = arith.index_cast %get3A_660 : i32 to index
      %get3A_663 = arith.index_cast %get3A_661 : i32 to index
      %get3A_664 = arith.index_cast %mul3A_659 : i32 to index
      %get3A_665 = tpu.vector_load %arg7[%get3A_662, %get3A_663, %get3A_664] {strides = array<i32>} : memref<2x24x128xf32, #tpu.memory_space<vmem>>, vector<16xf32>,
      %sub3A_666 = arith.subf %gather3A_657, %get3A_665 : vector<16xf32>
      %abs3A_667 = math.absf %sub3A_666 : vector<16xf32>
      %add3A_668 = arith.addf %add3A_648, %abs3A_667 : vector<16xf32>
      %add3A_669 = arith.constant 17 : i32
      %add3A_670 = vector.broadcast %add3A_669 : i32 to vector<16xi32>
      %add3A_671 = arith.addi %mul3A_327, %add3A_670 : vector<16xi32>
      %gather3A_672 = arith.constant 0 : i32
      %gather3A_673 = arith.constant 0 : i32
      %gather3A_674 = arith.constant 0 : i32
      %gather3A_675 = tpu.memref_slice %arg6[%gather3A_672, %gather3A_673, %gather3A_674] : memref<2x480x128xf32, #tpu.memory_space<vmem>> -> memref<1x480x128xf32, #tpu.memory_space<vmem>>
      %gather3A_676 = tpu.memref_squeeze %gather3A_675 : memref<1x480x128xf32, #tpu.memory_space<vmem>> -> memref<480x128xf32, #tpu.memory_space<vmem>>
      %gather3A_677 = tpu.vector_load_idx %gather3A_676[%add3A_671, %add3A_331] : memref<480x128xf32, #tpu.memory_space<vmem>>[vector<16xi32>, vector<16xi32>], vector<16xf32>,
      %mul3A_678 = arith.constant 16 : i32
      %mul3A_679 = arith.muli %scan3A_316, %mul3A_678 : i32
      %get3A_680 = arith.constant 0 : i32
      %get3A_681 = arith.constant 17 : i32
      %get3A_682 = arith.index_cast %get3A_680 : i32 to index
      %get3A_683 = arith.index_cast %get3A_681 : i32 to index
      %get3A_684 = arith.index_cast %mul3A_679 : i32 to index
      %get3A_685 = tpu.vector_load %arg7[%get3A_682, %get3A_683, %get3A_684] {strides = array<i32>} : memref<2x24x128xf32, #tpu.memory_space<vmem>>, vector<16xf32>,
      %sub3A_686 = arith.subf %gather3A_677, %get3A_685 : vector<16xf32>
      %abs3A_687 = math.absf %sub3A_686 : vector<16xf32>
      %add3A_688 = arith.addf %add3A_668, %abs3A_687 : vector<16xf32>
      %add3A_689 = arith.constant 18 : i32
      %add3A_690 = vector.broadcast %add3A_689 : i32 to vector<16xi32>
      %add3A_691 = arith.addi %mul3A_327, %add3A_690 : vector<16xi32>
      %gather3A_692 = arith.constant 0 : i32
      %gather3A_693 = arith.constant 0 : i32
      %gather3A_694 = arith.constant 0 : i32
      %gather3A_695 = tpu.memref_slice %arg6[%gather3A_692, %gather3A_693, %gather3A_694] : memref<2x480x128xf32, #tpu.memory_space<vmem>> -> memref<1x480x128xf32, #tpu.memory_space<vmem>>
      %gather3A_696 = tpu.memref_squeeze %gather3A_695 : memref<1x480x128xf32, #tpu.memory_space<vmem>> -> memref<480x128xf32, #tpu.memory_space<vmem>>
      %gather3A_697 = tpu.vector_load_idx %gather3A_696[%add3A_691, %add3A_331] : memref<480x128xf32, #tpu.memory_space<vmem>>[vector<16xi32>, vector<16xi32>], vector<16xf32>,
      %mul3A_698 = arith.constant 16 : i32
      %mul3A_699 = arith.muli %scan3A_316, %mul3A_698 : i32
      %get3A_700 = arith.constant 0 : i32
      %get3A_701 = arith.constant 18 : i32
      %get3A_702 = arith.index_cast %get3A_700 : i32 to index
      %get3A_703 = arith.index_cast %get3A_701 : i32 to index
      %get3A_704 = arith.index_cast %mul3A_699 : i32 to index
      %get3A_705 = tpu.vector_load %arg7[%get3A_702, %get3A_703, %get3A_704] {strides = array<i32>} : memref<2x24x128xf32, #tpu.memory_space<vmem>>, vector<16xf32>,
      %sub3A_706 = arith.subf %gather3A_697, %get3A_705 : vector<16xf32>
      %abs3A_707 = math.absf %sub3A_706 : vector<16xf32>
      %add3A_708 = arith.addf %add3A_688, %abs3A_707 : vector<16xf32>
      %add3A_709 = arith.constant 19 : i32
      %add3A_710 = vector.broadcast %add3A_709 : i32 to vector<16xi32>
      %add3A_711 = arith.addi %mul3A_327, %add3A_710 : vector<16xi32>
      %gather3A_712 = arith.constant 0 : i32
      %gather3A_713 = arith.constant 0 : i32
      %gather3A_714 = arith.constant 0 : i32
      %gather3A_715 = tpu.memref_slice %arg6[%gather3A_712, %gather3A_713, %gather3A_714] : memref<2x480x128xf32, #tpu.memory_space<vmem>> -> memref<1x480x128xf32, #tpu.memory_space<vmem>>
      %gather3A_716 = tpu.memref_squeeze %gather3A_715 : memref<1x480x128xf32, #tpu.memory_space<vmem>> -> memref<480x128xf32, #tpu.memory_space<vmem>>
      %gather3A_717 = tpu.vector_load_idx %gather3A_716[%add3A_711, %add3A_331] : memref<480x128xf32, #tpu.memory_space<vmem>>[vector<16xi32>, vector<16xi32>], vector<16xf32>,
      %mul3A_718 = arith.constant 16 : i32
      %mul3A_719 = arith.muli %scan3A_316, %mul3A_718 : i32
      %get3A_720 = arith.constant 0 : i32
      %get3A_721 = arith.constant 19 : i32
      %get3A_722 = arith.index_cast %get3A_720 : i32 to index
      %get3A_723 = arith.index_cast %get3A_721 : i32 to index
      %get3A_724 = arith.index_cast %mul3A_719 : i32 to index
      %get3A_725 = tpu.vector_load %arg7[%get3A_722, %get3A_723, %get3A_724] {strides = array<i32>} : memref<2x24x128xf32, #tpu.memory_space<vmem>>, vector<16xf32>,
      %sub3A_726 = arith.subf %gather3A_717, %get3A_725 : vector<16xf32>
      %abs3A_727 = math.absf %sub3A_726 : vector<16xf32>
      %add3A_728 = arith.addf %add3A_708, %abs3A_727 : vector<16xf32>
      %add3A_729 = arith.constant 20 : i32
      %add3A_730 = vector.broadcast %add3A_729 : i32 to vector<16xi32>
      %add3A_731 = arith.addi %mul3A_327, %add3A_730 : vector<16xi32>
      %gather3A_732 = arith.constant 0 : i32
      %gather3A_733 = arith.constant 0 : i32
      %gather3A_734 = arith.constant 0 : i32
      %gather3A_735 = tpu.memref_slice %arg6[%gather3A_732, %gather3A_733, %gather3A_734] : memref<2x480x128xf32, #tpu.memory_space<vmem>> -> memref<1x480x128xf32, #tpu.memory_space<vmem>>
      %gather3A_736 = tpu.memref_squeeze %gather3A_735 : memref<1x480x128xf32, #tpu.memory_space<vmem>> -> memref<480x128xf32, #tpu.memory_space<vmem>>
      %gather3A_737 = tpu.vector_load_idx %gather3A_736[%add3A_731, %add3A_331] : memref<480x128xf32, #tpu.memory_space<vmem>>[vector<16xi32>, vector<16xi32>], vector<16xf32>,
      %mul3A_738 = arith.constant 16 : i32
      %mul3A_739 = arith.muli %scan3A_316, %mul3A_738 : i32
      %get3A_740 = arith.constant 0 : i32
      %get3A_741 = arith.constant 20 : i32
      %get3A_742 = arith.index_cast %get3A_740 : i32 to index
      %get3A_743 = arith.index_cast %get3A_741 : i32 to index
      %get3A_744 = arith.index_cast %mul3A_739 : i32 to index
      %get3A_745 = tpu.vector_load %arg7[%get3A_742, %get3A_743, %get3A_744] {strides = array<i32>} : memref<2x24x128xf32, #tpu.memory_space<vmem>>, vector<16xf32>,
      %sub3A_746 = arith.subf %gather3A_737, %get3A_745 : vector<16xf32>
      %abs3A_747 = math.absf %sub3A_746 : vector<16xf32>
      %add3A_748 = arith.addf %add3A_728, %abs3A_747 : vector<16xf32>
      %add3A_749 = arith.constant 21 : i32
      %add3A_750 = vector.broadcast %add3A_749 : i32 to vector<16xi32>
      %add3A_751 = arith.addi %mul3A_327, %add3A_750 : vector<16xi32>
      %gather3A_752 = arith.constant 0 : i32
      %gather3A_753 = arith.constant 0 : i32
      %gather3A_754 = arith.constant 0 : i32
      %gather3A_755 = tpu.memref_slice %arg6[%gather3A_752, %gather3A_753, %gather3A_754] : memref<2x480x128xf32, #tpu.memory_space<vmem>> -> memref<1x480x128xf32, #tpu.memory_space<vmem>>
      %gather3A_756 = tpu.memref_squeeze %gather3A_755 : memref<1x480x128xf32, #tpu.memory_space<vmem>> -> memref<480x128xf32, #tpu.memory_space<vmem>>
      %gather3A_757 = tpu.vector_load_idx %gather3A_756[%add3A_751, %add3A_331] : memref<480x128xf32, #tpu.memory_space<vmem>>[vector<16xi32>, vector<16xi32>], vector<16xf32>,
      %mul3A_758 = arith.constant 16 : i32
      %mul3A_759 = arith.muli %scan3A_316, %mul3A_758 : i32
      %get3A_760 = arith.constant 0 : i32
      %get3A_761 = arith.constant 21 : i32
      %get3A_762 = arith.index_cast %get3A_760 : i32 to index
      %get3A_763 = arith.index_cast %get3A_761 : i32 to index
      %get3A_764 = arith.index_cast %mul3A_759 : i32 to index
      %get3A_765 = tpu.vector_load %arg7[%get3A_762, %get3A_763, %get3A_764] {strides = array<i32>} : memref<2x24x128xf32, #tpu.memory_space<vmem>>, vector<16xf32>,
      %sub3A_766 = arith.subf %gather3A_757, %get3A_765 : vector<16xf32>
      %abs3A_767 = math.absf %sub3A_766 : vector<16xf32>
      %add3A_768 = arith.addf %add3A_748, %abs3A_767 : vector<16xf32>
      %add3A_769 = arith.constant 22 : i32
      %add3A_770 = vector.broadcast %add3A_769 : i32 to vector<16xi32>
      %add3A_771 = arith.addi %mul3A_327, %add3A_770 : vector<16xi32>
      %gather3A_772 = arith.constant 0 : i32
      %gather3A_773 = arith.constant 0 : i32
      %gather3A_774 = arith.constant 0 : i32
      %gather3A_775 = tpu.memref_slice %arg6[%gather3A_772, %gather3A_773, %gather3A_774] : memref<2x480x128xf32, #tpu.memory_space<vmem>> -> memref<1x480x128xf32, #tpu.memory_space<vmem>>
      %gather3A_776 = tpu.memref_squeeze %gather3A_775 : memref<1x480x128xf32, #tpu.memory_space<vmem>> -> memref<480x128xf32, #tpu.memory_space<vmem>>
      %gather3A_777 = tpu.vector_load_idx %gather3A_776[%add3A_771, %add3A_331] : memref<480x128xf32, #tpu.memory_space<vmem>>[vector<16xi32>, vector<16xi32>], vector<16xf32>,
      %mul3A_778 = arith.constant 16 : i32
      %mul3A_779 = arith.muli %scan3A_316, %mul3A_778 : i32
      %get3A_780 = arith.constant 0 : i32
      %get3A_781 = arith.constant 22 : i32
      %get3A_782 = arith.index_cast %get3A_780 : i32 to index
      %get3A_783 = arith.index_cast %get3A_781 : i32 to index
      %get3A_784 = arith.index_cast %mul3A_779 : i32 to index
      %get3A_785 = tpu.vector_load %arg7[%get3A_782, %get3A_783, %get3A_784] {strides = array<i32>} : memref<2x24x128xf32, #tpu.memory_space<vmem>>, vector<16xf32>,
      %sub3A_786 = arith.subf %gather3A_777, %get3A_785 : vector<16xf32>
      %abs3A_787 = math.absf %sub3A_786 : vector<16xf32>
      %add3A_788 = arith.addf %add3A_768, %abs3A_787 : vector<16xf32>
      %add3A_789 = arith.constant 23 : i32
      %add3A_790 = vector.broadcast %add3A_789 : i32 to vector<16xi32>
      %add3A_791 = arith.addi %mul3A_327, %add3A_790 : vector<16xi32>
      %gather3A_792 = arith.constant 0 : i32
      %gather3A_793 = arith.constant 0 : i32
      %gather3A_794 = arith.constant 0 : i32
      %gather3A_795 = tpu.memref_slice %arg6[%gather3A_792, %gather3A_793, %gather3A_794] : memref<2x480x128xf32, #tpu.memory_space<vmem>> -> memref<1x480x128xf32, #tpu.memory_space<vmem>>
      %gather3A_796 = tpu.memref_squeeze %gather3A_795 : memref<1x480x128xf32, #tpu.memory_space<vmem>> -> memref<480x128xf32, #tpu.memory_space<vmem>>
      %gather3A_797 = tpu.vector_load_idx %gather3A_796[%add3A_791, %add3A_331] : memref<480x128xf32, #tpu.memory_space<vmem>>[vector<16xi32>, vector<16xi32>], vector<16xf32>,
      %mul3A_798 = arith.constant 16 : i32
      %mul3A_799 = arith.muli %scan3A_316, %mul3A_798 : i32
      %get3A_800 = arith.constant 0 : i32
      %get3A_801 = arith.constant 23 : i32
      %get3A_802 = arith.index_cast %get3A_800 : i32 to index
      %get3A_803 = arith.index_cast %get3A_801 : i32 to index
      %get3A_804 = arith.index_cast %mul3A_799 : i32 to index
      %get3A_805 = tpu.vector_load %arg7[%get3A_802, %get3A_803, %get3A_804] {strides = array<i32>} : memref<2x24x128xf32, #tpu.memory_space<vmem>>, vector<16xf32>,
      %sub3A_806 = arith.subf %gather3A_797, %get3A_805 : vector<16xf32>
      %abs3A_807 = math.absf %sub3A_806 : vector<16xf32>
      %add3A_808 = arith.addf %add3A_788, %abs3A_807 : vector<16xf32>
      scf.yield %add3A_808 : vector<16xf32>
    }
    %scan3A_314 = arith.constant 8 : i32
    %swap3A = arith.constant 0 : index
    %swap3A_315 = tpu.vector_load %arg9[%swap3A] {strides = array<i32>} : memref<16xf32, #tpu.memory_space<vmem>>, vector<16xf32>,
    tpu.vector_store %arg9[%swap3A], %scan3A_313 {strides = array<i32>} : memref<16xf32, #tpu.memory_space<vmem>>, vector<16xf32>,
    "tpu.region"() ({
      %run_scoped3A = tpu.sem_alloc : memref<!tpu.dma_semaphore, #tpu.memory_space<semaphore_mem>>
      %dma_start3A_316 = arith.constant 0 : i32
      %dma_start3A_317 = tpu.memref_slice %arg5[%add3A, %dma_start3A_316] : memref<32x16xf32, #tpu.memory_space<hbm>> -> memref<1x16xf32, #tpu.memory_space<hbm>>
      %dma_start3A_318 = tpu.memref_squeeze %dma_start3A_317 : memref<1x16xf32, #tpu.memory_space<hbm>> -> memref<16xf32, #tpu.memory_space<hbm>>
      %dma_start3A_319 = arith.constant 0 : i32
      %dma_start3A_320 = tpu.memref_slice %arg5[%add3A, %dma_start3A_319] : memref<32x16xf32, #tpu.memory_space<hbm>> -> memref<1x16xf32, #tpu.memory_space<hbm>>
      %dma_start3A_321 = tpu.memref_squeeze %dma_start3A_320 : memref<1x16xf32, #tpu.memory_space<hbm>> -> memref<16xf32, #tpu.memory_space<hbm>>
      tpu.enqueue_dma source(%arg9 : memref<16xf32, #tpu.memory_space<vmem>>) target(%dma_start3A_321 : memref<16xf32, #tpu.memory_space<hbm>>) target_semaphore(%run_scoped3A : memref<!tpu.dma_semaphore, #tpu.memory_space<semaphore_mem>>)
      %dma_wait3A_322 = arith.constant 0 : i32
      %dma_wait3A_323 = tpu.memref_slice %arg5[%add3A, %dma_wait3A_322] : memref<32x16xf32, #tpu.memory_space<hbm>> -> memref<1x16xf32, #tpu.memory_space<hbm>>
      %dma_wait3A_324 = tpu.memref_squeeze %dma_wait3A_323 : memref<1x16xf32, #tpu.memory_space<hbm>> -> memref<16xf32, #tpu.memory_space<hbm>>
      %dma_wait3A_325 = arith.constant 0 : i32
      %dma_wait3A_326 = tpu.memref_slice %arg5[%add3A, %dma_wait3A_325] : memref<32x16xf32, #tpu.memory_space<hbm>> -> memref<1x16xf32, #tpu.memory_space<hbm>>
      %dma_wait3A_327 = tpu.memref_squeeze %dma_wait3A_326 : memref<1x16xf32, #tpu.memory_space<hbm>> -> memref<16xf32, #tpu.memory_space<hbm>>
      tpu.wait_dma2 semaphore(%run_scoped3A : memref<!tpu.dma_semaphore, #tpu.memory_space<semaphore_mem>>) src(%arg9 : memref<16xf32, #tpu.memory_space<vmem>>) dst(%dma_wait3A_327 : memref<16xf32, #tpu.memory_space<hbm>>)
      tpu.yield
    }) : () -> ()
    return
  }
}

module attributes {stable_mosaic.version = 14 : i64} {
  func.func @_k3b_body(%arg0: i32, %arg1: memref<480x2048xf32, #tpu.memory_space<vmem>>, %arg2: memref<24x2048xf32, #tpu.memory_space<vmem>>, %arg3: memref<8x2048xi32, #tpu.memory_space<vmem>>, %arg4: memref<1x1xf32, #tpu.memory_space<vmem>>) attributes {dimension_semantics = [#tpu.dimension_semantics<arbitrary>], iteration_bounds = array<i64: 2>, scalar_prefetch = 0 : i64, scratch_operands = 0 : i64, tpu.core_type = #tpu.core_type<tc>, window_params = [{transform_indices = @transform_0, window_bounds = array<i64: 480, 2048>}, {transform_indices = @transform_1, window_bounds = array<i64: 24, 2048>}, {transform_indices = @transform_2, window_bounds = array<i64: 8, 2048>}, {pipeline_mode = #tpu.pipeline_mode<synchronous>, transform_indices = @transform_3, window_bounds = array<i64: 1, 1>}]} {
    %eq3A = arith.constant 0 : i32
    %eq3A_0 = arith.cmpi eq, %arg0, %eq3A : i32
    %convert_element_type3A = arith.extui %eq3A_0 : i1 to i32
    %cond3A = arith.constant 0 : i32
    %cond3A_1 = arith.cmpi ne, %convert_element_type3A, %cond3A : i32
    scf.if %cond3A_1 {
      %broadcast_in_dim3A_313 = arith.constant 0.000000e+00 : f32
      %broadcast_in_dim3A_314 = vector.broadcast %broadcast_in_dim3A_313 : f32 to vector<1x1xf32>
      %swap3A_315 = arith.constant 0 : index
      %swap3A_316 = arith.constant 0 : index
      %swap3A_317 = vector.load %arg4[%swap3A_315, %swap3A_316] : memref<1x1xf32, #tpu.memory_space<vmem>>, vector<1x1xf32>
      tpu.vector_store %arg4[%swap3A_315, %swap3A_316], %broadcast_in_dim3A_314 {strides = array<i32>} : memref<1x1xf32, #tpu.memory_space<vmem>>, vector<1x1xf32>,
    } else {
    }
    %get3A = arith.constant 0 : index
    %get3A_2 = arith.constant 0 : index
    %get3A_3 = vector.load %arg2[%get3A, %get3A_2] : memref<24x2048xf32, #tpu.memory_space<vmem>>, vector<24x2048xf32>
    %get3A_4 = arith.constant 0 : index
    %get3A_5 = arith.constant 0 : index
    %get3A_6 = vector.load %arg3[%get3A_4, %get3A_5] : memref<8x2048xi32, #tpu.memory_space<vmem>>, vector<1x2048xi32>
    %broadcast_in_dim3A = arith.constant 0.000000e+00 : f32
    %broadcast_in_dim3A_7 = vector.broadcast %broadcast_in_dim3A : f32 to vector<1x2048xf32>
    %get3A_8 = arith.constant 0 : index
    %get3A_9 = arith.constant 0 : index
    %get3A_10 = vector.load %arg1[%get3A_8, %get3A_9] : memref<480x2048xf32, #tpu.memory_space<vmem>>, vector<24x2048xf32>
    %sub3A = arith.subf %get3A_10, %get3A_3 : vector<24x2048xf32>
    %abs3A = math.absf %sub3A : vector<24x2048xf32>
    %reduce_sum3A = arith.constant dense<0.000000e+00> : vector<2048xf32>
    %reduce_sum3A_11 = vector.multi_reduction <add>, %abs3A, %reduce_sum3A [0] : vector<24x2048xf32> to vector<2048xf32>
    %broadcast_in_dim3A_12 = vector.shape_cast %reduce_sum3A_11 : vector<2048xf32> to vector<1x2048xf32>
    %eq3A_13 = arith.constant 0 : i32
    %eq3A_14 = vector.broadcast %eq3A_13 : i32 to vector<1x2048xi32>
    %eq3A_15 = arith.cmpi eq, %get3A_6, %eq3A_14 : vector<1x2048xi32>
    %jit3A = arith.constant 0.000000e+00 : f32
    %broadcast_in_dim3A_16 = vector.broadcast %jit3A : f32 to vector<1x2048xf32>
    %select_n3A = arith.select %eq3A_15, %broadcast_in_dim3A_12, %broadcast_in_dim3A_16 : vector<1x2048xi1>, vector<1x2048xf32>
    %add3A = arith.addf %broadcast_in_dim3A_7, %select_n3A : vector<1x2048xf32>
    %get3A_17 = arith.constant 24 : index
    %get3A_18 = arith.constant 0 : index
    %get3A_19 = vector.load %arg1[%get3A_17, %get3A_18] : memref<480x2048xf32, #tpu.memory_space<vmem>>, vector<24x2048xf32>
    %sub3A_20 = arith.subf %get3A_19, %get3A_3 : vector<24x2048xf32>
    %abs3A_21 = math.absf %sub3A_20 : vector<24x2048xf32>
    %reduce_sum3A_22 = arith.constant dense<0.000000e+00> : vector<2048xf32>
    %reduce_sum3A_23 = vector.multi_reduction <add>, %abs3A_21, %reduce_sum3A_22 [0] : vector<24x2048xf32> to vector<2048xf32>
    %broadcast_in_dim3A_24 = vector.shape_cast %reduce_sum3A_23 : vector<2048xf32> to vector<1x2048xf32>
    %eq3A_25 = arith.constant 1 : i32
    %eq3A_26 = vector.broadcast %eq3A_25 : i32 to vector<1x2048xi32>
    %eq3A_27 = arith.cmpi eq, %get3A_6, %eq3A_26 : vector<1x2048xi32>
    %jit3A_28 = arith.constant 0.000000e+00 : f32
    %broadcast_in_dim3A_29 = vector.broadcast %jit3A_28 : f32 to vector<1x2048xf32>
    %select_n3A_30 = arith.select %eq3A_27, %broadcast_in_dim3A_24, %broadcast_in_dim3A_29 : vector<1x2048xi1>, vector<1x2048xf32>
    %add3A_31 = arith.addf %add3A, %select_n3A_30 : vector<1x2048xf32>
    %get3A_32 = arith.constant 48 : index
    %get3A_33 = arith.constant 0 : index
    %get3A_34 = vector.load %arg1[%get3A_32, %get3A_33] : memref<480x2048xf32, #tpu.memory_space<vmem>>, vector<24x2048xf32>
    %sub3A_35 = arith.subf %get3A_34, %get3A_3 : vector<24x2048xf32>
    %abs3A_36 = math.absf %sub3A_35 : vector<24x2048xf32>
    %reduce_sum3A_37 = arith.constant dense<0.000000e+00> : vector<2048xf32>
    %reduce_sum3A_38 = vector.multi_reduction <add>, %abs3A_36, %reduce_sum3A_37 [0] : vector<24x2048xf32> to vector<2048xf32>
    %broadcast_in_dim3A_39 = vector.shape_cast %reduce_sum3A_38 : vector<2048xf32> to vector<1x2048xf32>
    %eq3A_40 = arith.constant 2 : i32
    %eq3A_41 = vector.broadcast %eq3A_40 : i32 to vector<1x2048xi32>
    %eq3A_42 = arith.cmpi eq, %get3A_6, %eq3A_41 : vector<1x2048xi32>
    %jit3A_43 = arith.constant 0.000000e+00 : f32
    %broadcast_in_dim3A_44 = vector.broadcast %jit3A_43 : f32 to vector<1x2048xf32>
    %select_n3A_45 = arith.select %eq3A_42, %broadcast_in_dim3A_39, %broadcast_in_dim3A_44 : vector<1x2048xi1>, vector<1x2048xf32>
    %add3A_46 = arith.addf %add3A_31, %select_n3A_45 : vector<1x2048xf32>
    %get3A_47 = arith.constant 72 : index
    %get3A_48 = arith.constant 0 : index
    %get3A_49 = vector.load %arg1[%get3A_47, %get3A_48] : memref<480x2048xf32, #tpu.memory_space<vmem>>, vector<24x2048xf32>
    %sub3A_50 = arith.subf %get3A_49, %get3A_3 : vector<24x2048xf32>
    %abs3A_51 = math.absf %sub3A_50 : vector<24x2048xf32>
    %reduce_sum3A_52 = arith.constant dense<0.000000e+00> : vector<2048xf32>
    %reduce_sum3A_53 = vector.multi_reduction <add>, %abs3A_51, %reduce_sum3A_52 [0] : vector<24x2048xf32> to vector<2048xf32>
    %broadcast_in_dim3A_54 = vector.shape_cast %reduce_sum3A_53 : vector<2048xf32> to vector<1x2048xf32>
    %eq3A_55 = arith.constant 3 : i32
    %eq3A_56 = vector.broadcast %eq3A_55 : i32 to vector<1x2048xi32>
    %eq3A_57 = arith.cmpi eq, %get3A_6, %eq3A_56 : vector<1x2048xi32>
    %jit3A_58 = arith.constant 0.000000e+00 : f32
    %broadcast_in_dim3A_59 = vector.broadcast %jit3A_58 : f32 to vector<1x2048xf32>
    %select_n3A_60 = arith.select %eq3A_57, %broadcast_in_dim3A_54, %broadcast_in_dim3A_59 : vector<1x2048xi1>, vector<1x2048xf32>
    %add3A_61 = arith.addf %add3A_46, %select_n3A_60 : vector<1x2048xf32>
    %get3A_62 = arith.constant 96 : index
    %get3A_63 = arith.constant 0 : index
    %get3A_64 = vector.load %arg1[%get3A_62, %get3A_63] : memref<480x2048xf32, #tpu.memory_space<vmem>>, vector<24x2048xf32>
    %sub3A_65 = arith.subf %get3A_64, %get3A_3 : vector<24x2048xf32>
    %abs3A_66 = math.absf %sub3A_65 : vector<24x2048xf32>
    %reduce_sum3A_67 = arith.constant dense<0.000000e+00> : vector<2048xf32>
    %reduce_sum3A_68 = vector.multi_reduction <add>, %abs3A_66, %reduce_sum3A_67 [0] : vector<24x2048xf32> to vector<2048xf32>
    %broadcast_in_dim3A_69 = vector.shape_cast %reduce_sum3A_68 : vector<2048xf32> to vector<1x2048xf32>
    %eq3A_70 = arith.constant 4 : i32
    %eq3A_71 = vector.broadcast %eq3A_70 : i32 to vector<1x2048xi32>
    %eq3A_72 = arith.cmpi eq, %get3A_6, %eq3A_71 : vector<1x2048xi32>
    %jit3A_73 = arith.constant 0.000000e+00 : f32
    %broadcast_in_dim3A_74 = vector.broadcast %jit3A_73 : f32 to vector<1x2048xf32>
    %select_n3A_75 = arith.select %eq3A_72, %broadcast_in_dim3A_69, %broadcast_in_dim3A_74 : vector<1x2048xi1>, vector<1x2048xf32>
    %add3A_76 = arith.addf %add3A_61, %select_n3A_75 : vector<1x2048xf32>
    %get3A_77 = arith.constant 120 : index
    %get3A_78 = arith.constant 0 : index
    %get3A_79 = vector.load %arg1[%get3A_77, %get3A_78] : memref<480x2048xf32, #tpu.memory_space<vmem>>, vector<24x2048xf32>
    %sub3A_80 = arith.subf %get3A_79, %get3A_3 : vector<24x2048xf32>
    %abs3A_81 = math.absf %sub3A_80 : vector<24x2048xf32>
    %reduce_sum3A_82 = arith.constant dense<0.000000e+00> : vector<2048xf32>
    %reduce_sum3A_83 = vector.multi_reduction <add>, %abs3A_81, %reduce_sum3A_82 [0] : vector<24x2048xf32> to vector<2048xf32>
    %broadcast_in_dim3A_84 = vector.shape_cast %reduce_sum3A_83 : vector<2048xf32> to vector<1x2048xf32>
    %eq3A_85 = arith.constant 5 : i32
    %eq3A_86 = vector.broadcast %eq3A_85 : i32 to vector<1x2048xi32>
    %eq3A_87 = arith.cmpi eq, %get3A_6, %eq3A_86 : vector<1x2048xi32>
    %jit3A_88 = arith.constant 0.000000e+00 : f32
    %broadcast_in_dim3A_89 = vector.broadcast %jit3A_88 : f32 to vector<1x2048xf32>
    %select_n3A_90 = arith.select %eq3A_87, %broadcast_in_dim3A_84, %broadcast_in_dim3A_89 : vector<1x2048xi1>, vector<1x2048xf32>
    %add3A_91 = arith.addf %add3A_76, %select_n3A_90 : vector<1x2048xf32>
    %get3A_92 = arith.constant 144 : index
    %get3A_93 = arith.constant 0 : index
    %get3A_94 = vector.load %arg1[%get3A_92, %get3A_93] : memref<480x2048xf32, #tpu.memory_space<vmem>>, vector<24x2048xf32>
    %sub3A_95 = arith.subf %get3A_94, %get3A_3 : vector<24x2048xf32>
    %abs3A_96 = math.absf %sub3A_95 : vector<24x2048xf32>
    %reduce_sum3A_97 = arith.constant dense<0.000000e+00> : vector<2048xf32>
    %reduce_sum3A_98 = vector.multi_reduction <add>, %abs3A_96, %reduce_sum3A_97 [0] : vector<24x2048xf32> to vector<2048xf32>
    %broadcast_in_dim3A_99 = vector.shape_cast %reduce_sum3A_98 : vector<2048xf32> to vector<1x2048xf32>
    %eq3A_100 = arith.constant 6 : i32
    %eq3A_101 = vector.broadcast %eq3A_100 : i32 to vector<1x2048xi32>
    %eq3A_102 = arith.cmpi eq, %get3A_6, %eq3A_101 : vector<1x2048xi32>
    %jit3A_103 = arith.constant 0.000000e+00 : f32
    %broadcast_in_dim3A_104 = vector.broadcast %jit3A_103 : f32 to vector<1x2048xf32>
    %select_n3A_105 = arith.select %eq3A_102, %broadcast_in_dim3A_99, %broadcast_in_dim3A_104 : vector<1x2048xi1>, vector<1x2048xf32>
    %add3A_106 = arith.addf %add3A_91, %select_n3A_105 : vector<1x2048xf32>
    %get3A_107 = arith.constant 168 : index
    %get3A_108 = arith.constant 0 : index
    %get3A_109 = vector.load %arg1[%get3A_107, %get3A_108] : memref<480x2048xf32, #tpu.memory_space<vmem>>, vector<24x2048xf32>
    %sub3A_110 = arith.subf %get3A_109, %get3A_3 : vector<24x2048xf32>
    %abs3A_111 = math.absf %sub3A_110 : vector<24x2048xf32>
    %reduce_sum3A_112 = arith.constant dense<0.000000e+00> : vector<2048xf32>
    %reduce_sum3A_113 = vector.multi_reduction <add>, %abs3A_111, %reduce_sum3A_112 [0] : vector<24x2048xf32> to vector<2048xf32>
    %broadcast_in_dim3A_114 = vector.shape_cast %reduce_sum3A_113 : vector<2048xf32> to vector<1x2048xf32>
    %eq3A_115 = arith.constant 7 : i32
    %eq3A_116 = vector.broadcast %eq3A_115 : i32 to vector<1x2048xi32>
    %eq3A_117 = arith.cmpi eq, %get3A_6, %eq3A_116 : vector<1x2048xi32>
    %jit3A_118 = arith.constant 0.000000e+00 : f32
    %broadcast_in_dim3A_119 = vector.broadcast %jit3A_118 : f32 to vector<1x2048xf32>
    %select_n3A_120 = arith.select %eq3A_117, %broadcast_in_dim3A_114, %broadcast_in_dim3A_119 : vector<1x2048xi1>, vector<1x2048xf32>
    %add3A_121 = arith.addf %add3A_106, %select_n3A_120 : vector<1x2048xf32>
    %get3A_122 = arith.constant 192 : index
    %get3A_123 = arith.constant 0 : index
    %get3A_124 = vector.load %arg1[%get3A_122, %get3A_123] : memref<480x2048xf32, #tpu.memory_space<vmem>>, vector<24x2048xf32>
    %sub3A_125 = arith.subf %get3A_124, %get3A_3 : vector<24x2048xf32>
    %abs3A_126 = math.absf %sub3A_125 : vector<24x2048xf32>
    %reduce_sum3A_127 = arith.constant dense<0.000000e+00> : vector<2048xf32>
    %reduce_sum3A_128 = vector.multi_reduction <add>, %abs3A_126, %reduce_sum3A_127 [0] : vector<24x2048xf32> to vector<2048xf32>
    %broadcast_in_dim3A_129 = vector.shape_cast %reduce_sum3A_128 : vector<2048xf32> to vector<1x2048xf32>
    %eq3A_130 = arith.constant 8 : i32
    %eq3A_131 = vector.broadcast %eq3A_130 : i32 to vector<1x2048xi32>
    %eq3A_132 = arith.cmpi eq, %get3A_6, %eq3A_131 : vector<1x2048xi32>
    %jit3A_133 = arith.constant 0.000000e+00 : f32
    %broadcast_in_dim3A_134 = vector.broadcast %jit3A_133 : f32 to vector<1x2048xf32>
    %select_n3A_135 = arith.select %eq3A_132, %broadcast_in_dim3A_129, %broadcast_in_dim3A_134 : vector<1x2048xi1>, vector<1x2048xf32>
    %add3A_136 = arith.addf %add3A_121, %select_n3A_135 : vector<1x2048xf32>
    %get3A_137 = arith.constant 216 : index
    %get3A_138 = arith.constant 0 : index
    %get3A_139 = vector.load %arg1[%get3A_137, %get3A_138] : memref<480x2048xf32, #tpu.memory_space<vmem>>, vector<24x2048xf32>
    %sub3A_140 = arith.subf %get3A_139, %get3A_3 : vector<24x2048xf32>
    %abs3A_141 = math.absf %sub3A_140 : vector<24x2048xf32>
    %reduce_sum3A_142 = arith.constant dense<0.000000e+00> : vector<2048xf32>
    %reduce_sum3A_143 = vector.multi_reduction <add>, %abs3A_141, %reduce_sum3A_142 [0] : vector<24x2048xf32> to vector<2048xf32>
    %broadcast_in_dim3A_144 = vector.shape_cast %reduce_sum3A_143 : vector<2048xf32> to vector<1x2048xf32>
    %eq3A_145 = arith.constant 9 : i32
    %eq3A_146 = vector.broadcast %eq3A_145 : i32 to vector<1x2048xi32>
    %eq3A_147 = arith.cmpi eq, %get3A_6, %eq3A_146 : vector<1x2048xi32>
    %jit3A_148 = arith.constant 0.000000e+00 : f32
    %broadcast_in_dim3A_149 = vector.broadcast %jit3A_148 : f32 to vector<1x2048xf32>
    %select_n3A_150 = arith.select %eq3A_147, %broadcast_in_dim3A_144, %broadcast_in_dim3A_149 : vector<1x2048xi1>, vector<1x2048xf32>
    %add3A_151 = arith.addf %add3A_136, %select_n3A_150 : vector<1x2048xf32>
    %get3A_152 = arith.constant 240 : index
    %get3A_153 = arith.constant 0 : index
    %get3A_154 = vector.load %arg1[%get3A_152, %get3A_153] : memref<480x2048xf32, #tpu.memory_space<vmem>>, vector<24x2048xf32>
    %sub3A_155 = arith.subf %get3A_154, %get3A_3 : vector<24x2048xf32>
    %abs3A_156 = math.absf %sub3A_155 : vector<24x2048xf32>
    %reduce_sum3A_157 = arith.constant dense<0.000000e+00> : vector<2048xf32>
    %reduce_sum3A_158 = vector.multi_reduction <add>, %abs3A_156, %reduce_sum3A_157 [0] : vector<24x2048xf32> to vector<2048xf32>
    %broadcast_in_dim3A_159 = vector.shape_cast %reduce_sum3A_158 : vector<2048xf32> to vector<1x2048xf32>
    %eq3A_160 = arith.constant 10 : i32
    %eq3A_161 = vector.broadcast %eq3A_160 : i32 to vector<1x2048xi32>
    %eq3A_162 = arith.cmpi eq, %get3A_6, %eq3A_161 : vector<1x2048xi32>
    %jit3A_163 = arith.constant 0.000000e+00 : f32
    %broadcast_in_dim3A_164 = vector.broadcast %jit3A_163 : f32 to vector<1x2048xf32>
    %select_n3A_165 = arith.select %eq3A_162, %broadcast_in_dim3A_159, %broadcast_in_dim3A_164 : vector<1x2048xi1>, vector<1x2048xf32>
    %add3A_166 = arith.addf %add3A_151, %select_n3A_165 : vector<1x2048xf32>
    %get3A_167 = arith.constant 264 : index
    %get3A_168 = arith.constant 0 : index
    %get3A_169 = vector.load %arg1[%get3A_167, %get3A_168] : memref<480x2048xf32, #tpu.memory_space<vmem>>, vector<24x2048xf32>
    %sub3A_170 = arith.subf %get3A_169, %get3A_3 : vector<24x2048xf32>
    %abs3A_171 = math.absf %sub3A_170 : vector<24x2048xf32>
    %reduce_sum3A_172 = arith.constant dense<0.000000e+00> : vector<2048xf32>
    %reduce_sum3A_173 = vector.multi_reduction <add>, %abs3A_171, %reduce_sum3A_172 [0] : vector<24x2048xf32> to vector<2048xf32>
    %broadcast_in_dim3A_174 = vector.shape_cast %reduce_sum3A_173 : vector<2048xf32> to vector<1x2048xf32>
    %eq3A_175 = arith.constant 11 : i32
    %eq3A_176 = vector.broadcast %eq3A_175 : i32 to vector<1x2048xi32>
    %eq3A_177 = arith.cmpi eq, %get3A_6, %eq3A_176 : vector<1x2048xi32>
    %jit3A_178 = arith.constant 0.000000e+00 : f32
    %broadcast_in_dim3A_179 = vector.broadcast %jit3A_178 : f32 to vector<1x2048xf32>
    %select_n3A_180 = arith.select %eq3A_177, %broadcast_in_dim3A_174, %broadcast_in_dim3A_179 : vector<1x2048xi1>, vector<1x2048xf32>
    %add3A_181 = arith.addf %add3A_166, %select_n3A_180 : vector<1x2048xf32>
    %get3A_182 = arith.constant 288 : index
    %get3A_183 = arith.constant 0 : index
    %get3A_184 = vector.load %arg1[%get3A_182, %get3A_183] : memref<480x2048xf32, #tpu.memory_space<vmem>>, vector<24x2048xf32>
    %sub3A_185 = arith.subf %get3A_184, %get3A_3 : vector<24x2048xf32>
    %abs3A_186 = math.absf %sub3A_185 : vector<24x2048xf32>
    %reduce_sum3A_187 = arith.constant dense<0.000000e+00> : vector<2048xf32>
    %reduce_sum3A_188 = vector.multi_reduction <add>, %abs3A_186, %reduce_sum3A_187 [0] : vector<24x2048xf32> to vector<2048xf32>
    %broadcast_in_dim3A_189 = vector.shape_cast %reduce_sum3A_188 : vector<2048xf32> to vector<1x2048xf32>
    %eq3A_190 = arith.constant 12 : i32
    %eq3A_191 = vector.broadcast %eq3A_190 : i32 to vector<1x2048xi32>
    %eq3A_192 = arith.cmpi eq, %get3A_6, %eq3A_191 : vector<1x2048xi32>
    %jit3A_193 = arith.constant 0.000000e+00 : f32
    %broadcast_in_dim3A_194 = vector.broadcast %jit3A_193 : f32 to vector<1x2048xf32>
    %select_n3A_195 = arith.select %eq3A_192, %broadcast_in_dim3A_189, %broadcast_in_dim3A_194 : vector<1x2048xi1>, vector<1x2048xf32>
    %add3A_196 = arith.addf %add3A_181, %select_n3A_195 : vector<1x2048xf32>
    %get3A_197 = arith.constant 312 : index
    %get3A_198 = arith.constant 0 : index
    %get3A_199 = vector.load %arg1[%get3A_197, %get3A_198] : memref<480x2048xf32, #tpu.memory_space<vmem>>, vector<24x2048xf32>
    %sub3A_200 = arith.subf %get3A_199, %get3A_3 : vector<24x2048xf32>
    %abs3A_201 = math.absf %sub3A_200 : vector<24x2048xf32>
    %reduce_sum3A_202 = arith.constant dense<0.000000e+00> : vector<2048xf32>
    %reduce_sum3A_203 = vector.multi_reduction <add>, %abs3A_201, %reduce_sum3A_202 [0] : vector<24x2048xf32> to vector<2048xf32>
    %broadcast_in_dim3A_204 = vector.shape_cast %reduce_sum3A_203 : vector<2048xf32> to vector<1x2048xf32>
    %eq3A_205 = arith.constant 13 : i32
    %eq3A_206 = vector.broadcast %eq3A_205 : i32 to vector<1x2048xi32>
    %eq3A_207 = arith.cmpi eq, %get3A_6, %eq3A_206 : vector<1x2048xi32>
    %jit3A_208 = arith.constant 0.000000e+00 : f32
    %broadcast_in_dim3A_209 = vector.broadcast %jit3A_208 : f32 to vector<1x2048xf32>
    %select_n3A_210 = arith.select %eq3A_207, %broadcast_in_dim3A_204, %broadcast_in_dim3A_209 : vector<1x2048xi1>, vector<1x2048xf32>
    %add3A_211 = arith.addf %add3A_196, %select_n3A_210 : vector<1x2048xf32>
    %get3A_212 = arith.constant 336 : index
    %get3A_213 = arith.constant 0 : index
    %get3A_214 = vector.load %arg1[%get3A_212, %get3A_213] : memref<480x2048xf32, #tpu.memory_space<vmem>>, vector<24x2048xf32>
    %sub3A_215 = arith.subf %get3A_214, %get3A_3 : vector<24x2048xf32>
    %abs3A_216 = math.absf %sub3A_215 : vector<24x2048xf32>
    %reduce_sum3A_217 = arith.constant dense<0.000000e+00> : vector<2048xf32>
    %reduce_sum3A_218 = vector.multi_reduction <add>, %abs3A_216, %reduce_sum3A_217 [0] : vector<24x2048xf32> to vector<2048xf32>
    %broadcast_in_dim3A_219 = vector.shape_cast %reduce_sum3A_218 : vector<2048xf32> to vector<1x2048xf32>
    %eq3A_220 = arith.constant 14 : i32
    %eq3A_221 = vector.broadcast %eq3A_220 : i32 to vector<1x2048xi32>
    %eq3A_222 = arith.cmpi eq, %get3A_6, %eq3A_221 : vector<1x2048xi32>
    %jit3A_223 = arith.constant 0.000000e+00 : f32
    %broadcast_in_dim3A_224 = vector.broadcast %jit3A_223 : f32 to vector<1x2048xf32>
    %select_n3A_225 = arith.select %eq3A_222, %broadcast_in_dim3A_219, %broadcast_in_dim3A_224 : vector<1x2048xi1>, vector<1x2048xf32>
    %add3A_226 = arith.addf %add3A_211, %select_n3A_225 : vector<1x2048xf32>
    %get3A_227 = arith.constant 360 : index
    %get3A_228 = arith.constant 0 : index
    %get3A_229 = vector.load %arg1[%get3A_227, %get3A_228] : memref<480x2048xf32, #tpu.memory_space<vmem>>, vector<24x2048xf32>
    %sub3A_230 = arith.subf %get3A_229, %get3A_3 : vector<24x2048xf32>
    %abs3A_231 = math.absf %sub3A_230 : vector<24x2048xf32>
    %reduce_sum3A_232 = arith.constant dense<0.000000e+00> : vector<2048xf32>
    %reduce_sum3A_233 = vector.multi_reduction <add>, %abs3A_231, %reduce_sum3A_232 [0] : vector<24x2048xf32> to vector<2048xf32>
    %broadcast_in_dim3A_234 = vector.shape_cast %reduce_sum3A_233 : vector<2048xf32> to vector<1x2048xf32>
    %eq3A_235 = arith.constant 15 : i32
    %eq3A_236 = vector.broadcast %eq3A_235 : i32 to vector<1x2048xi32>
    %eq3A_237 = arith.cmpi eq, %get3A_6, %eq3A_236 : vector<1x2048xi32>
    %jit3A_238 = arith.constant 0.000000e+00 : f32
    %broadcast_in_dim3A_239 = vector.broadcast %jit3A_238 : f32 to vector<1x2048xf32>
    %select_n3A_240 = arith.select %eq3A_237, %broadcast_in_dim3A_234, %broadcast_in_dim3A_239 : vector<1x2048xi1>, vector<1x2048xf32>
    %add3A_241 = arith.addf %add3A_226, %select_n3A_240 : vector<1x2048xf32>
    %get3A_242 = arith.constant 384 : index
    %get3A_243 = arith.constant 0 : index
    %get3A_244 = vector.load %arg1[%get3A_242, %get3A_243] : memref<480x2048xf32, #tpu.memory_space<vmem>>, vector<24x2048xf32>
    %sub3A_245 = arith.subf %get3A_244, %get3A_3 : vector<24x2048xf32>
    %abs3A_246 = math.absf %sub3A_245 : vector<24x2048xf32>
    %reduce_sum3A_247 = arith.constant dense<0.000000e+00> : vector<2048xf32>
    %reduce_sum3A_248 = vector.multi_reduction <add>, %abs3A_246, %reduce_sum3A_247 [0] : vector<24x2048xf32> to vector<2048xf32>
    %broadcast_in_dim3A_249 = vector.shape_cast %reduce_sum3A_248 : vector<2048xf32> to vector<1x2048xf32>
    %eq3A_250 = arith.constant 16 : i32
    %eq3A_251 = vector.broadcast %eq3A_250 : i32 to vector<1x2048xi32>
    %eq3A_252 = arith.cmpi eq, %get3A_6, %eq3A_251 : vector<1x2048xi32>
    %jit3A_253 = arith.constant 0.000000e+00 : f32
    %broadcast_in_dim3A_254 = vector.broadcast %jit3A_253 : f32 to vector<1x2048xf32>
    %select_n3A_255 = arith.select %eq3A_252, %broadcast_in_dim3A_249, %broadcast_in_dim3A_254 : vector<1x2048xi1>, vector<1x2048xf32>
    %add3A_256 = arith.addf %add3A_241, %select_n3A_255 : vector<1x2048xf32>
    %get3A_257 = arith.constant 408 : index
    %get3A_258 = arith.constant 0 : index
    %get3A_259 = vector.load %arg1[%get3A_257, %get3A_258] : memref<480x2048xf32, #tpu.memory_space<vmem>>, vector<24x2048xf32>
    %sub3A_260 = arith.subf %get3A_259, %get3A_3 : vector<24x2048xf32>
    %abs3A_261 = math.absf %sub3A_260 : vector<24x2048xf32>
    %reduce_sum3A_262 = arith.constant dense<0.000000e+00> : vector<2048xf32>
    %reduce_sum3A_263 = vector.multi_reduction <add>, %abs3A_261, %reduce_sum3A_262 [0] : vector<24x2048xf32> to vector<2048xf32>
    %broadcast_in_dim3A_264 = vector.shape_cast %reduce_sum3A_263 : vector<2048xf32> to vector<1x2048xf32>
    %eq3A_265 = arith.constant 17 : i32
    %eq3A_266 = vector.broadcast %eq3A_265 : i32 to vector<1x2048xi32>
    %eq3A_267 = arith.cmpi eq, %get3A_6, %eq3A_266 : vector<1x2048xi32>
    %jit3A_268 = arith.constant 0.000000e+00 : f32
    %broadcast_in_dim3A_269 = vector.broadcast %jit3A_268 : f32 to vector<1x2048xf32>
    %select_n3A_270 = arith.select %eq3A_267, %broadcast_in_dim3A_264, %broadcast_in_dim3A_269 : vector<1x2048xi1>, vector<1x2048xf32>
    %add3A_271 = arith.addf %add3A_256, %select_n3A_270 : vector<1x2048xf32>
    %get3A_272 = arith.constant 432 : index
    %get3A_273 = arith.constant 0 : index
    %get3A_274 = vector.load %arg1[%get3A_272, %get3A_273] : memref<480x2048xf32, #tpu.memory_space<vmem>>, vector<24x2048xf32>
    %sub3A_275 = arith.subf %get3A_274, %get3A_3 : vector<24x2048xf32>
    %abs3A_276 = math.absf %sub3A_275 : vector<24x2048xf32>
    %reduce_sum3A_277 = arith.constant dense<0.000000e+00> : vector<2048xf32>
    %reduce_sum3A_278 = vector.multi_reduction <add>, %abs3A_276, %reduce_sum3A_277 [0] : vector<24x2048xf32> to vector<2048xf32>
    %broadcast_in_dim3A_279 = vector.shape_cast %reduce_sum3A_278 : vector<2048xf32> to vector<1x2048xf32>
    %eq3A_280 = arith.constant 18 : i32
    %eq3A_281 = vector.broadcast %eq3A_280 : i32 to vector<1x2048xi32>
    %eq3A_282 = arith.cmpi eq, %get3A_6, %eq3A_281 : vector<1x2048xi32>
    %jit3A_283 = arith.constant 0.000000e+00 : f32
    %broadcast_in_dim3A_284 = vector.broadcast %jit3A_283 : f32 to vector<1x2048xf32>
    %select_n3A_285 = arith.select %eq3A_282, %broadcast_in_dim3A_279, %broadcast_in_dim3A_284 : vector<1x2048xi1>, vector<1x2048xf32>
    %add3A_286 = arith.addf %add3A_271, %select_n3A_285 : vector<1x2048xf32>
    %get3A_287 = arith.constant 456 : index
    %get3A_288 = arith.constant 0 : index
    %get3A_289 = vector.load %arg1[%get3A_287, %get3A_288] : memref<480x2048xf32, #tpu.memory_space<vmem>>, vector<24x2048xf32>
    %sub3A_290 = arith.subf %get3A_289, %get3A_3 : vector<24x2048xf32>
    %abs3A_291 = math.absf %sub3A_290 : vector<24x2048xf32>
    %reduce_sum3A_292 = arith.constant dense<0.000000e+00> : vector<2048xf32>
    %reduce_sum3A_293 = vector.multi_reduction <add>, %abs3A_291, %reduce_sum3A_292 [0] : vector<24x2048xf32> to vector<2048xf32>
    %broadcast_in_dim3A_294 = vector.shape_cast %reduce_sum3A_293 : vector<2048xf32> to vector<1x2048xf32>
    %eq3A_295 = arith.constant 19 : i32
    %eq3A_296 = vector.broadcast %eq3A_295 : i32 to vector<1x2048xi32>
    %eq3A_297 = arith.cmpi eq, %get3A_6, %eq3A_296 : vector<1x2048xi32>
    %jit3A_298 = arith.constant 0.000000e+00 : f32
    %broadcast_in_dim3A_299 = vector.broadcast %jit3A_298 : f32 to vector<1x2048xf32>
    %select_n3A_300 = arith.select %eq3A_297, %broadcast_in_dim3A_294, %broadcast_in_dim3A_299 : vector<1x2048xi1>, vector<1x2048xf32>
    %add3A_301 = arith.addf %add3A_286, %select_n3A_300 : vector<1x2048xf32>
    %get3A_302 = arith.constant 0 : index
    %get3A_303 = arith.constant 0 : index
    %get3A_304 = vector.load %arg4[%get3A_302, %get3A_303] : memref<1x1xf32, #tpu.memory_space<vmem>>, vector<1x1xf32>
    %reduce_sum3A_305 = vector.shape_cast %add3A_301 : vector<1x2048xf32> to vector<1x1x2048xf32>
    %reduce_sum3A_306 = arith.constant dense<0.000000e+00> : vector<1xf32>
    %reduce_sum3A_307 = vector.multi_reduction <add>, %reduce_sum3A_305, %reduce_sum3A_306 [1, 2] : vector<1x1x2048xf32> to vector<1xf32>
    %reduce_sum3A_308 = vector.shape_cast %reduce_sum3A_307 : vector<1xf32> to vector<1x1x1xf32>
    %reduce_sum3A_309 = vector.extract %reduce_sum3A_308[0, 0, 0] : f32 from vector<1x1x1xf32>
    %reshape3A = vector.broadcast %reduce_sum3A_309 : f32 to vector<1x1xf32>
    %add3A_310 = arith.addf %get3A_304, %reshape3A : vector<1x1xf32>
    %swap3A = arith.constant 0 : index
    %swap3A_311 = arith.constant 0 : index
    %swap3A_312 = vector.load %arg4[%swap3A, %swap3A_311] : memref<1x1xf32, #tpu.memory_space<vmem>>, vector<1x1xf32>
    tpu.vector_store %arg4[%swap3A, %swap3A_311], %add3A_310 {strides = array<i32>} : memref<1x1xf32, #tpu.memory_space<vmem>>, vector<1x1xf32>,
    return
  }
  func.func @transform_0(%arg0: i32) -> (i32, i32) {
    %add3A = arith.constant 6 : i32
    %add3A_0 = arith.addi %arg0, %add3A : i32
    %c0_i32 = arith.constant 0 : i32
    %c0_i32_1 = arith.constant 0 : i32
    return %c0_i32, %add3A_0 : i32, i32
  }
  func.func @transform_1(%arg0: i32) -> (i32, i32) {
    %add3A = arith.constant 6 : i32
    %add3A_0 = arith.addi %arg0, %add3A : i32
    %c0_i32 = arith.constant 0 : i32
    %c0_i32_1 = arith.constant 0 : i32
    return %c0_i32, %add3A_0 : i32, i32
  }
  func.func @transform_2(%arg0: i32) -> (i32, i32) {
    %add3A = arith.constant 6 : i32
    %add3A_0 = arith.addi %arg0, %add3A : i32
    %c0_i32 = arith.constant 0 : i32
    %c0_i32_1 = arith.constant 0 : i32
    return %c0_i32, %add3A_0 : i32, i32
  }
  func.func @transform_3(%arg0: i32) -> (i32, i32) {
    %c0_i32 = arith.constant 0 : i32
    %c0_i32_0 = arith.constant 0 : i32
    %c0_i32_1 = arith.constant 0 : i32
    return %c0_i32, %c0_i32_0 : i32, i32
  }
}

module attributes {stable_mosaic.version = 14 : i64} {
  func.func @_k1_body(%arg0: i32, %arg1: memref<160x2x2048xf32, #tpu.memory_space<vmem>>, %arg2: memref<24x2048xf32, #tpu.memory_space<vmem>>, %arg3: memref<8x2048xi32, #tpu.memory_space<vmem>>) attributes {dimension_semantics = [#tpu.dimension_semantics<arbitrary>], iteration_bounds = array<i64: 8>, scalar_prefetch = 0 : i64, scratch_operands = 0 : i64, tpu.core_type = #tpu.core_type<tc>, window_params = [{transform_indices = @transform_0, window_bounds = array<i64: 160, 2, 2048>}, {transform_indices = @transform_1, window_bounds = array<i64: 24, 2048>}, {transform_indices = @transform_2, window_bounds = array<i64: 8, 2048>}]} {
    %get3A = arith.constant 0 : index
    %get3A_0 = arith.constant 0 : index
    %get3A_1 = vector.load %arg2[%get3A, %get3A_0] : memref<24x2048xf32, #tpu.memory_space<vmem>>, vector<8x2048xf32>
    %get3A_2 = arith.constant 8 : index
    %get3A_3 = arith.constant 0 : index
    %get3A_4 = vector.load %arg2[%get3A_2, %get3A_3] : memref<24x2048xf32, #tpu.memory_space<vmem>>, vector<8x2048xf32>
    %broadcast_in_dim3A = vector.shape_cast %get3A_1 : vector<8x2048xf32> to vector<1x8x2048xf32>
    %broadcast_in_dim3A_5 = vector.shape_cast %broadcast_in_dim3A : vector<1x8x2048xf32> to vector<1x8x2048xf32>
    %broadcast_in_dim3A_6 = vector.broadcast %broadcast_in_dim3A_5 : vector<1x8x2048xf32> to vector<20x8x2048xf32>
    %reshape3A = vector.shape_cast %broadcast_in_dim3A_6 : vector<20x8x2048xf32> to vector<160x2048xf32>
    %broadcast_in_dim3A_7 = vector.shape_cast %get3A_4 : vector<8x2048xf32> to vector<1x8x2048xf32>
    %broadcast_in_dim3A_8 = vector.shape_cast %broadcast_in_dim3A_7 : vector<1x8x2048xf32> to vector<1x8x2048xf32>
    %broadcast_in_dim3A_9 = vector.broadcast %broadcast_in_dim3A_8 : vector<1x8x2048xf32> to vector<20x8x2048xf32>
    %reshape3A_10 = vector.shape_cast %broadcast_in_dim3A_9 : vector<20x8x2048xf32> to vector<160x2048xf32>
    %get3A_11 = arith.constant 0 : index
    %get3A_12 = arith.constant 0 : index
    %get3A_13 = arith.constant 0 : index
    %get3A_14 = vector.load %arg1[%get3A_11, %get3A_12, %get3A_13] : memref<160x2x2048xf32, #tpu.memory_space<vmem>>, vector<160x1x2048xf32>
    %get3A_15 = vector.shape_cast %get3A_14 : vector<160x1x2048xf32> to vector<160x2048xf32>
    %sub3A = arith.subf %get3A_15, %reshape3A : vector<160x2048xf32>
    %get3A_16 = arith.constant 0 : index
    %get3A_17 = arith.constant 1 : index
    %get3A_18 = arith.constant 0 : index
    %get3A_19 = vector.load %arg1[%get3A_16, %get3A_17, %get3A_18] : memref<160x2x2048xf32, #tpu.memory_space<vmem>>, vector<160x1x2048xf32>
    %get3A_20 = vector.shape_cast %get3A_19 : vector<160x1x2048xf32> to vector<160x2048xf32>
    %sub3A_21 = arith.subf %get3A_20, %reshape3A_10 : vector<160x2048xf32>
    %mul3A = arith.mulf %sub3A, %sub3A : vector<160x2048xf32>
    %mul3A_22 = arith.mulf %sub3A_21, %sub3A_21 : vector<160x2048xf32>
    %add3A = arith.addf %mul3A, %mul3A_22 : vector<160x2048xf32>
    %sqrt3A = math.sqrt %add3A : vector<160x2048xf32>
    %reshape3A_23 = vector.shape_cast %sqrt3A : vector<160x2048xf32> to vector<20x8x2048xf32>
    %reduce_sum3A = arith.constant dense<0.000000e+00> : vector<20x2048xf32>
    %reduce_sum3A_24 = vector.multi_reduction <add>, %reshape3A_23, %reduce_sum3A [1] : vector<20x8x2048xf32> to vector<20x2048xf32>
    %reduce_min3A = arith.constant dense<0x7F800000> : vector<2048xf32>
    %reduce_min3A_25 = vector.multi_reduction <minimumf>, %reduce_sum3A_24, %reduce_min3A [0] : vector<20x2048xf32> to vector<2048xf32>
    %broadcast_in_dim3A_26 = vector.shape_cast %reduce_min3A_25 : vector<2048xf32> to vector<1x2048xf32>
    %iota3A = tpu.iota {dimensions = array<i32: 0>} : vector<20x2048xi32>
    %eq3A = vector.broadcast %broadcast_in_dim3A_26 : vector<1x2048xf32> to vector<20x2048xf32>
    %eq3A_27 = arith.cmpf oeq, %reduce_sum3A_24, %eq3A : vector<20x2048xf32>
    %jit3A = arith.constant 1073741824 : i32
    %broadcast_in_dim3A_28 = vector.broadcast %jit3A : i32 to vector<20x2048xi32>
    %select_n3A = arith.select %eq3A_27, %iota3A, %broadcast_in_dim3A_28 : vector<20x2048xi1>, vector<20x2048xi32>
    %reduce_min3A_29 = arith.constant dense<2147483647> : vector<2048xi32>
    %reduce_min3A_30 = vector.multi_reduction <minsi>, %select_n3A, %reduce_min3A_29 [0] : vector<20x2048xi32> to vector<2048xi32>
    %broadcast_in_dim3A_31 = vector.shape_cast %reduce_min3A_30 : vector<2048xi32> to vector<1x2048xi32>
    %broadcast_in_dim3A_32 = vector.shape_cast %broadcast_in_dim3A_31 : vector<1x2048xi32> to vector<1x2048xi32>
    %broadcast_in_dim3A_33 = vector.broadcast %broadcast_in_dim3A_32 : vector<1x2048xi32> to vector<8x2048xi32>
    %swap3A = arith.constant 0 : index
    %swap3A_34 = arith.constant 0 : index
    %swap3A_35 = vector.load %arg3[%swap3A, %swap3A_34] : memref<8x2048xi32, #tpu.memory_space<vmem>>, vector<8x2048xi32>
    tpu.vector_store %arg3[%swap3A, %swap3A_34], %broadcast_in_dim3A_33 {strides = array<i32>} : memref<8x2048xi32, #tpu.memory_space<vmem>>, vector<8x2048xi32>,
    return
  }
  func.func @transform_0(%arg0: i32) -> (i32, i32, i32) {
    %c0_i32 = arith.constant 0 : i32
    %c0_i32_0 = arith.constant 0 : i32
    %c0_i32_1 = arith.constant 0 : i32
    return %c0_i32, %c0_i32_0, %arg0 : i32, i32, i32
  }
  func.func @transform_1(%arg0: i32) -> (i32, i32) {
    %c0_i32 = arith.constant 0 : i32
    %c0_i32_0 = arith.constant 0 : i32
    return %c0_i32, %arg0 : i32, i32
  }
  func.func @transform_2(%arg0: i32) -> (i32, i32) {
    %c0_i32 = arith.constant 0 : i32
    %c0_i32_0 = arith.constant 0 : i32
    return %c0_i32, %arg0 : i32, i32
  }
}

module attributes {stable_mosaic.version = 14 : i64} {
  func.func @_k3a_body(%arg0: i32, %arg1: memref<20x2048xf32, #tpu.memory_space<vmem>>, %arg2: memref<8x2048xi32, #tpu.memory_space<vmem>>, %arg3: memref<1x1xf32, #tpu.memory_space<vmem>>) attributes {dimension_semantics = [#tpu.dimension_semantics<arbitrary>], iteration_bounds = array<i64: 8>, scalar_prefetch = 0 : i64, scratch_operands = 0 : i64, tpu.core_type = #tpu.core_type<tc>, window_params = [{transform_indices = @transform_0, window_bounds = array<i64: 20, 2048>}, {transform_indices = @transform_1, window_bounds = array<i64: 8, 2048>}, {pipeline_mode = #tpu.pipeline_mode<synchronous>, transform_indices = @transform_2, window_bounds = array<i64: 1, 1>}]} {
    %eq3A = arith.constant 0 : i32
    %eq3A_0 = arith.cmpi eq, %arg0, %eq3A : i32
    %convert_element_type3A = arith.extui %eq3A_0 : i1 to i32
    %cond3A = arith.constant 0 : i32
    %cond3A_1 = arith.cmpi ne, %convert_element_type3A, %cond3A : i32
    scf.if %cond3A_1 {
      %broadcast_in_dim3A = arith.constant 0.000000e+00 : f32
      %broadcast_in_dim3A_52 = vector.broadcast %broadcast_in_dim3A : f32 to vector<1x1xf32>
      %swap3A_53 = arith.constant 0 : index
      %swap3A_54 = arith.constant 0 : index
      %swap3A_55 = vector.load %arg3[%swap3A_53, %swap3A_54] : memref<1x1xf32, #tpu.memory_space<vmem>>, vector<1x1xf32>
      tpu.vector_store %arg3[%swap3A_53, %swap3A_54], %broadcast_in_dim3A_52 {strides = array<i32>} : memref<1x1xf32, #tpu.memory_space<vmem>>, vector<1x1xf32>,
    } else {
    }
    %get3A = arith.constant 0 : index
    %get3A_2 = arith.constant 0 : index
    %get3A_3 = vector.load %arg1[%get3A, %get3A_2] : memref<20x2048xf32, #tpu.memory_space<vmem>>, vector<20x2048xf32>
    %get3A_4 = arith.constant 0 : index
    %get3A_5 = arith.constant 0 : index
    %get3A_6 = vector.load %arg2[%get3A_4, %get3A_5] : memref<8x2048xi32, #tpu.memory_space<vmem>>, vector<1x2048xi32>
    %iota3A = tpu.iota {dimensions = array<i32: 0>} : vector<20x2048xi32>
    %eq3A_7 = vector.broadcast %get3A_6 : vector<1x2048xi32> to vector<20x2048xi32>
    %eq3A_8 = arith.cmpi eq, %iota3A, %eq3A_7 : vector<20x2048xi32>
    %convert_element_type3A_9 = arith.extui %eq3A_8 : vector<20x2048xi1> to vector<20x2048xi32>
    %convert_element_type3A_10 = arith.sitofp %convert_element_type3A_9 : vector<20x2048xi32> to vector<20x2048xf32>
    %logistic3A = arith.negf %get3A_3 : vector<20x2048xf32>
    %logistic3A_11 = math.exp %logistic3A : vector<20x2048xf32>
    %logistic3A_12 = arith.constant 1.000000e+00 : f32
    %logistic3A_13 = vector.broadcast %logistic3A_12 : f32 to vector<20x2048xf32>
    %logistic3A_14 = arith.addf %logistic3A_13, %logistic3A_11 : vector<20x2048xf32>
    %logistic3A_15 = arith.divf %logistic3A_13, %logistic3A_14 : vector<20x2048xf32>
    %sub3A = arith.constant 1.000000e+00 : f32
    %sub3A_16 = vector.broadcast %sub3A : f32 to vector<20x2048xf32>
    %sub3A_17 = arith.subf %sub3A_16, %logistic3A_15 : vector<20x2048xf32>
    %mul3A = arith.mulf %sub3A_17, %convert_element_type3A_10 : vector<20x2048xf32>
    %sub3A_18 = arith.constant 1.000000e+00 : f32
    %sub3A_19 = vector.broadcast %sub3A_18 : f32 to vector<20x2048xf32>
    %sub3A_20 = arith.subf %sub3A_19, %convert_element_type3A_10 : vector<20x2048xf32>
    %mul3A_21 = arith.mulf %logistic3A_15, %sub3A_20 : vector<20x2048xf32>
    %add3A = arith.addf %mul3A, %mul3A_21 : vector<20x2048xf32>
    %mul3A_22 = arith.constant 2.500000e-01 : f32
    %mul3A_23 = vector.broadcast %mul3A_22 : f32 to vector<20x2048xf32>
    %mul3A_24 = arith.mulf %mul3A_23, %convert_element_type3A_10 : vector<20x2048xf32>
    %sub3A_25 = arith.constant 1.000000e+00 : f32
    %sub3A_26 = vector.broadcast %sub3A_25 : f32 to vector<20x2048xf32>
    %sub3A_27 = arith.subf %sub3A_26, %convert_element_type3A_10 : vector<20x2048xf32>
    %mul3A_28 = arith.constant 7.500000e-01 : f32
    %mul3A_29 = vector.broadcast %mul3A_28 : f32 to vector<20x2048xf32>
    %mul3A_30 = arith.mulf %mul3A_29, %sub3A_27 : vector<20x2048xf32>
    %add3A_31 = arith.addf %mul3A_24, %mul3A_30 : vector<20x2048xf32>
    %mul3A_32 = arith.mulf %add3A_31, %add3A : vector<20x2048xf32>
    %mul3A_33 = arith.mulf %mul3A_32, %add3A : vector<20x2048xf32>
    %max3A = arith.constant 0.000000e+00 : f32
    %max3A_34 = vector.broadcast %max3A : f32 to vector<20x2048xf32>
    %max3A_35 = arith.maximumf %get3A_3, %max3A_34 : vector<20x2048xf32>
    %mul3A_36 = arith.mulf %get3A_3, %convert_element_type3A_10 : vector<20x2048xf32>
    %sub3A_37 = arith.subf %max3A_35, %mul3A_36 : vector<20x2048xf32>
    %abs3A = math.absf %get3A_3 : vector<20x2048xf32>
    %neg3A = arith.constant 0.000000e+00 : f32
    %neg3A_38 = vector.broadcast %neg3A : f32 to vector<20x2048xf32>
    %neg3A_39 = arith.subf %neg3A_38, %abs3A : vector<20x2048xf32>
    %exp3A = math.exp %neg3A_39 : vector<20x2048xf32>
    %log1p3A = math.log1p %exp3A : vector<20x2048xf32>
    %add3A_40 = arith.addf %sub3A_37, %log1p3A : vector<20x2048xf32>
    %get3A_41 = arith.constant 0 : index
    %get3A_42 = arith.constant 0 : index
    %get3A_43 = vector.load %arg3[%get3A_41, %get3A_42] : memref<1x1xf32, #tpu.memory_space<vmem>>, vector<1x1xf32>
    %mul3A_44 = arith.mulf %add3A_40, %mul3A_33 : vector<20x2048xf32>
    %reduce_sum3A = vector.shape_cast %mul3A_44 : vector<20x2048xf32> to vector<1x20x2048xf32>
    %reduce_sum3A_45 = arith.constant dense<0.000000e+00> : vector<1xf32>
    %reduce_sum3A_46 = vector.multi_reduction <add>, %reduce_sum3A, %reduce_sum3A_45 [1, 2] : vector<1x20x2048xf32> to vector<1xf32>
    %reduce_sum3A_47 = vector.shape_cast %reduce_sum3A_46 : vector<1xf32> to vector<1x1x1xf32>
    %reduce_sum3A_48 = vector.extract %reduce_sum3A_47[0, 0, 0] : f32 from vector<1x1x1xf32>
    %reshape3A = vector.broadcast %reduce_sum3A_48 : f32 to vector<1x1xf32>
    %add3A_49 = arith.addf %get3A_43, %reshape3A : vector<1x1xf32>
    %swap3A = arith.constant 0 : index
    %swap3A_50 = arith.constant 0 : index
    %swap3A_51 = vector.load %arg3[%swap3A, %swap3A_50] : memref<1x1xf32, #tpu.memory_space<vmem>>, vector<1x1xf32>
    tpu.vector_store %arg3[%swap3A, %swap3A_50], %add3A_49 {strides = array<i32>} : memref<1x1xf32, #tpu.memory_space<vmem>>, vector<1x1xf32>,
    return
  }
  func.func @transform_0(%arg0: i32) -> (i32, i32) {
    %c0_i32 = arith.constant 0 : i32
    %c0_i32_0 = arith.constant 0 : i32
    return %c0_i32, %arg0 : i32, i32
  }
  func.func @transform_1(%arg0: i32) -> (i32, i32) {
    %c0_i32 = arith.constant 0 : i32
    %c0_i32_0 = arith.constant 0 : i32
    return %c0_i32, %arg0 : i32, i32
  }
  func.func @transform_2(%arg0: i32) -> (i32, i32) {
    %c0_i32 = arith.constant 0 : i32
    %c0_i32_0 = arith.constant 0 : i32
    %c0_i32_1 = arith.constant 0 : i32
    return %c0_i32, %c0_i32_0 : i32, i32
  }
}

</mosaic_0001>

<sc_bundles>
// kernel: kernel.6.cloned.1.call-start
scs
__scs_entry_jumppad:
0x0: {  	(pc) =	sbr.rel $0x88, $3  }
0x1: {  	(tag) =	ssettag $0x0;
	lr =	simm.s32 $0x1  }
0x2: {  	[smem:$0x3F9D] =	sst lr;
	_ =	strace $0xD0000000  }
0x3: {  	_ = 	snop  }
0x4: {  	_ = 	snop  }
0x5: {  	_ = 	snop  }
0x6: {  	_ = 	snop  }
0x7: {  	_ = 	snop  }
__scs_overlays_trampoline_lowered:
0x8: {  	[smem:$0x3FAC] =	sst s0  }
0x9: {  	[smem:$0x3FAD] =	sst s1  }
0xa: {  	[smem:$0x3FAE] =	sst s2  }
0xb: {  	[smem:$0x3FAF] =	sst s3  }
0xc: {  	[smem:$0x3FB0] =	sst s4  }
0xd: {  	[smem:$0x3FB1] =	sst s5  }
0xe: {  	[smem:$0x3FB2] =	sst s6  }
0xf: {  	[smem:$0x3FB3] =	sst s7  }
0x10: {  	[smem:$0x3FB4] =	sst s8  }
0x11: {  	[smem:$0x3FB5] =	sst s9;
	s0 =	simm.s32 @!p0 $0x0  }
0x12: {  	s1 =	sld [smem:$0x3F9B];
	s0 =	simm.s32 @p0 $0x1  }
0x13: {  	[smem:$0x3FB6] =	sst s0;
	s0 =	simm.s32 @!p1 $0x0  }
0x14: {  	s2 =	sld [smem:$0x3F9A];
	s0 =	simm.s32 @p1 $0x1  }
0x15: {  	[smem:$0x3FB7] =	sst s0;
	s0 =	simm.s32 @!p2 $0x0  }
0x16: {  	s3 =	sld [smem:$0x3FDB];
	s0 =	simm.s32 @p2 $0x1  }
0x17: {  	s4 =	simm.s32 $0x1BF5;
	[smem:$0x3FB9] =	sst s0  }
0x18: {  	s0 =	sld [smem:$0x3F9C];
	_ =	swait.ge [sflag:s4], $0x0  }
0x19: {  	s7 =	sld [smem:$0x3F9D]  }
0x1a: {  	s8 =	sadd.s32 $0xFFFFE003, lr  }
0x1b: {  	s9 =	sadd.s32 $0xFFFFFEF7, lr;
	s5 =	simm.s32 $0xFFFFFFFF;
	p2 =	slt.u32 s8, $0xFFFFF086  }
0x1c: {  	p1 =	slt.u32 s9, $0xF7A;
	s5 =	simm.s32 @!p2 $0x0  }
0x1d: {  	s5 =	simm.s32 @p1 $0x1;
	p0 =	seq.s32 s7, s2  }
0x1e: {  	s7 =	smul.u32 @!p0 $0xF7A, s2;
	p2 =	seq.s32 @!p0 s5, $0x0  }
0x1f: {  	s9 =	smul.u32 $0xF7A, s1;
	s8 =	simm.s32 @!p0 $0x1BF5;
	p2 =	por !p2, p0  }
0x20: {  	[sflag:s8] =	ssyncset.s32 @!p0 $0xFFFFF086;
	s6 =	sadd.s32 @!p0 s3, s7;
	s7 =	simm.s32 @!p0 $0x108  }
0x21: {  	s3 =	sadd.s32 s3, s9;
	s6 =	sadd.s32 @!p0 $0x88, s6;
	s7 =	simm.s32 @p2 $0x1082  }
0x22: {  	[simem:s7], [sflag:s8] =	dma.local @!p0 [hbm:s6], $0xF7A  }
0x23: {  	s9 =	sor.u32 $0xD0000000, s2;
	s6 =	simm.s32 $0x108;
	_ =	swait.ge @!p0 [sflag:s8], $0x0  }
0x24: {  	s3 =	sadd.s32 $0x88, s3;
	s6 =	simm.s32 @!p1 $0x1082;
	[sflag:s4] =	ssyncset.s32 $0xFFFFF086  }
0x25: {  	[simem:s6], [sflag:s4] =	dma.local [hbm:s3], $0xF7A  }
0x26: {  	[smem:$0x3F9D] =	sst s1;
	(tag) =	ssettag s2;
	_ =	strace s9  }
0x27: {  	s1 =	sld [smem:$0x3FAD]  }
0x28: {  	s2 =	sld [smem:$0x3FAE]  }
0x29: {  	s4 =	sld [smem:$0x3FB0]  }
0x2a: {  	p0 =	seq.s32 s5, $0x0;
	s5 =	sld [smem:$0x3FB1]  }
0x2b: {  	s6 =	sld [smem:$0x3FB2]  }
0x2c: {  	s7 =	sld [smem:$0x3FB3]  }
0x2d: {  	s3 =	simm.s32 $0x108;
	s8 =	sld [smem:$0x3FB4]  }
0x2e: {  	s3 =	simm.s32 @!p0 $0x1082;
	s9 =	sld [smem:$0x3FB5]  }
0x2f: {  	lr =	sadd.s32 s0, s3;
	s0 =	sld [smem:$0x3FAC]  }
0x30: {  	s3 =	sld [smem:$0x3FAF]  }
0x31: {  	[smem:$0x3FB8] =	sst s10  }
0x32: {  	s10 =	sld [smem:$0x3FB6];
	_ =	sdelay $0x3  }
0x33: {  	p0 =	seq.s32 s10, $0x1;
	s10 =	sld [smem:$0x3FB8];
	_ =	sdelay $0x3  }
0x34: {  	[smem:$0x3FB8] =	sst s10  }
0x35: {  	s10 =	sld [smem:$0x3FB7];
	_ =	sdelay $0x3  }
0x36: {  	p1 =	seq.s32 s10, $0x1;
	s10 =	sld [smem:$0x3FB8];
	_ =	sdelay $0x3  }
0x37: {  	[smem:$0x3FB8] =	sst s10  }
0x38: {  	s10 =	sld [smem:$0x3FB9]  }
0x39: {  	_ = 	snop;
	(pc) =	sbr.ind lr, $3  }
0x3a: {  	_ = 	snop  }
0x3b: {  	_ = 	snop  }
0x3c: {  	p2 =	seq.s32 s10, $0x1;
	s10 =	sld [smem:$0x3FB8]  }
0x3d: {  	_ =	shalt  }
0x3e: {  	_ =	shalt  }
0x3f: {  	_ =	shalt  }
0x40: {  	_ =	shalt  }
0x41: {  	_ =	shalt  }
0x42: {  	_ =	shalt  }
0x43: {  	_ =	shalt  }
0x44: {  	_ =	shalt  }
0x45: {  	_ =	shalt  }
0x46: {  	_ =	shalt  }
0x47: {  	_ =	shalt  }
0x48: {  	_ =	shalt  }
0x49: {  	_ =	shalt  }
0x4a: {  	_ =	shalt  }
0x4b: {  	_ =	shalt  }
0x4c: {  	_ =	shalt  }
0x4d: {  	_ =	shalt  }
0x4e: {  	_ =	shalt  }
0x4f: {  	_ =	shalt  }
0x50: {  	_ =	shalt  }
0x51: {  	_ =	shalt  }
0x52: {  	_ =	shalt  }
0x53: {  	_ =	shalt  }
0x54: {  	_ =	shalt  }
0x55: {  	_ =	shalt  }
0x56: {  	_ =	shalt  }
0x57: {  	_ =	shalt  }
0x58: {  	_ =	shalt  }
0x59: {  	_ =	shalt  }
0x5a: {  	_ =	shalt  }
0x5b: {  	_ =	shalt  }
0x5c: {  	_ =	shalt  }
0x5d: {  	_ =	shalt  }
0x5e: {  	_ =	shalt  }
0x5f: {  	_ =	shalt  }
0x60: {  	_ =	shalt  }
0x61: {  	_ =	shalt  }
0x62: {  	_ =	shalt  }
0x63: {  	_ =	shalt  }
0x64: {  	_ =	shalt  }
0x65: {  	_ =	shalt  }
0x66: {  	_ =	shalt  }
0x67: {  	_ =	shalt  }
0x68: {  	_ =	shalt  }
0x69: {  	_ =	shalt  }
0x6a: {  	_ =	shalt  }
0x6b: {  	_ =	shalt  }
0x6c: {  	_ =	shalt  }
0x6d: {  	_ =	shalt  }
0x6e: {  	_ =	shalt  }
0x6f: {  	_ =	shalt  }
0x70: {  	_ =	shalt  }
0x71: {  	_ =	shalt  }
0x72: {  	_ =	shalt  }
0x73: {  	_ =	shalt  }
0x74: {  	_ =	shalt  }
0x75: {  	_ =	shalt  }
0x76: {  	_ =	shalt  }
0x77: {  	_ =	shalt  }
0x78: {  	_ =	shalt  }
0x79: {  	_ =	shalt  }
0x7a: {  	_ =	shalt  }
0x7b: {  	_ =	shalt  }
0x7c: {  	_ =	shalt  }
0x7d: {  	_ =	shalt  }
0x7e: {  	_ =	shalt  }
0x7f: {  	_ =	shalt  }
0x80: {  	_ =	shalt  }
0x81: {  	_ =	shalt  }
0x82: {  	_ =	shalt  }
0x83: {  	_ =	shalt  }
0x84: {  	_ =	shalt  }
0x85: {  	_ =	shalt  }
0x86: {  	_ =	shalt  }
0x87: {  	_ =	shalt  }
.Lfunc_end0:
.L_simem_size_0:
called_computation_lowered:
.L_overlay_start_0:
0x88: {  	s2 =	sld [smem:$0x3FD9]  }
0x89: {  	s3 =	sld [smem:$0x3FFE];
	_ =	sdelay $0x1  }
0x8a: {  	s1 =	srdreg.scid  }
0x8b: {  	s0 =	sand.u32 $0x1, s1  }
0x8c: {  	s17 =	sshll.u32 s0, $0xA;
	s2 =	sadd.s32 s3, s2  }
0x8d: {  	s2 =	sadd.s32 s2, s17  }
0x8e: {  	[smem:$0x3FC4] =	sst s2  }
0x8f: {  	_ = 	snop  }
0x90: {  	s2 =	sld [smem:$0x3FC9]  }
0x91: {  	s18 =	sld [smem:$0x3FC7];
	(tm) =	ssettm $0x1  }
0x92: {  	s4 =	sld [smem:$0x3FFB];
	_ =	sdelay $0x3  }
0x93: {  	_ =	strace s4  }
0x94: {  	s4 =	sld [smem:$0x3FFC];
	_ =	sdelay $0x3  }
0x95: {  	_ =	strace s4  }
0x96: {  	s4 =	sld [smem:$0x3FFD];
	_ =	sdelay $0x3  }
0x97: {  	_ =	strace s4  }
0x98: {  	_ =	strace $0x8FFFFFFF  }
0x99: {  	s19 =	sld [smem:$0x3FDB];
	_ =	sdelay $0x1  }
0x9a: {  	s5 =	simm.s32 $_scs_section_size  }
0x9b: {  	s6 =	simm.s32 $_size__tile_overlayer_lowered;
	s7 =	simm.s32 $_tile_overlayer_lowered  }
0x9c: {  	s22 =	simm.s32 $0x1BFF;
	s21 =	sshll.u32 s7, $0x1;
	s4 =	sadd.s32 s5, s19  }
0x9d: {  	s8 =	simm.s32 $0x0;
	s20 =	sshll.u32 s6, $0x1;
	s6 =	sadd.s32 s21, s4  }
0x9e: {  	[timem:s8], [sflag:s22] =	dma.local [hbm:s6], s20  }
0x9f: {  	_ =	swait.ge [sflag:s22], s20  }
0xa0: {  	s5 =	ssub.s32 $0x0, s20;
	[sflag:s22] =	ssyncset.done $0x0  }
0xa1: {  	[sflag:s22] =	ssyncadd.s32 s5;
	_ =	sdelay $0x1  }
0xa2: {  	s23 =	simm.s32 $0x1B8B  }
0xa3: {  	_ =	swait.ge [sflag:s23], $0x1  }
0xa4: {  	[sflag:s23] =	ssyncset.done $0x0  }
0xa5: {  	s25 =	simm.s32 $0x1B8E;
	s24 =	sld [smem:$0x3FFE];
	[sflag:s23] =	ssyncadd.s32 $0xFFFFFFFF  }
0xa6: {  	s26 =	simm.s32 $execute0_lowered;
	[smem:$0x3FD2] =	sst s25  }
0xa7: {  	s6 =	sshll.u32 s26, $0x1;
	_ =	strace $0x80000046;
	[dreg:$0x1] =	wrdreg $0xFFFFFFFF  }
0xa8: {  	s28 =	simm.s32 $_size_execute0_lowered;
	s4 =	sadd.s32 s4, s6;
	[dreg:$0x0] =	wrdreg $0x0  }
0xa9: {  	s6 =	sshll.u32 s28, $0x1;
	[dreg:$0x2] =	wrdreg s4  }
0xaa: {  	[dreg:$0x3] =	wrdreg s6  }
0xab: {  	[dreg:$0x4] =	wrdreg $0xC0  }
0xac: {  	_ =	task [dreg:s8], $0x5FFFF  }
0xad: {  	[dreg:$0x1] =	wrdreg $0xFFFFFFFF  }
0xae: {  	[dreg:$0x0] =	wrdreg $0x60  }
0xaf: {  	[dreg:$0x2] =	wrdreg s2  }
0xb0: {  	[dreg:$0x3] =	wrdreg s18  }
0xb1: {  	[dreg:$0x4] =	wrdreg s24  }
0xb2: {  	[dreg:$0x5] =	wrdreg $0x9  }
0xb3: {  	_ =	task.clear_ibuf [dreg:s8], $0x6FFFF;
	_ =	strace $0x90000046  }
0xb4: {  	s29 =	simm.s32 $0x9;
	_ =	strace $0x80000048  }
0xb5: {  	_ =	swait.ge [sflag:s29], $0x1  }
0xb6: {  	[sflag:s29] =	ssyncadd.s32 $0xFFFFFFFF  }
0xb7: {  	_ =	strace $0x90000048  }
0xb8: {  	_ =	sfence  }
0xb9: {  	s30 =	sld [smem:$0x0];
	_ =	sdelay $0x2  }
0xba: {  	s31 =	sshll.u32 s1, $0xD;
	s1 =	sshrl.u32 s1, $0x2  }
0xbb: {  	s3 =	sand.u32 $0x4000, s31;
	s1 =	sadd.s32 s1, s30  }
0xbc: {  	s0 =	sor.u32 s3, s0;
	s1 =	sshll.u32 s1, $0x11  }
0xbd: {  	s0 =	sor.u32 s1, s0  }
0xbe: {  	s0 =	sadd.s32 $0x8F2B, s0  }
0xbf: {  	[sflag:s0] =	ssyncadd.remote.s32 $0x1  }
0xc0: {  	_ =	sfence.sel $0xFFFF  }
0xc1: {  	[dreg:$0x0] =	wrdreg $0xFFFFFFFF;
	(pc) =	sbr.abs _section_cstart, $3  }
0xc2: {  	[dreg:$0x1] =	wrdreg $0xFFFFFFFF  }
0xc3: {  	_ =	task.clear_ibuf [dreg:s8], $0x2FFFF;
	_ =	strace $0x9FFFFFFF  }
0xc4: {  	(tm) =	ssettm $0x7FFFFFFF  }
0xc5: {  	_ =	shalt  }
tec
execute0_lowered:
.L_overlay_start_1:
0x0: {  	(tag) =	ssettag $0x1  }
0x1: {  	s9 =	rddreg [dreg:$0x0]  }
0x2: {  	s10 =	rddreg [dreg:$0x1]  }
0x3: {  	s3 =	rddreg [dreg:$0x2]  }
0x4: {  	s0 =	rddreg [dreg:$0x3]  }
0x5: {  	s4 =	srdreg.scid;
	s1 =	stileid.u32;
	s2 =	simm.s32 $0x0  }
0x6: {  	s16 =	simm.s32 $0x1E000;
	s17 =	simm.s32 $0xF000;
	s18 =	simm.s32 $0x1EC00  }
0x7: {  	s19 =	simm.s32 $0x1F880;
	s20 =	simm.s32 $0x1;
	s21 =	simm.s32 $0x1F800  }
0x8: {  	s22 =	simm.s32 $0x2;
	s23 =	simm.s32 $0x1F900;
	s24 =	simm.s32 $0x3  }
0x9: {  	s25 =	simm.s32 $0x0;
	s4 =	sand.u32 $0x1, s4;
	s5 =	sshll.u32 s1, $0x1  }
0xa: {  	[smem:$0x7FF] =	sst s2;
	s11 =	sadd.s32 $0xA00, s3;
	s5 =	sor.u32 s4, s5  }
0xb: {  	_ =	strace $0x80000047;
	s4 =	ssub.s32 $0x2, s4;
	s6 =	smul.u32 $0x180, s5  }
0xc: {  	s7 =	sshll.u32 s5, $0x4;
	s5 =	smul.u32 $0xC00, s5;
	s31 =	sshrl.u32 s4, $0x1  }
0xd: {  	s12 =	sadd.s32 s7, s3;
	s13 =	ssub.s32 s4, s31;
	s3 =	sadd.s32 s9, s6  }
0xe: {  	s8 =	sshrl.u32 s5, $0x3;
	s4 =	sadd.s32 s10, s6;
	s5 =	sadd.s32 s11, s6  }
0xf: {  	s12 =	sadd.s32 $0x4A00, s12;
	s13 =	smax.u32 s13, $0x1;
	s14 =	sadd.s32 $0x80, s8  }
0x10: {  	s15 =	sadd.s32 $0x100, s8;
	s6 =	sadd.s32 s9, s14;
	s7 =	sadd.s32 s10, s14  }
0x11: {  	s8 =	sadd.s32 s11, s14;
	s9 =	sadd.s32 s9, s15;
	s10 =	sadd.s32 s10, s15  }
0x12: {  	v0 =	vlaneseq.u32;
	s11 =	sadd.s32 s11, s15;
	s14 =	simm.s32 $0x400;
	s15 =	simm.s32 $0x20000  }
.LBB2_1:
0x13: {  	[tilespmem:s2], [sflag:$0x1] =	stream.strided.gather [hbm4b:s3+s14], $0xF000, s15, s14, $0x38;
	[tilespmem:$0x1F980] =	vst v63  }
0x14: {  	_ = 	snop  }
0x15: {  	[tilespmem:s16], [sflag:$0x1] =	stream.strided.gather [hbm4b:s4+s14], $0xC00, s15, s14, $0x38;
	[tilespmem:$0x1F980] =	vst v63  }
0x16: {  	_ = 	snop  }
0x17: {  	[tilespmem:s21], [sflag:$0x1] =	stream.linear.gather [hbm4b:s5+s2], $0x80, $0x38;
	[tilespmem:$0x1F980] =	vst v63  }
0x18: {  	_ = 	snop  }
0x19: {  	[tilespmem:s17], [sflag:$0x2] =	stream.strided.gather [hbm4b:s6+s14], $0xF000, s15, s14, $0x38;
	[tilespmem:$0x1F980] =	vst v63  }
0x1a: {  	_ = 	snop  }
0x1b: {  	[tilespmem:s18], [sflag:$0x2] =	stream.strided.gather [hbm4b:s7+s14], $0xC00, s15, s14, $0x38;
	[tilespmem:$0x1F980] =	vst v63  }
0x1c: {  	_ = 	snop  }
0x1d: {  	[tilespmem:s19], [sflag:$0x2] =	stream.linear.gather [hbm4b:s8+s2], $0x80, $0x38;
	[tilespmem:$0x1F980] =	vst v63  }
0x1e: {  	_ =	swait.ge [sflag:s20], $0xF000  }
0x1f: {  	[sflag:s20] =	ssyncset.done $0x0  }
0x20: {  	[sflag:s20] =	ssyncadd.s32 $0xFFFF1000  }
0x21: {  	_ =	swait.ge [sflag:s20], $0xC00  }
0x22: {  	[sflag:s20] =	ssyncset.done $0x0  }
0x23: {  	[sflag:s20] =	ssyncadd.s32 $0xFFFFF400  }
0x24: {  	_ =	swait.ge [sflag:s20], $0x80  }
0x25: {  	[sflag:s20] =	ssyncset.done $0x0  }
0x26: {  	[sflag:s20] =	ssyncadd.s32 $0xFFFFFF80  }
0x27: {  	v1 =	vld [tilespmem:s21+$0x0];
	_ =	sdelay $0x4  }
0x28: {  	v2 =	vmul.u32 $0xC00, v1  }
0x29: {  	v3 =	vor.u32 s2, v0  }
0x2a: {  	v4 =	vor.u32 v3, v2;
	_ =	sdelay $0x1  }
0x2b: {  	s26 =	simm.s32 $0x1E600;
	v5 =	vor.u32 $0x80, v4  }
0x2c: {  	v8 =	vld [tilespmem:s26+$0xFFFFFA00]  }
0x2d: {  	v10 =	vld [tilespmem:s26+$0xFFFFFA80];
	v6 =	vor.u32 $0x100, v4  }
0x2e: {  	v9 =	vor.u32 $0x180, v4;
	v7 =	vld.idx.msk [tilespmem:v4+s2+$0x0], $0xffff  }
0x2f: {  	v12 =	vld [tilespmem:s26+$0xFFFFFB00]  }
0x30: {  	v11 =	vor.u32 $0x200, v4;
	v5 =	vld.idx.msk [tilespmem:v5+s2+$0x0], $0xffff  }
0x31: {  	v1 =	vld [tilespmem:s26+$0x300]  }
0x32: {  	v13 =	vor.u32 $0x280, v4;
	v6 =	vld.idx.msk [tilespmem:v6+s2+$0x0], $0xffff  }
0x33: {  	v7 =	vsub.f32 v7, v8;
	v8 =	vld.idx.msk [tilespmem:v9+s2+$0x0], $0xffff  }
0x34: {  	v14 =	vor.u32 $0x300, v4;
	v9 =	vld [tilespmem:s26+$0xFFFFFB80]  }
0x35: {  	v15 =	vimm.f32 $0.0e+00;
	v5 =	vsub.f32 v5, v10;
	v10 =	vld.idx.msk [tilespmem:v11+s2+$0x0], $0xffff;
	v7 =	vand.u32 $0x7FFFFFFF, v7  }
0x36: {  	v4 =	vor.u32 $0x380, v4;
	v11 =	vld [tilespmem:s26+$0xFFFFFC00];
	v7 =	vadd.f32 v7, v15  }
0x37: {  	v2 =	vadd.s32 v3, v2;
	v6 =	vsub.f32 v6, v12;
	v12 =	vld.idx.msk [tilespmem:v13+s2+$0x0], $0xffff;
	v5 =	vand.u32 $0x7FFFFFFF, v5  }
0x38: {  	v3 =	vadd.f32 v5, v7;
	v5 =	vld [tilespmem:s26+$0xFFFFFC80];
	v7 =	vadd.s32 $0x400, v2  }
0x39: {  	v6 =	vand.u32 $0x7FFFFFFF, v6;
	v8 =	vsub.f32 v8, v9;
	v9 =	vld.idx.msk [tilespmem:v14+s2+$0x0], $0xffff  }
0x3a: {  	v13 =	vadd.s32 $0x480, v2;
	v3 =	vadd.f32 v6, v3;
	v6 =	vld [tilespmem:s26+$0xFFFFFD00]  }
0x3b: {  	v4 =	vld.idx.msk [tilespmem:v4+s2+$0x0], $0xffff;
	v10 =	vsub.f32 v10, v11;
	v8 =	vand.u32 $0x7FFFFFFF, v8  }
0x3c: {  	v11 =	vadd.s32 $0x500, v2;
	v3 =	vadd.f32 v8, v3;
	v8 =	vld [tilespmem:s26+$0xFFFFFD80]  }
0x3d: {  	v10 =	vand.u32 $0x7FFFFFFF, v10;
	v5 =	vsub.f32 v12, v5;
	v7 =	vld.idx.msk [tilespmem:v7+s2+$0x0], $0xffff  }
0x3e: {  	v12 =	vadd.s32 $0x580, v2;
	v3 =	vadd.f32 v10, v3;
	v10 =	vld [tilespmem:s26+$0xFFFFFE00]  }
0x3f: {  	v5 =	vand.u32 $0x7FFFFFFF, v5;
	v6 =	vsub.f32 v9, v6;
	v9 =	vld.idx.msk [tilespmem:v13+s2+$0x0], $0xffff  }
0x40: {  	v13 =	vadd.s32 $0x600, v2;
	v3 =	vadd.f32 v5, v3;
	v5 =	vld [tilespmem:s26+$0xFFFFFE80]  }
0x41: {  	v6 =	vand.u32 $0x7FFFFFFF, v6;
	v4 =	vsub.f32 v4, v8;
	v8 =	vld.idx.msk [tilespmem:v11+s2+$0x0], $0xffff  }
0x42: {  	v11 =	vadd.s32 $0x680, v2;
	v3 =	vadd.f32 v6, v3;
	v6 =	vld [tilespmem:s26+$0xFFFFFF00]  }
0x43: {  	v4 =	vand.u32 $0x7FFFFFFF, v4;
	v7 =	vsub.f32 v7, v10;
	v10 =	vld.idx.msk [tilespmem:v12+s2+$0x0], $0xffff  }
0x44: {  	v12 =	vadd.s32 $0x700, v2;
	v3 =	vadd.f32 v4, v3;
	v4 =	vld [tilespmem:s26+$0xFFFFFF80]  }
0x45: {  	v7 =	vand.u32 $0x7FFFFFFF, v7;
	v5 =	vsub.f32 v9, v5;
	v9 =	vld.idx.msk [tilespmem:v13+s2+$0x0], $0xffff  }
0x46: {  	v13 =	vadd.s32 $0x780, v2;
	v3 =	vadd.f32 v7, v3;
	v7 =	vld [tilespmem:s26+$0x0]  }
0x47: {  	v5 =	vand.u32 $0x7FFFFFFF, v5;
	v6 =	vsub.f32 v8, v6;
	v8 =	vld.idx.msk [tilespmem:v11+s2+$0x0], $0xffff  }
0x48: {  	v11 =	vadd.s32 $0x800, v2;
	v3 =	vadd.f32 v5, v3;
	v5 =	vld [tilespmem:s26+$0x80]  }
0x49: {  	v6 =	vand.u32 $0x7FFFFFFF, v6;
	v4 =	vsub.f32 v10, v4;
	v10 =	vld.idx.msk [tilespmem:v12+s2+$0x0], $0xffff  }
0x4a: {  	v12 =	vadd.s32 $0x880, v2;
	v3 =	vadd.f32 v6, v3;
	v6 =	vld [tilespmem:s26+$0x100]  }
0x4b: {  	v4 =	vand.u32 $0x7FFFFFFF, v4;
	v7 =	vsub.f32 v9, v7;
	v9 =	vld.idx.msk [tilespmem:v13+s2+$0x0], $0xffff  }
0x4c: {  	v13 =	vld [tilespmem:s26+$0x180];
	v3 =	vadd.f32 v4, v3  }
0x4d: {  	v14 =	vadd.s32 $0x900, v2;
	v4 =	vand.u32 $0x7FFFFFFF, v7;
	v8 =	vsub.f32 v8, v5;
	v5 =	vld.idx.msk [tilespmem:v11+s2+$0x0], $0xffff  }
0x4e: {  	v7 =	vld [tilespmem:s26+$0x200];
	v11 =	vadd.s32 $0x980, v2;
	v3 =	vadd.f32 v4, v3  }
0x4f: {  	v4 =	vld.idx.msk [tilespmem:v12+s2+$0x0], $0xffff;
	v8 =	vand.u32 $0x7FFFFFFF, v8;
	v15 =	vsub.f32 v10, v6  }
0x50: {  	s29 =	simm.s32 $0x1F810;
	v6 =	vld [tilespmem:s26+$0x280];
	v10 =	vadd.s32 $0xA00, v2;
	v16 =	vadd.f32 v8, v3  }
0x51: {  	v12 =	vld [tilespmem:s29+$0x0];
	v8 =	vsub.f32 v9, v13;
	v15 =	vand.u32 $0x7FFFFFFF, v15  }
0x52: {  	s28 =	simm.s32 $0x10;
	s30 =	simm.s32 $0x20;
	v3 =	vld.idx.msk [tilespmem:v14+s2+$0x0], $0xffff;
	v13 =	vadd.s32 $0xA80, v2;
	v9 =	vadd.f32 v15, v16  }
.LBB2_2:
0x53: {  	p0 =	sne.s32 s30, $0x70;
	v8 =	vand.u32 $0x7FFFFFFF, v8;
	v5 =	vsub.f32 v5, v7;
	v7 =	vld.idx.msk [tilespmem:v11+s2+$0x0], $0xffff  }
0x54: {  	v11 =	vadd.s32 $0xB00, v2;
	v8 =	vadd.f32 v8, v9;
	v9 =	vld [tilespmem:s26+$0x380]  }
0x55: {  	v5 =	vand.u32 $0x7FFFFFFF, v5;
	v4 =	vsub.f32 v4, v6;
	v6 =	vld.idx.msk [tilespmem:v10+s2+$0x0], $0xffff  }
0x56: {  	v2 =	vadd.s32 $0xB80, v2;
	v5 =	vadd.f32 v5, v8;
	v8 =	vld [tilespmem:s26+$0x400]  }
0x57: {  	v1 =	vsub.f32 v3, v1;
	v10 =	vmul.u32 $0xC00, v12;
	v4 =	vand.u32 $0x7FFFFFFF, v4;
	v3 =	vld.idx.msk [tilespmem:v13+s2+$0x0], $0xffff  }
0x58: {  	v12 =	vor.u32 s28, v0;
	s28 =	smov.u32 s30;
	v4 =	vadd.f32 v4, v5;
	v5 =	vld [tilespmem:s26+$0x480]  }
0x59: {  	v1 =	vand.u32 $0x7FFFFFFF, v1;
	v13 =	vor.u32 v12, v10;
	v7 =	vsub.f32 v7, v9;
	v9 =	vld.idx.msk [tilespmem:v11+s2+$0x0], $0xffff  }
0x5a: {  	v1 =	vadd.f32 v1, v4;
	v4 =	vld [tilespmem:s26+$0x500]  }
0x5b: {  	v11 =	vor.u32 $0x80, v13;
	v7 =	vand.u32 $0x7FFFFFFF, v7;
	v6 =	vsub.f32 v6, v8;
	v2 =	vld.idx.msk [tilespmem:v2+s2+$0x0], $0xffff  }
0x5c: {  	v7 =	vadd.f32 v7, v1;
	v8 =	vld [tilespmem:s26+$0x580];
	s26 =	sadd.s32 $0x10, s26  }
0x5d: {  	v14 =	vor.u32 $0x100, v13;
	v1 =	vld [tilespmem:s26+$0x300];
	v6 =	vand.u32 $0x7FFFFFFF, v6;
	v3 =	vsub.f32 v3, v5  }
0x5e: {  	v5 =	vld.idx.msk [tilespmem:v13+s2+$0x0], $0xffff;
	v6 =	vadd.f32 v6, v7  }
0x5f: {  	v15 =	vor.u32 $0x180, v13;
	v7 =	vld [tilespmem:s26+$0xFFFFFA00];
	v3 =	vand.u32 $0x7FFFFFFF, v3;
	v4 =	vsub.f32 v9, v4  }
0x60: {  	v9 =	vld.idx.msk [tilespmem:v11+s2+$0x0], $0xffff;
	v3 =	vadd.f32 v3, v6  }
0x61: {  	v11 =	vor.u32 $0x200, v13;
	v6 =	vld [tilespmem:s26+$0xFFFFFA80];
	v4 =	vand.u32 $0x7FFFFFFF, v4;
	v2 =	vsub.f32 v2, v8  }
0x62: {  	v8 =	vld.idx.msk [tilespmem:v14+s2+$0x0], $0xffff;
	v3 =	vadd.f32 v4, v3  }
0x63: {  	v14 =	vor.u32 $0x280, v13;
	v4 =	vld [tilespmem:s26+$0xFFFFFB00];
	v2 =	vand.u32 $0x7FFFFFFF, v2  }
0x64: {  	v5 =	vsub.f32 v5, v7;
	v7 =	vld.idx.msk [tilespmem:v15+s2+$0x0], $0xffff;
	v2 =	vadd.f32 v2, v3  }
0x65: {  	v15 =	vor.u32 $0x300, v13;
	v3 =	vld [tilespmem:s26+$0xFFFFFB80]  }
0x66: {  	v5 =	vand.u32 $0x7FFFFFFF, v5;
	v6 =	vsub.f32 v9, v6;
	v9 =	vld.idx.msk [tilespmem:v11+s2+$0x0], $0xffff  }
0x67: {  	v13 =	vor.u32 $0x380, v13;
	v5 =	vadd.f32 v5, v2;
	v11 =	vld [tilespmem:s26+$0xFFFFFC00]  }
0x68: {  	v2 =	vadd.s32 v12, v10;
	v6 =	vand.u32 $0x7FFFFFFF, v6;
	v4 =	vsub.f32 v8, v4;
	v8 =	vld.idx.msk [tilespmem:v14+s2+$0x0], $0xffff  }
0x69: {  	v10 =	vadd.s32 $0x400, v2;
	v5 =	vadd.f32 v6, v5;
	v6 =	vld [tilespmem:s26+$0xFFFFFC80]  }
0x6a: {  	v4 =	vand.u32 $0x7FFFFFFF, v4;
	v3 =	vsub.f32 v7, v3;
	v7 =	vld.idx.msk [tilespmem:v15+s2+$0x0], $0xffff  }
0x6b: {  	v12 =	vadd.s32 $0x480, v2;
	v4 =	vadd.f32 v4, v5;
	v5 =	vld [tilespmem:s26+$0xFFFFFD00]  }
0x6c: {  	v3 =	vand.u32 $0x7FFFFFFF, v3;
	v9 =	vsub.f32 v9, v11;
	v11 =	vld.idx.msk [tilespmem:v13+s2+$0x0], $0xffff  }
0x6d: {  	v13 =	vadd.s32 $0x500, v2;
	v3 =	vadd.f32 v3, v4;
	v4 =	vld [tilespmem:s26+$0xFFFFFD80]  }
0x6e: {  	v9 =	vand.u32 $0x7FFFFFFF, v9;
	v6 =	vsub.f32 v8, v6;
	v8 =	vld.idx.msk [tilespmem:v10+s2+$0x0], $0xffff  }
0x6f: {  	v10 =	vadd.s32 $0x580, v2;
	v3 =	vadd.f32 v9, v3;
	v9 =	vld [tilespmem:s26+$0xFFFFFE00]  }
0x70: {  	v6 =	vand.u32 $0x7FFFFFFF, v6;
	v5 =	vsub.f32 v7, v5;
	v7 =	vld.idx.msk [tilespmem:v12+s2+$0x0], $0xffff  }
0x71: {  	v12 =	vadd.s32 $0x600, v2;
	v3 =	vadd.f32 v6, v3;
	v6 =	vld [tilespmem:s26+$0xFFFFFE80]  }
0x72: {  	v5 =	vand.u32 $0x7FFFFFFF, v5;
	v4 =	vsub.f32 v11, v4;
	v11 =	vld.idx.msk [tilespmem:v13+s2+$0x0], $0xffff  }
0x73: {  	v13 =	vadd.s32 $0x680, v2;
	v3 =	vadd.f32 v5, v3;
	v5 =	vld [tilespmem:s26+$0xFFFFFF00]  }
0x74: {  	v4 =	vand.u32 $0x7FFFFFFF, v4;
	v8 =	vsub.f32 v8, v9;
	v9 =	vld.idx.msk [tilespmem:v10+s2+$0x0], $0xffff  }
0x75: {  	v10 =	vadd.s32 $0x700, v2;
	v3 =	vadd.f32 v4, v3;
	v4 =	vld [tilespmem:s26+$0xFFFFFF80]  }
0x76: {  	v8 =	vand.u32 $0x7FFFFFFF, v8;
	v6 =	vsub.f32 v7, v6;
	v7 =	vld.idx.msk [tilespmem:v12+s2+$0x0], $0xffff  }
0x77: {  	v12 =	vadd.s32 $0x780, v2;
	v3 =	vadd.f32 v8, v3;
	v8 =	vld [tilespmem:s26+$0x0]  }
0x78: {  	v6 =	vand.u32 $0x7FFFFFFF, v6;
	v5 =	vsub.f32 v11, v5;
	v11 =	vld.idx.msk [tilespmem:v13+s2+$0x0], $0xffff  }
0x79: {  	v13 =	vadd.s32 $0x800, v2;
	v3 =	vadd.f32 v6, v3;
	v6 =	vld [tilespmem:s26+$0x80]  }
0x7a: {  	v5 =	vand.u32 $0x7FFFFFFF, v5;
	v4 =	vsub.f32 v9, v4;
	v9 =	vld.idx.msk [tilespmem:v10+s2+$0x0], $0xffff  }
0x7b: {  	v14 =	vadd.s32 $0x880, v2;
	v3 =	vadd.f32 v5, v3;
	v10 =	vld [tilespmem:s26+$0x100]  }
0x7c: {  	v4 =	vand.u32 $0x7FFFFFFF, v4;
	v5 =	vsub.f32 v7, v8;
	v8 =	vld.idx.msk [tilespmem:v12+s2+$0x0], $0xffff  }
0x7d: {  	v15 =	vadd.s32 $0x900, v2;
	v3 =	vadd.f32 v4, v3;
	v12 =	vld [tilespmem:s26+$0x180]  }
0x7e: {  	v4 =	vand.u32 $0x7FFFFFFF, v5;
	v6 =	vsub.f32 v11, v6;
	v5 =	vld.idx.msk [tilespmem:v13+s2+$0x0], $0xffff  }
.Ltmp0:
0x7f: {  	v11 =	vadd.s32 $0x980, v2;
	v3 =	vadd.f32 v4, v3;
	v7 =	vld [tilespmem:s26+$0x200];
	(pc) =	sbr.rel @p0 .LBB2_2-.Ltmp0, $4  }
0x80: {  	v6 =	vand.u32 $0x7FFFFFFF, v6;
	v9 =	vsub.f32 v9, v10;
	v4 =	vld.idx.msk [tilespmem:v14+s2+$0x0], $0xffff  }
0x81: {  	v10 =	vadd.s32 $0xA00, v2;
	v13 =	vadd.f32 v6, v3;
	v6 =	vld [tilespmem:s26+$0x280]  }
0x82: {  	s29 =	sadd.s32 $0x10, s29;
	v9 =	vand.u32 $0x7FFFFFFF, v9;
	v8 =	vsub.f32 v8, v12;
	v3 =	vld.idx.msk [tilespmem:v15+s2+$0x0], $0xffff  }
0x83: {  	s30 =	sadd.s32 $0x10, s30;
	v12 =	vld [tilespmem:s29+$0x0];
	v9 =	vadd.f32 v9, v13;
	v13 =	vadd.s32 $0xA80, v2  }
0x84: {  	_ =	sdelay $0x3  }
0x85: {  	v11 =	vld.idx.msk [tilespmem:v11+s2+$0x0], $0xffff  }
0x86: {  	v14 =	vld [tilespmem:s26+$0x380]  }
0x87: {  	v10 =	vld.idx.msk [tilespmem:v10+s2+$0x0], $0xffff  }
0x88: {  	v16 =	vld [tilespmem:s26+$0x400]  }
0x89: {  	v13 =	vld.idx.msk [tilespmem:v13+s2+$0x0], $0xffff  }
0x8a: {  	v18 =	vld [tilespmem:s26+$0x480]  }
0x8b: {  	v20 =	vld [tilespmem:s26+$0x500]  }
0x8c: {  	v23 =	vld [tilespmem:s26+$0x580];
	s31 =	sadd.s32 $0x10, s26  }
0x8d: {  	v26 =	vld [tilespmem:s31+$0xFFFFFA00]  }
0x8e: {  	v28 =	vld [tilespmem:s31+$0xFFFFFA80]  }
0x8f: {  	v30 =	vld [tilespmem:s31+$0xFFFFFB00]  }
0x90: {  	v32 =	vld [tilespmem:s31+$0xFFFFFB80]  }
0x91: {  	v34 =	vld [tilespmem:s31+$0xFFFFFC00]  }
0x92: {  	v57 =	vld [tilespmem:s31+$0xFFFFFC80]  }
0x93: {  	v36 =	vld [tilespmem:s31+$0xFFFFFD00]  }
0x94: {  	v5 =	vsub.f32 v5, v7;
	v7 =	vld [tilespmem:s31+$0xFFFFFD80]  }
0x95: {  	v40 =	vld [tilespmem:s31+$0x100]  }
0x96: {  	v42 =	vld [tilespmem:s31+$0x180]  }
0x97: {  	v46 =	vld [tilespmem:s31+$0x200]  }
0x98: {  	v15 =	vadd.s32 $0xB00, v2;
	v49 =	vld [tilespmem:s31+$0x280]  }
0x99: {  	v2 =	vadd.s32 $0xB80, v2;
	v53 =	vld [tilespmem:s31+$0x380]  }
0x9a: {  	v56 =	vld [tilespmem:s31+$0x400]  }
0x9b: {  	v4 =	vsub.f32 v4, v6;
	v6 =	vld [tilespmem:s31+$0xFFFFFE00]  }
0x9c: {  	v1 =	vsub.f32 v3, v1;
	v3 =	vld [tilespmem:s31+$0xFFFFFE80]  }
0x9d: {  	v12 =	vmul.u32 $0xC00, v12;
	v15 =	vld.idx.msk [tilespmem:v15+s2+$0x0], $0xffff  }
0x9e: {  	v17 =	vor.u32 s28, v0;
	v8 =	vand.u32 $0x7FFFFFFF, v8;
	v22 =	vld.idx.msk [tilespmem:v2+s2+$0x0], $0xffff  }
0x9f: {  	v8 =	vadd.f32 v8, v9;
	v2 =	vld [tilespmem:s31+$0x300];
	v19 =	vor.u32 v17, v12  }
0xa0: {  	v5 =	vand.u32 $0x7FFFFFFF, v5;
	v11 =	vsub.f32 v11, v14;
	v14 =	vld [tilespmem:s31+$0xFFFFFF00];
	v21 =	vor.u32 $0x80, v19  }
0xa1: {  	v5 =	vadd.f32 v5, v8;
	v10 =	vsub.f32 v10, v16;
	v16 =	vld [tilespmem:s31+$0xFFFFFF80];
	v24 =	vor.u32 $0x100, v19  }
0xa2: {  	v4 =	vand.u32 $0x7FFFFFFF, v4;
	v13 =	vsub.f32 v13, v18;
	v18 =	vld [tilespmem:s31+$0x0];
	v27 =	vor.u32 $0x180, v19  }
0xa3: {  	v4 =	vadd.f32 v4, v5;
	v29 =	vor.u32 $0x200, v19;
	v15 =	vsub.f32 v15, v20;
	v20 =	vld [tilespmem:s31+$0x80]  }
0xa4: {  	v1 =	vand.u32 $0x7FFFFFFF, v1;
	v31 =	vor.u32 $0x280, v19;
	v25 =	vld.idx.msk [tilespmem:v19+s2+$0x0], $0xffff  }
0xa5: {  	v12 =	vadd.s32 v17, v12;
	v33 =	vor.u32 $0x300, v19;
	v1 =	vadd.f32 v1, v4;
	v21 =	vld.idx.msk [tilespmem:v21+s2+$0x0], $0xffff  }
0xa6: {  	v35 =	vadd.s32 $0x400, v12;
	v11 =	vand.u32 $0x7FFFFFFF, v11;
	v24 =	vld.idx.msk [tilespmem:v24+s2+$0x0], $0xffff  }
0xa7: {  	v37 =	vadd.s32 $0x480, v12;
	v1 =	vadd.f32 v11, v1;
	v27 =	vld.idx.msk [tilespmem:v27+s2+$0x0], $0xffff  }
0xa8: {  	v38 =	vadd.s32 $0x500, v12;
	v10 =	vand.u32 $0x7FFFFFFF, v10;
	v29 =	vld.idx.msk [tilespmem:v29+s2+$0x0], $0xffff  }
0xa9: {  	v58 =	vadd.s32 $0x580, v12;
	v1 =	vadd.f32 v10, v1;
	v31 =	vld.idx.msk [tilespmem:v31+s2+$0x0], $0xffff  }
0xaa: {  	v59 =	vadd.s32 $0x600, v12;
	v13 =	vand.u32 $0x7FFFFFFF, v13;
	v33 =	vld.idx.msk [tilespmem:v33+s2+$0x0], $0xffff  }
0xab: {  	v60 =	vadd.s32 $0x680, v12;
	v9 =	vld.idx.msk [tilespmem:v35+s2+$0x0], $0xffff;
	v1 =	vadd.f32 v13, v1  }
0xac: {  	v63 =	vadd.s32 $0x800, v12;
	v22 =	vsub.f32 v22, v23;
	v8 =	vld.idx.msk [tilespmem:v37+s2+$0x0], $0xffff;
	v15 =	vand.u32 $0x7FFFFFFF, v15  }
0xad: {  	v41 =	vadd.s32 $0x880, v12;
	v5 =	vld.idx.msk [tilespmem:v38+s2+$0x0], $0xffff;
	v1 =	vadd.f32 v15, v1  }
0xae: {  	v43 =	vadd.s32 $0x900, v12;
	v4 =	vld.idx.msk [tilespmem:v58+s2+$0x0], $0xffff;
	v22 =	vand.u32 $0x7FFFFFFF, v22;
	v25 =	vsub.f32 v25, v26  }
0xaf: {  	v45 =	vadd.s32 $0x980, v12;
	v11 =	vld.idx.msk [tilespmem:v59+s2+$0x0], $0xffff;
	v1 =	vadd.f32 v22, v1  }
0xb0: {  	v48 =	vadd.s32 $0xA00, v12;
	v10 =	vld.idx.msk [tilespmem:v60+s2+$0x0], $0xffff;
	v21 =	vsub.f32 v21, v28;
	v25 =	vand.u32 $0x7FFFFFFF, v25  }
0xb1: {  	v44 =	vld.idx.msk [tilespmem:v63+s2+$0x0], $0xffff;
	v1 =	vadd.f32 v25, v1  }
0xb2: {  	v19 =	vor.u32 $0x380, v19;
	v47 =	vld.idx.msk [tilespmem:v41+s2+$0x0], $0xffff;
	v24 =	vsub.f32 v24, v30;
	v21 =	vand.u32 $0x7FFFFFFF, v21  }
0xb3: {  	v61 =	vadd.s32 $0x700, v12;
	v54 =	vadd.s32 $0xB00, v12;
	v50 =	vld.idx.msk [tilespmem:v43+s2+$0x0], $0xffff;
	v1 =	vadd.f32 v21, v1  }
0xb4: {  	v62 =	vadd.s32 $0x780, v12;
	v52 =	vld.idx.msk [tilespmem:v45+s2+$0x0], $0xffff;
	v27 =	vsub.f32 v27, v32;
	v24 =	vand.u32 $0x7FFFFFFF, v24  }
0xb5: {  	v51 =	vadd.s32 $0xA80, v12;
	v12 =	vadd.s32 $0xB80, v12;
	v55 =	vld.idx.msk [tilespmem:v48+s2+$0x0], $0xffff;
	v1 =	vadd.f32 v24, v1  }
0xb6: {  	v58 =	vld [tilespmem:s31+$0x480];
	v29 =	vsub.f32 v29, v34;
	v27 =	vand.u32 $0x7FFFFFFF, v27  }
0xb7: {  	v19 =	vld.idx.msk [tilespmem:v19+s2+$0x0], $0xffff;
	v1 =	vadd.f32 v27, v1  }
0xb8: {  	v59 =	vld.idx.msk [tilespmem:v54+s2+$0x0], $0xffff;
	v17 =	vsub.f32 v31, v57;
	v29 =	vand.u32 $0x7FFFFFFF, v29  }
0xb9: {  	v60 =	vld [tilespmem:s31+$0x500];
	v1 =	vadd.f32 v29, v1  }
0xba: {  	v12 =	vld.idx.msk [tilespmem:v12+s2+$0x0], $0xffff;
	v33 =	vsub.f32 v33, v36;
	v17 =	vand.u32 $0x7FFFFFFF, v17  }
0xbb: {  	v13 =	vld.idx.msk [tilespmem:v61+s2+$0x0], $0xffff;
	v1 =	vadd.f32 v17, v1  }
0xbc: {  	v15 =	vld.idx.msk [tilespmem:v62+s2+$0x0], $0xffff;
	v61 =	vand.u32 $0x7FFFFFFF, v33;
	v7 =	vsub.f32 v19, v7  }
0xbd: {  	v62 =	vld [tilespmem:s31+$0x580];
	s31 =	simm.s32 $0x0;
	v1 =	vadd.f32 v61, v1  }
0xbe: {  	v57 =	vld.idx.msk [tilespmem:v51+s2+$0x0], $0xffff;
	v6 =	vsub.f32 v9, v6;
	[tilespmem:s31], [sflag:$0x1] =	stream.strided.gather [hbm4b:s9+s14], $0xF000, s15, s14, $0x38;
	v7 =	vand.u32 $0x7FFFFFFF, v7  }
0xbf: {  	v1 =	vadd.f32 v7, v1  }
0xc0: {  	v3 =	vsub.f32 v8, v3;
	v6 =	vand.u32 $0x7FFFFFFF, v6;
	[tilespmem:s16], [sflag:$0x1] =	stream.strided.gather [hbm4b:s10+s14], $0xC00, s15, s14, $0x38;
	[tilespmem:$0x1F980] =	vst v63  }
0xc1: {  	v1 =	vadd.f32 v6, v1  }
0xc2: {  	v5 =	vsub.f32 v5, v14;
	v3 =	vand.u32 $0x7FFFFFFF, v3;
	[tilespmem:s21], [sflag:$0x1] =	stream.linear.gather [hbm4b:s11+s31], $0x80, $0x38;
	[tilespmem:$0x1F980] =	vst v63  }
0xc3: {  	_ =	swait.ge [sflag:s22], $0xF000;
	v1 =	vadd.f32 v3, v1  }
0xc4: {  	[sflag:s22] =	ssyncset.done $0x0;
	v3 =	vsub.f32 v4, v16;
	v4 =	vand.u32 $0x7FFFFFFF, v5  }
0xc5: {  	[sflag:s22] =	ssyncadd.s32 $0xFFFF1000;
	v1 =	vadd.f32 v4, v1  }
0xc6: {  	_ =	swait.ge [sflag:s22], $0xC00;
	v4 =	vsub.f32 v11, v18;
	v3 =	vand.u32 $0x7FFFFFFF, v3  }
0xc7: {  	[sflag:s22] =	ssyncset.done $0x0;
	v1 =	vadd.f32 v3, v1  }
0xc8: {  	[sflag:s22] =	ssyncadd.s32 $0xFFFFF400;
	v3 =	vsub.f32 v10, v20;
	v4 =	vand.u32 $0x7FFFFFFF, v4  }
0xc9: {  	_ =	swait.ge [sflag:s22], $0x80;
	v1 =	vadd.f32 v4, v1  }
0xca: {  	[sflag:s22] =	ssyncset.done $0x0;
	v4 =	vsub.f32 v13, v40;
	v3 =	vand.u32 $0x7FFFFFFF, v3  }
0xcb: {  	s28 =	simm.s32 $0x1F880;
	[sflag:s22] =	ssyncadd.s32 $0xFFFFFF80;
	v1 =	vadd.f32 v3, v1  }
0xcc: {  	v5 =	vld [tilespmem:s28+$0x0];
	v3 =	vand.u32 $0x7FFFFFFF, v4;
	v4 =	vsub.f32 v15, v42  }
0xcd: {  	v1 =	vadd.f32 v3, v1  }
0xce: {  	v3 =	vsub.f32 v44, v46;
	v4 =	vand.u32 $0x7FFFFFFF, v4  }
0xcf: {  	v1 =	vadd.f32 v4, v1  }
0xd0: {  	v4 =	vsub.f32 v47, v49;
	v3 =	vand.u32 $0x7FFFFFFF, v3  }
0xd1: {  	v1 =	vadd.f32 v3, v1;
	v3 =	vmul.u32 $0xC00, v5  }
0xd2: {  	v2 =	vsub.f32 v50, v2;
	v4 =	vand.u32 $0x7FFFFFFF, v4;
	v5 =	vor.u32 s31, v0  }
0xd3: {  	v1 =	vadd.f32 v4, v1;
	v4 =	vor.u32 v5, v3  }
0xd4: {  	v2 =	vand.u32 $0x7FFFFFFF, v2;
	v6 =	vsub.f32 v52, v53  }
0xd5: {  	v1 =	vadd.f32 v2, v1;
	v2 =	vor.u32 $0x80, v4  }
0xd6: {  	s26 =	simm.s32 $0x1F780;
	v7 =	vsub.f32 v55, v56;
	v6 =	vand.u32 $0x7FFFFFFF, v6  }
0xd7: {  	v8 =	vor.u32 $0x100, v4;
	v6 =	vadd.f32 v6, v1;
	v1 =	vld [tilespmem:s26+$0xFFFFFD80]  }
0xd8: {  	v9 =	vsub.f32 v57, v58;
	v7 =	vand.u32 $0x7FFFFFFF, v7;
	v10 =	vld.idx.msk [tilespmem:v4+s17+$0x0], $0xffff  }
0xd9: {  	v11 =	vor.u32 $0x180, v4;
	v6 =	vadd.f32 v7, v6;
	v7 =	vld [tilespmem:s26+$0xFFFFF480]  }
0xda: {  	v9 =	vand.u32 $0x7FFFFFFF, v9;
	v13 =	vsub.f32 v59, v60;
	v2 =	vld.idx.msk [tilespmem:v2+s17+$0x0], $0xffff  }
0xdb: {  	v14 =	vor.u32 $0x200, v4;
	v6 =	vadd.f32 v9, v6;
	v9 =	vld [tilespmem:s26+$0xFFFFF500]  }
0xdc: {  	v12 =	vsub.f32 v12, v62;
	v13 =	vand.u32 $0x7FFFFFFF, v13;
	v8 =	vld.idx.msk [tilespmem:v8+s17+$0x0], $0xffff  }
0xdd: {  	v15 =	vor.u32 $0x280, v4;
	v6 =	vadd.f32 v13, v6;
	v13 =	vld [tilespmem:s26+$0xFFFFF580]  }
0xde: {  	v12 =	vand.u32 $0x7FFFFFFF, v12;
	v7 =	vsub.f32 v10, v7;
	v10 =	vld.idx.msk [tilespmem:v11+s17+$0x0], $0xffff  }
0xdf: {  	v11 =	vld [tilespmem:s26+$0xFFFFF600];
	v6 =	vadd.f32 v12, v6;
	v12 =	vor.u32 $0x300, v4  }
0xe0: {  	v7 =	vand.u32 $0x7FFFFFFF, v7;
	v2 =	vsub.f32 v2, v9;
	v9 =	vld.idx.msk [tilespmem:v14+s17+$0x0], $0xffff  }
0xe1: {  	v4 =	vor.u32 $0x380, v4;
	v6 =	vadd.f32 v7, v6;
	v7 =	vld [tilespmem:s26+$0xFFFFF680]  }
0xe2: {  	v14 =	vand.u32 $0x7FFFFFFF, v2;
	v8 =	vsub.f32 v8, v13;
	v13 =	vld.idx.msk [tilespmem:v15+s17+$0x0], $0xffff;
	v2 =	vadd.s32 v5, v3  }
0xe3: {  	v5 =	vld [tilespmem:s26+$0xFFFFF700];
	v3 =	vadd.f32 v14, v6;
	v6 =	vadd.s32 $0x400, v2  }
0xe4: {  	v10 =	vsub.f32 v10, v11;
	v8 =	vand.u32 $0x7FFFFFFF, v8;
	v11 =	vld.idx.msk [tilespmem:v12+s17+$0x0], $0xffff  }
0xe5: {  	v12 =	vadd.s32 $0x480, v2;
	v3 =	vadd.f32 v8, v3;
	v8 =	vld [tilespmem:s26+$0xFFFFF780]  }
0xe6: {  	v4 =	vld.idx.msk [tilespmem:v4+s17+$0x0], $0xffff;
	v10 =	vand.u32 $0x7FFFFFFF, v10;
	v7 =	vsub.f32 v9, v7  }
0xe7: {  	v9 =	vld [tilespmem:s26+$0xFFFFF800];
	v3 =	vadd.f32 v10, v3;
	v10 =	vadd.s32 $0x500, v2  }
0xe8: {  	v5 =	vsub.f32 v13, v5;
	v7 =	vand.u32 $0x7FFFFFFF, v7;
	v6 =	vld.idx.msk [tilespmem:v6+s17+$0x0], $0xffff  }
0xe9: {  	v13 =	vadd.s32 $0x580, v2;
	v3 =	vadd.f32 v7, v3;
	v7 =	vld [tilespmem:s26+$0xFFFFF880]  }
0xea: {  	v5 =	vand.u32 $0x7FFFFFFF, v5;
	v8 =	vsub.f32 v11, v8;
	v11 =	vld.idx.msk [tilespmem:v12+s17+$0x0], $0xffff  }
0xeb: {  	v12 =	vadd.s32 $0x600, v2;
	v3 =	vadd.f32 v5, v3;
	v5 =	vld [tilespmem:s26+$0xFFFFF900]  }
0xec: {  	v4 =	vsub.f32 v4, v9;
	v8 =	vand.u32 $0x7FFFFFFF, v8;
	v9 =	vld.idx.msk [tilespmem:v10+s17+$0x0], $0xffff  }
0xed: {  	v10 =	vadd.s32 $0x680, v2;
	v3 =	vadd.f32 v8, v3;
	v8 =	vld [tilespmem:s26+$0xFFFFF980]  }
0xee: {  	v4 =	vand.u32 $0x7FFFFFFF, v4;
	v6 =	vsub.f32 v6, v7;
	v7 =	vld.idx.msk [tilespmem:v13+s17+$0x0], $0xffff  }
0xef: {  	v13 =	vadd.s32 $0x700, v2;
	v3 =	vadd.f32 v4, v3;
	v4 =	vld [tilespmem:s26+$0xFFFFFA00]  }
0xf0: {  	v6 =	vand.u32 $0x7FFFFFFF, v6;
	v5 =	vsub.f32 v11, v5;
	v11 =	vld.idx.msk [tilespmem:v12+s17+$0x0], $0xffff  }
0xf1: {  	v3 =	vadd.f32 v6, v3;
	v6 =	vld [tilespmem:s26+$0xFFFFFA80]  }
0xf2: {  	v12 =	vadd.s32 $0x780, v2;
	v5 =	vand.u32 $0x7FFFFFFF, v5;
	v8 =	vsub.f32 v9, v8;
	v9 =	vld.idx.msk [tilespmem:v10+s17+$0x0], $0xffff  }
0xf3: {  	v3 =	vadd.f32 v5, v3;
	v5 =	vld [tilespmem:s26+$0xFFFFFB00]  }
0xf4: {  	v10 =	vadd.s32 $0x800, v2;
	v13 =	vld.idx.msk [tilespmem:v13+s17+$0x0], $0xffff;
	v8 =	vand.u32 $0x7FFFFFFF, v8;
	v4 =	vsub.f32 v7, v4  }
0xf5: {  	v14 =	vadd.s32 $0x880, v2;
	v3 =	vadd.f32 v8, v3;
	v8 =	vld [tilespmem:s26+$0xFFFFFB80]  }
0xf6: {  	v15 =	vld [tilespmem:s26+$0xFFFFFC00];
	v4 =	vand.u32 $0x7FFFFFFF, v4;
	v6 =	vsub.f32 v11, v6  }
0xf7: {  	v63 =	vadd.s32 $0x900, v2;
	v12 =	vld.idx.msk [tilespmem:v12+s17+$0x0], $0xffff;
	v3 =	vadd.f32 v4, v3  }
0xf8: {  	v7 =	vld [tilespmem:s26+$0xFFFFFC80];
	v4 =	vand.u32 $0x7FFFFFFF, v6;
	v6 =	vsub.f32 v9, v5  }
0xf9: {  	v11 =	vadd.s32 $0x980, v2;
	v5 =	vld.idx.msk [tilespmem:v10+s17+$0x0], $0xffff;
	v3 =	vadd.f32 v4, v3  }
0xfa: {  	v4 =	vld.idx.msk [tilespmem:v14+s17+$0x0], $0xffff;
	v6 =	vand.u32 $0x7FFFFFFF, v6;
	v8 =	vsub.f32 v13, v8  }
0xfb: {  	v10 =	vadd.s32 $0xA00, v2;
	v9 =	vadd.f32 v6, v3;
	v6 =	vld [tilespmem:s26+$0xFFFFFD00]  }
0xfc: {  	s29 =	simm.s32 $0x1F890;
	v3 =	vld.idx.msk [tilespmem:v63+s17+$0x0], $0xffff;
	v13 =	vand.u32 $0x7FFFFFFF, v8;
	v8 =	vsub.f32 v12, v15  }
0xfd: {  	s30 =	simm.s32 $0x20;
	s28 =	simm.s32 $0x10;
	v12 =	vld [tilespmem:s29+$0x0];
	v9 =	vadd.f32 v13, v9;
	v13 =	vadd.s32 $0xA80, v2  }
.LBB2_4:
0xfe: {  	p0 =	sne.s32 s30, $0x70;
	v8 =	vand.u32 $0x7FFFFFFF, v8;
	v5 =	vsub.f32 v5, v7;
	v7 =	vld.idx.msk [tilespmem:v11+s17+$0x0], $0xffff  }
0xff: {  	v11 =	vadd.s32 $0xB00, v2;
	v8 =	vadd.f32 v8, v9;
	v9 =	vld [tilespmem:s26+$0xFFFFFE00]  }
0x100: {  	v5 =	vand.u32 $0x7FFFFFFF, v5;
	v4 =	vsub.f32 v4, v6;
	v6 =	vld.idx.msk [tilespmem:v10+s17+$0x0], $0xffff  }
0x101: {  	v2 =	vadd.s32 $0xB80, v2;
	v5 =	vadd.f32 v5, v8;
	v8 =	vld [tilespmem:s26+$0xFFFFFE80]  }
0x102: {  	v1 =	vsub.f32 v3, v1;
	v10 =	vmul.u32 $0xC00, v12;
	v4 =	vand.u32 $0x7FFFFFFF, v4;
	v3 =	vld.idx.msk [tilespmem:v13+s17+$0x0], $0xffff  }
0x103: {  	v12 =	vor.u32 s28, v0;
	s28 =	smov.u32 s30;
	v4 =	vadd.f32 v4, v5;
	v5 =	vld [tilespmem:s26+$0xFFFFFF00]  }
0x104: {  	v1 =	vand.u32 $0x7FFFFFFF, v1;
	v13 =	vor.u32 v12, v10;
	v7 =	vsub.f32 v7, v9;
	v9 =	vld.idx.msk [tilespmem:v11+s17+$0x0], $0xffff  }
0x105: {  	v1 =	vadd.f32 v1, v4;
	v4 =	vld [tilespmem:s26+$0xFFFFFF80]  }
0x106: {  	v11 =	vor.u32 $0x80, v13;
	v7 =	vand.u32 $0x7FFFFFFF, v7;
	v6 =	vsub.f32 v6, v8;
	v2 =	vld.idx.msk [tilespmem:v2+s17+$0x0], $0xffff  }
0x107: {  	v7 =	vadd.f32 v7, v1;
	v8 =	vld [tilespmem:s26+$0x0];
	s26 =	sadd.s32 $0x10, s26  }
0x108: {  	v14 =	vor.u32 $0x100, v13;
	v1 =	vld [tilespmem:s26+$0xFFFFFD80];
	v6 =	vand.u32 $0x7FFFFFFF, v6;
	v3 =	vsub.f32 v3, v5  }
0x109: {  	v5 =	vld.idx.msk [tilespmem:v13+s17+$0x0], $0xffff;
	v6 =	vadd.f32 v6, v7  }
0x10a: {  	v15 =	vor.u32 $0x180, v13;
	v7 =	vld [tilespmem:s26+$0xFFFFF480];
	v3 =	vand.u32 $0x7FFFFFFF, v3;
	v4 =	vsub.f32 v9, v4  }
0x10b: {  	v9 =	vld.idx.msk [tilespmem:v11+s17+$0x0], $0xffff;
	v3 =	vadd.f32 v3, v6  }
0x10c: {  	v11 =	vor.u32 $0x200, v13;
	v6 =	vld [tilespmem:s26+$0xFFFFF500];
	v4 =	vand.u32 $0x7FFFFFFF, v4;
	v2 =	vsub.f32 v2, v8  }
0x10d: {  	v8 =	vld.idx.msk [tilespmem:v14+s17+$0x0], $0xffff;
	v3 =	vadd.f32 v4, v3  }
0x10e: {  	v14 =	vor.u32 $0x280, v13;
	v4 =	vld [tilespmem:s26+$0xFFFFF580];
	v2 =	vand.u32 $0x7FFFFFFF, v2  }
0x10f: {  	v5 =	vsub.f32 v5, v7;
	v7 =	vld.idx.msk [tilespmem:v15+s17+$0x0], $0xffff;
	v2 =	vadd.f32 v2, v3  }
0x110: {  	v15 =	vor.u32 $0x300, v13;
	v3 =	vld [tilespmem:s26+$0xFFFFF600]  }
0x111: {  	v5 =	vand.u32 $0x7FFFFFFF, v5;
	v6 =	vsub.f32 v9, v6;
	v9 =	vld.idx.msk [tilespmem:v11+s17+$0x0], $0xffff  }
0x112: {  	v13 =	vor.u32 $0x380, v13;
	v5 =	vadd.f32 v5, v2;
	v11 =	vld [tilespmem:s26+$0xFFFFF680]  }
0x113: {  	v2 =	vadd.s32 v12, v10;
	v6 =	vand.u32 $0x7FFFFFFF, v6;
	v4 =	vsub.f32 v8, v4;
	v8 =	vld.idx.msk [tilespmem:v14+s17+$0x0], $0xffff  }
0x114: {  	v10 =	vadd.s32 $0x400, v2;
	v5 =	vadd.f32 v6, v5;
	v6 =	vld [tilespmem:s26+$0xFFFFF700]  }
0x115: {  	v4 =	vand.u32 $0x7FFFFFFF, v4;
	v3 =	vsub.f32 v7, v3;
	v7 =	vld.idx.msk [tilespmem:v15+s17+$0x0], $0xffff  }
0x116: {  	v12 =	vadd.s32 $0x480, v2;
	v4 =	vadd.f32 v4, v5;
	v5 =	vld [tilespmem:s26+$0xFFFFF780]  }
0x117: {  	v3 =	vand.u32 $0x7FFFFFFF, v3;
	v9 =	vsub.f32 v9, v11;
	v11 =	vld.idx.msk [tilespmem:v13+s17+$0x0], $0xffff  }
0x118: {  	v13 =	vadd.s32 $0x500, v2;
	v3 =	vadd.f32 v3, v4;
	v4 =	vld [tilespmem:s26+$0xFFFFF800]  }
0x119: {  	v9 =	vand.u32 $0x7FFFFFFF, v9;
	v6 =	vsub.f32 v8, v6;
	v8 =	vld.idx.msk [tilespmem:v10+s17+$0x0], $0xffff  }
0x11a: {  	v10 =	vadd.s32 $0x580, v2;
	v3 =	vadd.f32 v9, v3;
	v9 =	vld [tilespmem:s26+$0xFFFFF880]  }
0x11b: {  	v6 =	vand.u32 $0x7FFFFFFF, v6;
	v5 =	vsub.f32 v7, v5;
	v7 =	vld.idx.msk [tilespmem:v12+s17+$0x0], $0xffff  }
0x11c: {  	v12 =	vadd.s32 $0x600, v2;
	v3 =	vadd.f32 v6, v3;
	v6 =	vld [tilespmem:s26+$0xFFFFF900]  }
0x11d: {  	v5 =	vand.u32 $0x7FFFFFFF, v5;
	v4 =	vsub.f32 v11, v4;
	v11 =	vld.idx.msk [tilespmem:v13+s17+$0x0], $0xffff  }
0x11e: {  	v13 =	vadd.s32 $0x680, v2;
	v3 =	vadd.f32 v5, v3;
	v5 =	vld [tilespmem:s26+$0xFFFFF980]  }
0x11f: {  	v4 =	vand.u32 $0x7FFFFFFF, v4;
	v8 =	vsub.f32 v8, v9;
	v9 =	vld.idx.msk [tilespmem:v10+s17+$0x0], $0xffff  }
0x120: {  	v10 =	vadd.s32 $0x700, v2;
	v3 =	vadd.f32 v4, v3;
	v4 =	vld [tilespmem:s26+$0xFFFFFA00]  }
0x121: {  	v8 =	vand.u32 $0x7FFFFFFF, v8;
	v6 =	vsub.f32 v7, v6;
	v7 =	vld.idx.msk [tilespmem:v12+s17+$0x0], $0xffff  }
0x122: {  	v12 =	vadd.s32 $0x780, v2;
	v3 =	vadd.f32 v8, v3;
	v8 =	vld [tilespmem:s26+$0xFFFFFA80]  }
0x123: {  	v6 =	vand.u32 $0x7FFFFFFF, v6;
	v5 =	vsub.f32 v11, v5;
	v11 =	vld.idx.msk [tilespmem:v13+s17+$0x0], $0xffff  }
0x124: {  	v13 =	vadd.s32 $0x800, v2;
	v3 =	vadd.f32 v6, v3;
	v6 =	vld [tilespmem:s26+$0xFFFFFB00]  }
0x125: {  	v5 =	vand.u32 $0x7FFFFFFF, v5;
	v4 =	vsub.f32 v9, v4;
	v9 =	vld.idx.msk [tilespmem:v10+s17+$0x0], $0xffff  }
0x126: {  	v14 =	vadd.s32 $0x880, v2;
	v3 =	vadd.f32 v5, v3;
	v10 =	vld [tilespmem:s26+$0xFFFFFB80]  }
0x127: {  	v4 =	vand.u32 $0x7FFFFFFF, v4;
	v5 =	vsub.f32 v7, v8;
	v8 =	vld.idx.msk [tilespmem:v12+s17+$0x0], $0xffff  }
0x128: {  	v15 =	vadd.s32 $0x900, v2;
	v3 =	vadd.f32 v4, v3;
	v12 =	vld [tilespmem:s26+$0xFFFFFC00]  }
0x129: {  	v4 =	vand.u32 $0x7FFFFFFF, v5;
	v6 =	vsub.f32 v11, v6;
	v5 =	vld.idx.msk [tilespmem:v13+s17+$0x0], $0xffff  }
.Ltmp1:
0x12a: {  	v11 =	vadd.s32 $0x980, v2;
	v3 =	vadd.f32 v4, v3;
	v7 =	vld [tilespmem:s26+$0xFFFFFC80];
	(pc) =	sbr.rel @p0 .LBB2_4-.Ltmp1, $4  }
0x12b: {  	v6 =	vand.u32 $0x7FFFFFFF, v6;
	v9 =	vsub.f32 v9, v10;
	v4 =	vld.idx.msk [tilespmem:v14+s17+$0x0], $0xffff  }
0x12c: {  	v10 =	vadd.s32 $0xA00, v2;
	v13 =	vadd.f32 v6, v3;
	v6 =	vld [tilespmem:s26+$0xFFFFFD00]  }
0x12d: {  	s29 =	sadd.s32 $0x10, s29;
	v9 =	vand.u32 $0x7FFFFFFF, v9;
	v8 =	vsub.f32 v8, v12;
	v3 =	vld.idx.msk [tilespmem:v15+s17+$0x0], $0xffff  }
0x12e: {  	s30 =	sadd.s32 $0x10, s30;
	v12 =	vld [tilespmem:s29+$0x0];
	v9 =	vadd.f32 v9, v13;
	v13 =	vadd.s32 $0xA80, v2  }
0x12f: {  	_ =	sdelay $0x3  }
0x130: {  	v11 =	vld.idx.msk [tilespmem:v11+s17+$0x0], $0xffff  }
0x131: {  	v14 =	vld [tilespmem:s26+$0xFFFFFE00]  }
0x132: {  	v10 =	vld.idx.msk [tilespmem:v10+s17+$0x0], $0xffff  }
0x133: {  	v16 =	vld [tilespmem:s26+$0xFFFFFE80]  }
0x134: {  	v13 =	vld.idx.msk [tilespmem:v13+s17+$0x0], $0xffff  }
0x135: {  	v18 =	vld [tilespmem:s26+$0xFFFFFF00]  }
0x136: {  	v20 =	vld [tilespmem:s26+$0xFFFFFF80]  }
0x137: {  	v23 =	vld [tilespmem:s26+$0x0];
	s31 =	sadd.s32 $0x10, s26  }
0x138: {  	v26 =	vld [tilespmem:s31+$0xFFFFF480]  }
0x139: {  	v28 =	vld [tilespmem:s31+$0xFFFFF500]  }
0x13a: {  	v30 =	vld [tilespmem:s31+$0xFFFFF580]  }
0x13b: {  	v32 =	vld [tilespmem:s31+$0xFFFFF600]  }
0x13c: {  	v5 =	vsub.f32 v5, v7;
	v7 =	vand.u32 $0x7FFFFFFF, v8;
	v34 =	vld [tilespmem:s31+$0xFFFFF680]  }
0x13d: {  	v7 =	vadd.f32 v7, v9;
	v9 =	vld [tilespmem:s31+$0xFFFFF700]  }
0x13e: {  	v49 =	vld [tilespmem:s31+$0xFFFFFB00]  }
0x13f: {  	v51 =	vld [tilespmem:s31+$0xFFFFFB80]  }
0x140: {  	v15 =	vadd.s32 $0xB00, v2;
	v54 =	vld [tilespmem:s31+$0xFFFFFC00]  }
0x141: {  	v2 =	vadd.s32 $0xB80, v2;
	v57 =	vld [tilespmem:s31+$0xFFFFFC80]  }
0x142: {  	v59 =	vld [tilespmem:s31+$0xFFFFFD00]  }
0x143: {  	v63 =	vld [tilespmem:s31+$0xFFFFFF80];
	v5 =	vand.u32 $0x7FFFFFFF, v5;
	v4 =	vsub.f32 v4, v6  }
0x144: {  	v5 =	vadd.f32 v5, v7;
	v7 =	vld [tilespmem:s31+$0xFFFFF780];
	v12 =	vmul.u32 $0xC00, v12  }
0x145: {  	v17 =	vor.u32 s28, v0;
	v1 =	vsub.f32 v3, v1;
	v4 =	vand.u32 $0x7FFFFFFF, v4;
	v15 =	vld.idx.msk [tilespmem:v15+s17+$0x0], $0xffff  }
0x146: {  	v22 =	vld.idx.msk [tilespmem:v2+s17+$0x0], $0xffff;
	v4 =	vadd.f32 v4, v5;
	v19 =	vor.u32 v17, v12  }
0x147: {  	v2 =	vld [tilespmem:s31+$0xFFFFFD80];
	v1 =	vand.u32 $0x7FFFFFFF, v1;
	v11 =	vsub.f32 v11, v14  }
0x148: {  	v5 =	vld [tilespmem:s31+$0xFFFFF800];
	v21 =	vor.u32 $0x80, v19;
	v1 =	vadd.f32 v1, v4  }
0x149: {  	v10 =	vsub.f32 v10, v16;
	v24 =	vor.u32 $0x100, v19;
	v4 =	vld [tilespmem:s31+$0xFFFFF880];
	v11 =	vand.u32 $0x7FFFFFFF, v11  }
0x14a: {  	v27 =	vor.u32 $0x180, v19;
	v1 =	vadd.f32 v11, v1;
	v11 =	vld [tilespmem:s31+$0xFFFFF900]  }
0x14b: {  	v29 =	vor.u32 $0x200, v19;
	v10 =	vand.u32 $0x7FFFFFFF, v10;
	v25 =	vld.idx.msk [tilespmem:v19+s17+$0x0], $0xffff  }
0x14c: {  	v31 =	vor.u32 $0x280, v19;
	v1 =	vadd.f32 v10, v1;
	v10 =	vld [tilespmem:s31+$0xFFFFF980]  }
0x14d: {  	v12 =	vadd.s32 v17, v12;
	v33 =	vor.u32 $0x300, v19;
	v21 =	vld.idx.msk [tilespmem:v21+s17+$0x0], $0xffff  }
0x14e: {  	v13 =	vsub.f32 v13, v18;
	v17 =	vadd.s32 $0x400, v12;
	v24 =	vld.idx.msk [tilespmem:v24+s17+$0x0], $0xffff  }
0x14f: {  	v39 =	vadd.s32 $0x480, v12;
	v27 =	vld.idx.msk [tilespmem:v27+s17+$0x0], $0xffff  }
0x150: {  	v40 =	vadd.s32 $0x500, v12;
	v13 =	vand.u32 $0x7FFFFFFF, v13;
	v15 =	vsub.f32 v15, v20;
	v29 =	vld.idx.msk [tilespmem:v29+s17+$0x0], $0xffff  }
0x151: {  	v41 =	vadd.s32 $0x580, v12;
	v8 =	vld.idx.msk [tilespmem:v31+s17+$0x0], $0xffff;
	v1 =	vadd.f32 v13, v1  }
0x152: {  	v43 =	vadd.s32 $0x600, v12;
	v22 =	vsub.f32 v22, v23;
	v6 =	vld.idx.msk [tilespmem:v33+s17+$0x0], $0xffff;
	v15 =	vand.u32 $0x7FFFFFFF, v15  }
0x153: {  	v46 =	vadd.s32 $0x700, v12;
	v14 =	vld.idx.msk [tilespmem:v17+s17+$0x0], $0xffff;
	v1 =	vadd.f32 v15, v1  }
0x154: {  	v48 =	vadd.s32 $0x780, v12;
	v42 =	vld.idx.msk [tilespmem:v39+s17+$0x0], $0xffff;
	v22 =	vand.u32 $0x7FFFFFFF, v22;
	v25 =	vsub.f32 v25, v26  }
0x155: {  	v56 =	vadd.s32 $0x980, v12;
	v44 =	vld.idx.msk [tilespmem:v40+s17+$0x0], $0xffff;
	v1 =	vadd.f32 v22, v1  }
0x156: {  	v17 =	vld.idx.msk [tilespmem:v41+s17+$0x0], $0xffff;
	v21 =	vsub.f32 v21, v28;
	v25 =	vand.u32 $0x7FFFFFFF, v25  }
0x157: {  	v47 =	vld.idx.msk [tilespmem:v43+s17+$0x0], $0xffff;
	v1 =	vadd.f32 v25, v1  }
0x158: {  	v19 =	vor.u32 $0x380, v19;
	v20 =	vld.idx.msk [tilespmem:v46+s17+$0x0], $0xffff;
	v24 =	vsub.f32 v24, v30;
	v21 =	vand.u32 $0x7FFFFFFF, v21  }
0x159: {  	v45 =	vadd.s32 $0x680, v12;
	v53 =	vld.idx.msk [tilespmem:v48+s17+$0x0], $0xffff;
	v1 =	vadd.f32 v21, v1  }
0x15a: {  	v50 =	vadd.s32 $0x800, v12;
	v61 =	vld.idx.msk [tilespmem:v56+s17+$0x0], $0xffff;
	v27 =	vsub.f32 v27, v32;
	v24 =	vand.u32 $0x7FFFFFFF, v24  }
0x15b: {  	v52 =	vadd.s32 $0x880, v12;
	v13 =	vld [tilespmem:s31+$0xFFFFFA00];
	v1 =	vadd.f32 v24, v1  }
0x15c: {  	v55 =	vadd.s32 $0x900, v12;
	v15 =	vld [tilespmem:s31+$0xFFFFFA80];
	v29 =	vsub.f32 v29, v34;
	v27 =	vand.u32 $0x7FFFFFFF, v27  }
0x15d: {  	v3 =	vld.idx.msk [tilespmem:v19+s17+$0x0], $0xffff;
	v1 =	vadd.f32 v27, v1  }
0x15e: {  	v19 =	vld.idx.msk [tilespmem:v45+s17+$0x0], $0xffff;
	v8 =	vsub.f32 v8, v9;
	v29 =	vand.u32 $0x7FFFFFFF, v29  }
0x15f: {  	v26 =	vld.idx.msk [tilespmem:v50+s17+$0x0], $0xffff;
	v1 =	vadd.f32 v29, v1  }
0x160: {  	v58 =	vadd.s32 $0xA00, v12;
	v28 =	vld.idx.msk [tilespmem:v52+s17+$0x0], $0xffff;
	v6 =	vsub.f32 v6, v7;
	v8 =	vand.u32 $0x7FFFFFFF, v8  }
0x161: {  	v60 =	vadd.s32 $0xA80, v12;
	v9 =	vld.idx.msk [tilespmem:v55+s17+$0x0], $0xffff;
	v1 =	vadd.f32 v8, v1  }
0x162: {  	v62 =	vadd.s32 $0xB00, v12;
	v7 =	vld [tilespmem:s31+$0xFFFFFE00];
	v6 =	vand.u32 $0x7FFFFFFF, v6;
	v3 =	vsub.f32 v3, v5  }
0x163: {  	v12 =	vadd.s32 $0xB80, v12;
	v4 =	vsub.f32 v14, v4;
	v14 =	vld [tilespmem:s31+$0xFFFFFF00];
	v1 =	vadd.f32 v6, v1  }
0x164: {  	v5 =	vld [tilespmem:s31+$0xFFFFFE80];
	v3 =	vand.u32 $0x7FFFFFFF, v3  }
0x165: {  	v8 =	vld.idx.msk [tilespmem:v58+s17+$0x0], $0xffff;
	v1 =	vadd.f32 v3, v1  }
0x166: {  	v11 =	vsub.f32 v42, v11;
	v4 =	vand.u32 $0x7FFFFFFF, v4;
	v6 =	vld.idx.msk [tilespmem:v60+s17+$0x0], $0xffff  }
0x167: {  	v3 =	vld.idx.msk [tilespmem:v62+s17+$0x0], $0xffff;
	v1 =	vadd.f32 v4, v1  }
0x168: {  	v10 =	vsub.f32 v44, v10;
	v11 =	vand.u32 $0x7FFFFFFF, v11;
	v4 =	vld.idx.msk [tilespmem:v12+s17+$0x0], $0xffff  }
0x169: {  	v12 =	vld [tilespmem:s31+$0x0];
	_ =	swait.ge [sflag:s20], $0xF000;
	v1 =	vadd.f32 v11, v1  }
0x16a: {  	v10 =	vand.u32 $0x7FFFFFFF, v10;
	[sflag:s20] =	ssyncset.done $0x0;
	v11 =	vsub.f32 v17, v13  }
0x16b: {  	[sflag:s20] =	ssyncadd.s32 $0xFFFF1000;
	v1 =	vadd.f32 v10, v1  }
0x16c: {  	_ =	swait.ge [sflag:s20], $0xC00;
	v10 =	vsub.f32 v47, v15;
	v11 =	vand.u32 $0x7FFFFFFF, v11  }
0x16d: {  	[sflag:s20] =	ssyncset.done $0x0;
	v1 =	vadd.f32 v11, v1  }
0x16e: {  	[sflag:s20] =	ssyncadd.s32 $0xFFFFF400;
	v11 =	vsub.f32 v19, v49;
	v10 =	vand.u32 $0x7FFFFFFF, v10  }
0x16f: {  	_ =	swait.ge [sflag:s20], $0x80;
	v1 =	vadd.f32 v10, v1  }
0x170: {  	[sflag:s20] =	ssyncset.done $0x0;
	v10 =	vsub.f32 v20, v51;
	v11 =	vand.u32 $0x7FFFFFFF, v11  }
0x171: {  	s31 =	simm.s32 $0x1F800;
	[sflag:s20] =	ssyncadd.s32 $0xFFFFFF80;
	v1 =	vadd.f32 v11, v1  }
0x172: {  	v13 =	vld [tilespmem:s31+$0x0];
	v10 =	vand.u32 $0x7FFFFFFF, v10;
	v11 =	vsub.f32 v53, v54  }
0x173: {  	v1 =	vadd.f32 v10, v1  }
0x174: {  	v10 =	vsub.f32 v26, v57;
	v11 =	vand.u32 $0x7FFFFFFF, v11  }
0x175: {  	v1 =	vadd.f32 v11, v1  }
0x176: {  	v11 =	vsub.f32 v28, v59;
	v10 =	vand.u32 $0x7FFFFFFF, v10  }
0x177: {  	s31 =	simm.s32 $0x0;
	v1 =	vadd.f32 v10, v1;
	v10 =	vmul.u32 $0xC00, v13  }
0x178: {  	v2 =	vsub.f32 v9, v2;
	v9 =	vor.u32 s31, v0;
	v11 =	vand.u32 $0x7FFFFFFF, v11  }
0x179: {  	v1 =	vadd.f32 v11, v1;
	v11 =	vor.u32 v9, v10  }
0x17a: {  	v7 =	vsub.f32 v61, v7;
	v2 =	vand.u32 $0x7FFFFFFF, v2  }
0x17b: {  	v1 =	vadd.f32 v2, v1;
	v2 =	vor.u32 $0x80, v11  }
0x17c: {  	s26 =	simm.s32 $0x1E600;
	v7 =	vand.u32 $0x7FFFFFFF, v7;
	v5 =	vsub.f32 v8, v5  }
0x17d: {  	v8 =	vor.u32 $0x100, v11;
	v7 =	vadd.f32 v7, v1;
	v1 =	vld [tilespmem:s26+$0x300]  }
0x17e: {  	v5 =	vand.u32 $0x7FFFFFFF, v5;
	v6 =	vsub.f32 v6, v14;
	v13 =	vld.idx.msk [tilespmem:v11+s2+$0x0], $0xffff  }
0x17f: {  	v14 =	vor.u32 $0x180, v11;
	v5 =	vadd.f32 v5, v7;
	v7 =	vld [tilespmem:s26+$0xFFFFFA00]  }
0x180: {  	v6 =	vand.u32 $0x7FFFFFFF, v6;
	v3 =	vsub.f32 v3, v63;
	v2 =	vld.idx.msk [tilespmem:v2+s2+$0x0], $0xffff  }
0x181: {  	v15 =	vor.u32 $0x200, v11;
	v5 =	vadd.f32 v6, v5;
	v6 =	vld [tilespmem:s26+$0xFFFFFA80]  }
0x182: {  	v3 =	vand.u32 $0x7FFFFFFF, v3;
	v4 =	vsub.f32 v4, v12;
	v8 =	vld.idx.msk [tilespmem:v8+s2+$0x0], $0xffff  }
0x183: {  	v12 =	vor.u32 $0x280, v11;
	v3 =	vadd.f32 v3, v5;
	v5 =	vld [tilespmem:s26+$0xFFFFFB00]  }
0x184: {  	v4 =	vand.u32 $0x7FFFFFFF, v4;
	v7 =	vsub.f32 v13, v7;
	v13 =	vld.idx.msk [tilespmem:v14+s2+$0x0], $0xffff  }
0x185: {  	v14 =	vor.u32 $0x300, v11;
	v3 =	vadd.f32 v4, v3;
	v4 =	vld [tilespmem:s26+$0xFFFFFB80]  }
0x186: {  	v7 =	vand.u32 $0x7FFFFFFF, v7;
	v2 =	vsub.f32 v2, v6;
	v6 =	vld.idx.msk [tilespmem:v15+s2+$0x0], $0xffff  }
0x187: {  	v11 =	vor.u32 $0x380, v11;
	v3 =	vadd.f32 v7, v3;
	v7 =	vld [tilespmem:s26+$0xFFFFFC00]  }
0x188: {  	v15 =	vand.u32 $0x7FFFFFFF, v2;
	v5 =	vsub.f32 v8, v5;
	v8 =	vld.idx.msk [tilespmem:v12+s2+$0x0], $0xffff;
	v2 =	vadd.s32 v9, v10  }
0x189: {  	v9 =	vld [tilespmem:s26+$0xFFFFFC80];
	v3 =	vadd.f32 v15, v3;
	v10 =	vadd.s32 $0x400, v2  }
0x18a: {  	v12 =	vld.idx.msk [tilespmem:v14+s2+$0x0], $0xffff;
	v5 =	vand.u32 $0x7FFFFFFF, v5;
	v4 =	vsub.f32 v13, v4  }
0x18b: {  	v13 =	vadd.s32 $0x480, v2;
	v3 =	vadd.f32 v5, v3;
	v5 =	vld [tilespmem:s26+$0xFFFFFD00]  }
0x18c: {  	v4 =	vand.u32 $0x7FFFFFFF, v4;
	v6 =	vsub.f32 v6, v7;
	v7 =	vld.idx.msk [tilespmem:v11+s2+$0x0], $0xffff  }
0x18d: {  	v11 =	vadd.s32 $0x500, v2;
	v3 =	vadd.f32 v4, v3;
	v4 =	vld [tilespmem:s26+$0xFFFFFD80]  }
0x18e: {  	v8 =	vsub.f32 v8, v9;
	v6 =	vand.u32 $0x7FFFFFFF, v6;
	v9 =	vld.idx.msk [tilespmem:v10+s2+$0x0], $0xffff  }
0x18f: {  	v10 =	vadd.s32 $0x580, v2;
	v3 =	vadd.f32 v6, v3;
	v6 =	vld [tilespmem:s26+$0xFFFFFE00]  }
0x190: {  	v8 =	vand.u32 $0x7FFFFFFF, v8;
	v5 =	vsub.f32 v12, v5;
	v12 =	vld.idx.msk [tilespmem:v13+s2+$0x0], $0xffff  }
0x191: {  	v13 =	vadd.s32 $0x600, v2;
	v3 =	vadd.f32 v8, v3;
	v8 =	vld [tilespmem:s26+$0xFFFFFE80]  }
0x192: {  	v5 =	vand.u32 $0x7FFFFFFF, v5;
	v4 =	vsub.f32 v7, v4;
	v7 =	vld.idx.msk [tilespmem:v11+s2+$0x0], $0xffff  }
0x193: {  	v11 =	vadd.s32 $0x680, v2;
	v3 =	vadd.f32 v5, v3;
	v5 =	vld [tilespmem:s26+$0xFFFFFF00]  }
0x194: {  	v4 =	vand.u32 $0x7FFFFFFF, v4;
	v6 =	vsub.f32 v9, v6;
	v9 =	vld.idx.msk [tilespmem:v10+s2+$0x0], $0xffff  }
0x195: {  	v10 =	vadd.s32 $0x700, v2;
	v3 =	vadd.f32 v4, v3;
	v4 =	vld [tilespmem:s26+$0xFFFFFF80]  }
0x196: {  	v6 =	vand.u32 $0x7FFFFFFF, v6;
	v8 =	vsub.f32 v12, v8;
	v12 =	vld.idx.msk [tilespmem:v13+s2+$0x0], $0xffff  }
0x197: {  	v13 =	vadd.s32 $0x780, v2;
	v3 =	vadd.f32 v6, v3;
	v6 =	vld [tilespmem:s26+$0x0]  }
0x198: {  	v8 =	vand.u32 $0x7FFFFFFF, v8;
	v5 =	vsub.f32 v7, v5;
	v7 =	vld.idx.msk [tilespmem:v11+s2+$0x0], $0xffff  }
0x199: {  	v11 =	vadd.s32 $0x800, v2;
	v3 =	vadd.f32 v8, v3;
	v8 =	vld [tilespmem:s26+$0x80]  }
0x19a: {  	v5 =	vand.u32 $0x7FFFFFFF, v5;
	v4 =	vsub.f32 v9, v4;
	v9 =	vld.idx.msk [tilespmem:v10+s2+$0x0], $0xffff  }
0x19b: {  	v14 =	vadd.s32 $0x880, v2;
	v10 =	vld [tilespmem:s26+$0x100];
	v3 =	vadd.f32 v5, v3  }
0x19c: {  	v4 =	vand.u32 $0x7FFFFFFF, v4;
	v5 =	vsub.f32 v12, v6;
	v12 =	vld.idx.msk [tilespmem:v13+s2+$0x0], $0xffff  }
0x19d: {  	v15 =	vadd.s32 $0x900, v2;
	v13 =	vld [tilespmem:s26+$0x180];
	v3 =	vadd.f32 v4, v3  }
0x19e: {  	v4 =	vand.u32 $0x7FFFFFFF, v5;
	v6 =	vsub.f32 v7, v8;
	v5 =	vld.idx.msk [tilespmem:v11+s2+$0x0], $0xffff  }
0x19f: {  	v7 =	vld [tilespmem:s26+$0x200];
	v11 =	vadd.s32 $0x980, v2;
	v3 =	vadd.f32 v4, v3  }
0x1a0: {  	v9 =	vsub.f32 v9, v10;
	v4 =	vld.idx.msk [tilespmem:v14+s2+$0x0], $0xffff;
	v6 =	vand.u32 $0x7FFFFFFF, v6  }
0x1a1: {  	v8 =	vadd.s32 $0xA00, v2;
	v10 =	vadd.f32 v6, v3;
	v6 =	vld [tilespmem:s26+$0x280]  }
0x1a2: {  	s29 =	simm.s32 $0x1F810;
	v14 =	vand.u32 $0x7FFFFFFF, v9;
	v3 =	vld.idx.msk [tilespmem:v15+s2+$0x0], $0xffff;
	v12 =	vsub.f32 v12, v13  }
0x1a3: {  	s28 =	simm.s32 $0x10;
	s30 =	simm.s32 $0x20;
	v9 =	vld [tilespmem:s29+$0x0];
	v13 =	vadd.f32 v14, v10;
	v10 =	vadd.s32 $0xA80, v2  }
.LBB2_6:
0x1a4: {  	p0 =	sne.s32 s30, $0x70;
	v12 =	vand.u32 $0x7FFFFFFF, v12;
	v5 =	vsub.f32 v5, v7;
	v7 =	vld.idx.msk [tilespmem:v11+s2+$0x0], $0xffff  }
0x1a5: {  	v11 =	vadd.f32 v12, v13;
	v12 =	vld [tilespmem:s26+$0x380];
	v13 =	vadd.s32 $0xB00, v2  }
0x1a6: {  	v5 =	vand.u32 $0x7FFFFFFF, v5;
	v4 =	vsub.f32 v4, v6;
	v6 =	vld.idx.msk [tilespmem:v8+s2+$0x0], $0xffff  }
0x1a7: {  	v2 =	vadd.s32 $0xB80, v2;
	v5 =	vadd.f32 v5, v11;
	v8 =	vld [tilespmem:s26+$0x400]  }
0x1a8: {  	v1 =	vsub.f32 v3, v1;
	v9 =	vmul.u32 $0xC00, v9;
	v4 =	vand.u32 $0x7FFFFFFF, v4;
	v3 =	vld.idx.msk [tilespmem:v10+s2+$0x0], $0xffff  }
0x1a9: {  	v10 =	vor.u32 s28, v0;
	s28 =	smov.u32 s30;
	v4 =	vadd.f32 v4, v5;
	v5 =	vld [tilespmem:s26+$0x480]  }
0x1aa: {  	v1 =	vand.u32 $0x7FFFFFFF, v1;
	v11 =	vor.u32 v10, v9;
	v7 =	vsub.f32 v7, v12;
	v12 =	vld.idx.msk [tilespmem:v13+s2+$0x0], $0xffff  }
0x1ab: {  	v1 =	vadd.f32 v1, v4;
	v4 =	vld [tilespmem:s26+$0x500]  }
0x1ac: {  	v13 =	vor.u32 $0x80, v11;
	v7 =	vand.u32 $0x7FFFFFFF, v7;
	v6 =	vsub.f32 v6, v8;
	v2 =	vld.idx.msk [tilespmem:v2+s2+$0x0], $0xffff  }
0x1ad: {  	v7 =	vadd.f32 v7, v1;
	v8 =	vld [tilespmem:s26+$0x580];
	s26 =	sadd.s32 $0x10, s26  }
0x1ae: {  	v14 =	vor.u32 $0x100, v11;
	v1 =	vld [tilespmem:s26+$0x300];
	v6 =	vand.u32 $0x7FFFFFFF, v6;
	v3 =	vsub.f32 v3, v5  }
0x1af: {  	v5 =	vld.idx.msk [tilespmem:v11+s2+$0x0], $0xffff;
	v6 =	vadd.f32 v6, v7  }
0x1b0: {  	v15 =	vor.u32 $0x180, v11;
	v7 =	vld [tilespmem:s26+$0xFFFFFA00];
	v3 =	vand.u32 $0x7FFFFFFF, v3;
	v4 =	vsub.f32 v12, v4  }
0x1b1: {  	v12 =	vld.idx.msk [tilespmem:v13+s2+$0x0], $0xffff;
	v3 =	vadd.f32 v3, v6  }
0x1b2: {  	v13 =	vor.u32 $0x200, v11;
	v6 =	vld [tilespmem:s26+$0xFFFFFA80];
	v4 =	vand.u32 $0x7FFFFFFF, v4;
	v2 =	vsub.f32 v2, v8  }
0x1b3: {  	v8 =	vld.idx.msk [tilespmem:v14+s2+$0x0], $0xffff;
	v3 =	vadd.f32 v4, v3  }
0x1b4: {  	v14 =	vor.u32 $0x280, v11;
	v4 =	vld [tilespmem:s26+$0xFFFFFB00];
	v2 =	vand.u32 $0x7FFFFFFF, v2  }
0x1b5: {  	v5 =	vsub.f32 v5, v7;
	v7 =	vld.idx.msk [tilespmem:v15+s2+$0x0], $0xffff;
	v2 =	vadd.f32 v2, v3  }
0x1b6: {  	v15 =	vor.u32 $0x300, v11;
	v3 =	vld [tilespmem:s26+$0xFFFFFB80]  }
0x1b7: {  	v5 =	vand.u32 $0x7FFFFFFF, v5;
	v6 =	vsub.f32 v12, v6;
	v12 =	vld.idx.msk [tilespmem:v13+s2+$0x0], $0xffff  }
0x1b8: {  	v11 =	vor.u32 $0x380, v11;
	v5 =	vadd.f32 v5, v2;
	v13 =	vld [tilespmem:s26+$0xFFFFFC00]  }
0x1b9: {  	v2 =	vadd.s32 v10, v9;
	v6 =	vand.u32 $0x7FFFFFFF, v6;
	v4 =	vsub.f32 v8, v4;
	v8 =	vld.idx.msk [tilespmem:v14+s2+$0x0], $0xffff  }
0x1ba: {  	v9 =	vadd.s32 $0x400, v2;
	v5 =	vadd.f32 v6, v5;
	v6 =	vld [tilespmem:s26+$0xFFFFFC80]  }
0x1bb: {  	v4 =	vand.u32 $0x7FFFFFFF, v4;
	v3 =	vsub.f32 v7, v3;
	v7 =	vld.idx.msk [tilespmem:v15+s2+$0x0], $0xffff  }
0x1bc: {  	v10 =	vadd.s32 $0x480, v2;
	v4 =	vadd.f32 v4, v5;
	v5 =	vld [tilespmem:s26+$0xFFFFFD00]  }
0x1bd: {  	v3 =	vand.u32 $0x7FFFFFFF, v3;
	v12 =	vsub.f32 v12, v13;
	v11 =	vld.idx.msk [tilespmem:v11+s2+$0x0], $0xffff  }
0x1be: {  	v13 =	vadd.s32 $0x500, v2;
	v3 =	vadd.f32 v3, v4;
	v4 =	vld [tilespmem:s26+$0xFFFFFD80]  }
0x1bf: {  	v12 =	vand.u32 $0x7FFFFFFF, v12;
	v6 =	vsub.f32 v8, v6;
	v8 =	vld.idx.msk [tilespmem:v9+s2+$0x0], $0xffff  }
0x1c0: {  	v3 =	vadd.f32 v12, v3;
	v9 =	vld [tilespmem:s26+$0xFFFFFE00];
	v12 =	vadd.s32 $0x580, v2  }
0x1c1: {  	v6 =	vand.u32 $0x7FFFFFFF, v6;
	v5 =	vsub.f32 v7, v5;
	v7 =	vld.idx.msk [tilespmem:v10+s2+$0x0], $0xffff  }
0x1c2: {  	v10 =	vadd.s32 $0x600, v2;
	v3 =	vadd.f32 v6, v3;
	v6 =	vld [tilespmem:s26+$0xFFFFFE80]  }
0x1c3: {  	v5 =	vand.u32 $0x7FFFFFFF, v5;
	v4 =	vsub.f32 v11, v4;
	v11 =	vld.idx.msk [tilespmem:v13+s2+$0x0], $0xffff  }
0x1c4: {  	v13 =	vadd.s32 $0x680, v2;
	v3 =	vadd.f32 v5, v3;
	v5 =	vld [tilespmem:s26+$0xFFFFFF00]  }
0x1c5: {  	v4 =	vand.u32 $0x7FFFFFFF, v4;
	v8 =	vsub.f32 v8, v9;
	v9 =	vld.idx.msk [tilespmem:v12+s2+$0x0], $0xffff  }
0x1c6: {  	v12 =	vadd.s32 $0x700, v2;
	v3 =	vadd.f32 v4, v3;
	v4 =	vld [tilespmem:s26+$0xFFFFFF80]  }
0x1c7: {  	v8 =	vand.u32 $0x7FFFFFFF, v8;
	v6 =	vsub.f32 v7, v6;
	v7 =	vld.idx.msk [tilespmem:v10+s2+$0x0], $0xffff  }
0x1c8: {  	v10 =	vadd.s32 $0x780, v2;
	v3 =	vadd.f32 v8, v3;
	v8 =	vld [tilespmem:s26+$0x0]  }
0x1c9: {  	v6 =	vand.u32 $0x7FFFFFFF, v6;
	v5 =	vsub.f32 v11, v5;
	v11 =	vld.idx.msk [tilespmem:v13+s2+$0x0], $0xffff  }
0x1ca: {  	v13 =	vadd.s32 $0x800, v2;
	v3 =	vadd.f32 v6, v3;
	v6 =	vld [tilespmem:s26+$0x80]  }
0x1cb: {  	v5 =	vand.u32 $0x7FFFFFFF, v5;
	v4 =	vsub.f32 v9, v4;
	v9 =	vld.idx.msk [tilespmem:v12+s2+$0x0], $0xffff  }
0x1cc: {  	v14 =	vadd.s32 $0x880, v2;
	v3 =	vadd.f32 v5, v3;
	v12 =	vld [tilespmem:s26+$0x100]  }
0x1cd: {  	v4 =	vand.u32 $0x7FFFFFFF, v4;
	v5 =	vsub.f32 v7, v8;
	v10 =	vld.idx.msk [tilespmem:v10+s2+$0x0], $0xffff  }
0x1ce: {  	v16 =	vadd.s32 $0x900, v2;
	v3 =	vadd.f32 v4, v3;
	v15 =	vld [tilespmem:s26+$0x180]  }
0x1cf: {  	v4 =	vand.u32 $0x7FFFFFFF, v5;
	v6 =	vsub.f32 v11, v6;
	v5 =	vld.idx.msk [tilespmem:v13+s2+$0x0], $0xffff  }
.Ltmp2:
0x1d0: {  	v11 =	vadd.s32 $0x980, v2;
	v3 =	vadd.f32 v4, v3;
	v7 =	vld [tilespmem:s26+$0x200];
	(pc) =	sbr.rel @p0 .LBB2_6-.Ltmp2, $4  }
0x1d1: {  	v6 =	vand.u32 $0x7FFFFFFF, v6;
	v9 =	vsub.f32 v9, v12;
	v4 =	vld.idx.msk [tilespmem:v14+s2+$0x0], $0xffff  }
0x1d2: {  	v8 =	vadd.s32 $0xA00, v2;
	v13 =	vadd.f32 v6, v3;
	v6 =	vld [tilespmem:s26+$0x280]  }
0x1d3: {  	s29 =	sadd.s32 $0x10, s29;
	v14 =	vand.u32 $0x7FFFFFFF, v9;
	v12 =	vsub.f32 v10, v15;
	v3 =	vld.idx.msk [tilespmem:v16+s2+$0x0], $0xffff  }
0x1d4: {  	s30 =	sadd.s32 $0x10, s30;
	v10 =	vadd.s32 $0xA80, v2;
	v9 =	vld [tilespmem:s29+$0x0];
	v13 =	vadd.f32 v14, v13  }
0x1d5: {  	_ =	sdelay $0x3  }
0x1d6: {  	v12 =	vand.u32 $0x7FFFFFFF, v12;
	v5 =	vsub.f32 v5, v7;
	v46 =	vld.idx.msk [tilespmem:v11+s2+$0x0], $0xffff  }
0x1d7: {  	v48 =	vld [tilespmem:s26+$0x380];
	v47 =	vadd.f32 v12, v13  }
0x1d8: {  	v49 =	vadd.s32 $0xB00, v2;
	v50 =	vld.idx.msk [tilespmem:v8+s2+$0x0], $0xffff;
	v5 =	vand.u32 $0x7FFFFFFF, v5;
	v4 =	vsub.f32 v4, v6  }
0x1d9: {  	v51 =	vld [tilespmem:s26+$0x400];
	v2 =	vadd.s32 $0xB80, v2;
	v5 =	vadd.f32 v5, v47  }
0x1da: {  	v53 =	vld [tilespmem:s26+$0x480];
	v1 =	vsub.f32 v3, v1;
	v9 =	vmul.u32 $0xC00, v9;
	v4 =	vand.u32 $0x7FFFFFFF, v4  }
0x1db: {  	v52 =	vor.u32 s28, v0;
	v3 =	vld.idx.msk [tilespmem:v10+s2+$0x0], $0xffff;
	v4 =	vadd.f32 v4, v5  }
0x1dc: {  	v56 =	vld [tilespmem:s26+$0x500];
	v1 =	vand.u32 $0x7FFFFFFF, v1;
	v7 =	vsub.f32 v46, v48;
	v54 =	vor.u32 v52, v9  }
0x1dd: {  	v55 =	vld.idx.msk [tilespmem:v49+s2+$0x0], $0xffff;
	v1 =	vadd.f32 v1, v4;
	v57 =	vor.u32 $0x80, v54  }
0x1de: {  	v58 =	vld [tilespmem:s26+$0x580];
	v6 =	vsub.f32 v50, v51;
	v7 =	vand.u32 $0x7FFFFFFF, v7  }
0x1df: {  	s31 =	sadd.s32 $0x10, s26;
	v2 =	vld.idx.msk [tilespmem:v2+s2+$0x0], $0xffff;
	v1 =	vadd.f32 v7, v1  }
0x1e0: {  	v61 =	vld [tilespmem:s31+$0xFFFFFA00];
	v59 =	vor.u32 $0x100, v54;
	v6 =	vand.u32 $0x7FFFFFFF, v6;
	v3 =	vsub.f32 v3, v53  }
0x1e1: {  	v14 =	vor.u32 $0x180, v54;
	v60 =	vld.idx.msk [tilespmem:v54+s2+$0x0], $0xffff;
	v1 =	vadd.f32 v6, v1  }
0x1e2: {  	v3 =	vand.u32 $0x7FFFFFFF, v3;
	v4 =	vsub.f32 v55, v56;
	v62 =	vld.idx.msk [tilespmem:v57+s2+$0x0], $0xffff  }
0x1e3: {  	v1 =	vadd.f32 v3, v1;
	v3 =	vld [tilespmem:s31+$0xFFFFFA80]  }
0x1e4: {  	v17 =	vld [tilespmem:s31+$0xFFFFFB00];
	v63 =	vor.u32 $0x200, v54;
	v2 =	vsub.f32 v2, v58;
	v4 =	vand.u32 $0x7FFFFFFF, v4  }
0x1e5: {  	v18 =	vor.u32 $0x280, v54;
	v16 =	vld.idx.msk [tilespmem:v59+s2+$0x0], $0xffff;
	v1 =	vadd.f32 v4, v1  }
0x1e6: {  	v2 =	vand.u32 $0x7FFFFFFF, v2;
	v19 =	vld.idx.msk [tilespmem:v14+s2+$0x0], $0xffff;
	v5 =	vsub.f32 v60, v61  }
0x1e7: {  	v1 =	vadd.f32 v2, v1;
	v2 =	vld [tilespmem:s31+$0xFFFFFB80]  }
0x1e8: {  	v22 =	vld [tilespmem:s31+$0xFFFFFC00];
	v20 =	vor.u32 $0x300, v54;
	v5 =	vand.u32 $0x7FFFFFFF, v5;
	v3 =	vsub.f32 v62, v3  }
0x1e9: {  	v11 =	vor.u32 $0x380, v54;
	v21 =	vld.idx.msk [tilespmem:v63+s2+$0x0], $0xffff;
	v1 =	vadd.f32 v5, v1  }
0x1ea: {  	v23 =	vld.idx.msk [tilespmem:v18+s2+$0x0], $0xffff;
	v4 =	vsub.f32 v16, v17;
	v3 =	vand.u32 $0x7FFFFFFF, v3  }
0x1eb: {  	v24 =	vadd.s32 v52, v9;
	v1 =	vadd.f32 v3, v1;
	v3 =	vld [tilespmem:s31+$0xFFFFFC80]  }
0x1ec: {  	v26 =	vld [tilespmem:s31+$0xFFFFFD00];
	v9 =	vadd.s32 $0x400, v24;
	v4 =	vand.u32 $0x7FFFFFFF, v4;
	v2 =	vsub.f32 v19, v2  }
0x1ed: {  	v10 =	vadd.s32 $0x480, v24;
	v25 =	vld.idx.msk [tilespmem:v20+s2+$0x0], $0xffff;
	v1 =	vadd.f32 v4, v1  }
0x1ee: {  	v11 =	vld.idx.msk [tilespmem:v11+s2+$0x0], $0xffff;
	v5 =	vsub.f32 v21, v22;
	v2 =	vand.u32 $0x7FFFFFFF, v2  }
0x1ef: {  	v1 =	vadd.f32 v2, v1;
	v2 =	vld [tilespmem:s31+$0xFFFFFD80]  }
0x1f0: {  	v29 =	vld [tilespmem:s31+$0xFFFFFE00];
	v27 =	vadd.s32 $0x500, v24;
	v5 =	vand.u32 $0x7FFFFFFF, v5;
	v3 =	vsub.f32 v23, v3  }
0x1f1: {  	v30 =	vadd.s32 $0x580, v24;
	v28 =	vld.idx.msk [tilespmem:v9+s2+$0x0], $0xffff;
	v1 =	vadd.f32 v5, v1  }
0x1f2: {  	v31 =	vld.idx.msk [tilespmem:v10+s2+$0x0], $0xffff;
	v4 =	vsub.f32 v25, v26;
	v3 =	vand.u32 $0x7FFFFFFF, v3  }
0x1f3: {  	v1 =	vadd.f32 v3, v1;
	v3 =	vld [tilespmem:s31+$0xFFFFFE80]  }
0x1f4: {  	v34 =	vld [tilespmem:s31+$0xFFFFFF00];
	v32 =	vadd.s32 $0x600, v24;
	v4 =	vand.u32 $0x7FFFFFFF, v4;
	v2 =	vsub.f32 v11, v2  }
0x1f5: {  	v35 =	vadd.s32 $0x680, v24;
	v33 =	vld.idx.msk [tilespmem:v27+s2+$0x0], $0xffff;
	v1 =	vadd.f32 v4, v1  }
0x1f6: {  	v36 =	vld.idx.msk [tilespmem:v30+s2+$0x0], $0xffff;
	v5 =	vsub.f32 v28, v29;
	v2 =	vand.u32 $0x7FFFFFFF, v2  }
0x1f7: {  	v1 =	vadd.f32 v2, v1;
	v2 =	vld [tilespmem:s31+$0xFFFFFF80]  }
0x1f8: {  	v39 =	vld [tilespmem:s31+$0x0];
	v37 =	vadd.s32 $0x700, v24;
	v5 =	vand.u32 $0x7FFFFFFF, v5;
	v3 =	vsub.f32 v31, v3  }
0x1f9: {  	v40 =	vadd.s32 $0x780, v24;
	v38 =	vld.idx.msk [tilespmem:v32+s2+$0x0], $0xffff;
	v1 =	vadd.f32 v5, v1  }
0x1fa: {  	v41 =	vld.idx.msk [tilespmem:v35+s2+$0x0], $0xffff;
	v4 =	vsub.f32 v33, v34;
	v3 =	vand.u32 $0x7FFFFFFF, v3  }
0x1fb: {  	v1 =	vadd.f32 v3, v1;
	v3 =	vld [tilespmem:s31+$0x80]  }
0x1fc: {  	v44 =	vld [tilespmem:s31+$0x100];
	v42 =	vadd.s32 $0x800, v24;
	v4 =	vand.u32 $0x7FFFFFFF, v4;
	v2 =	vsub.f32 v36, v2  }
0x1fd: {  	v45 =	vadd.s32 $0x880, v24;
	v43 =	vld.idx.msk [tilespmem:v37+s2+$0x0], $0xffff;
	v1 =	vadd.f32 v4, v1  }
0x1fe: {  	v46 =	vld.idx.msk [tilespmem:v40+s2+$0x0], $0xffff;
	v5 =	vsub.f32 v38, v39;
	v2 =	vand.u32 $0x7FFFFFFF, v2  }
0x1ff: {  	v1 =	vadd.f32 v2, v1;
	v2 =	vld [tilespmem:s31+$0x180]  }
0x200: {  	v49 =	vld [tilespmem:s31+$0x200];
	v47 =	vadd.s32 $0x900, v24;
	v5 =	vand.u32 $0x7FFFFFFF, v5;
	v3 =	vsub.f32 v41, v3  }
0x201: {  	v50 =	vadd.s32 $0x980, v24;
	v48 =	vld.idx.msk [tilespmem:v42+s2+$0x0], $0xffff;
	v1 =	vadd.f32 v5, v1  }
0x202: {  	v51 =	vld.idx.msk [tilespmem:v45+s2+$0x0], $0xffff;
	v4 =	vsub.f32 v43, v44;
	v3 =	vand.u32 $0x7FFFFFFF, v3  }
0x203: {  	v52 =	vadd.s32 $0xA00, v24;
	v1 =	vadd.f32 v3, v1;
	v3 =	vld [tilespmem:s31+$0x280]  }
0x204: {  	v53 =	vld [tilespmem:s31+$0x300];
	v4 =	vand.u32 $0x7FFFFFFF, v4;
	v2 =	vsub.f32 v46, v2  }
0x205: {  	v55 =	vadd.s32 $0xA80, v24;
	v54 =	vld.idx.msk [tilespmem:v47+s2+$0x0], $0xffff;
	v1 =	vadd.f32 v4, v1  }
0x206: {  	v56 =	vld.idx.msk [tilespmem:v50+s2+$0x0], $0xffff;
	v5 =	vsub.f32 v48, v49;
	v2 =	vand.u32 $0x7FFFFFFF, v2  }
0x207: {  	v1 =	vadd.f32 v2, v1;
	v2 =	vld [tilespmem:s31+$0x380]  }
0x208: {  	v57 =	vadd.s32 $0xB00, v24;
	v58 =	vld.idx.msk [tilespmem:v52+s2+$0x0], $0xffff;
	v5 =	vand.u32 $0x7FFFFFFF, v5;
	v3 =	vsub.f32 v51, v3  }
0x209: {  	v8 =	vadd.s32 $0xB80, v24;
	v59 =	vld [tilespmem:s31+$0x400];
	v1 =	vadd.f32 v5, v1  }
0x20a: {  	v6 =	vsub.f32 v54, v53;
	v4 =	vld.idx.msk [tilespmem:v55+s2+$0x0], $0xffff;
	v3 =	vand.u32 $0x7FFFFFFF, v3  }
0x20b: {  	v1 =	vadd.f32 v3, v1;
	v3 =	vld [tilespmem:s31+$0x480]  }
0x20c: {  	v61 =	vld [tilespmem:s31+$0x500];
	v6 =	vand.u32 $0x7FFFFFFF, v6;
	v2 =	vsub.f32 v56, v2  }
0x20d: {  	v60 =	vld.idx.msk [tilespmem:v57+s2+$0x0], $0xffff;
	v1 =	vadd.f32 v6, v1  }
0x20e: {  	v62 =	vld.idx.msk [tilespmem:v8+s2+$0x0], $0xffff;
	v5 =	vsub.f32 v58, v59;
	v2 =	vand.u32 $0x7FFFFFFF, v2  }
0x20f: {  	v1 =	vadd.f32 v2, v1;
	v2 =	vld [tilespmem:s31+$0x580]  }
0x210: {  	v5 =	vand.u32 $0x7FFFFFFF, v5;
	v3 =	vsub.f32 v4, v3  }
0x211: {  	v1 =	vadd.f32 v5, v1  }
0x212: {  	v63 =	vsub.f32 v60, v61;
	v3 =	vand.u32 $0x7FFFFFFF, v3  }
0x213: {  	v1 =	vadd.f32 v3, v1  }
0x214: {  	v3 =	vand.u32 $0x7FFFFFFF, v63;
	v2 =	vsub.f32 v62, v2  }
0x215: {  	v1 =	vadd.f32 v3, v1  }
0x216: {  	v2 =	vand.u32 $0x7FFFFFFF, v2  }
0x217: {  	s25 =	sadd.s32 $0x1, s25;
	v1 =	vadd.f32 v2, v1  }
0x218: {  	p0 =	sne.s32 s25, s13  }
.Ltmp3:
0x219: {  	[tilespmem:$0x1F900] =	vst v1;
	(pc) =	sbr.rel @p0 .LBB2_1-.Ltmp3, $4  }
0x21a: {  	[hbm4b:s12+s2] =	stream.linear.scatter [tilespmem:s23], [sflag:$0x3], $0x80, $0x38;
	[tilespmem:$0x1F980] =	vst v63  }
0x21b: {  	_ =	swait.ge [sflag:s24], $0x80  }
0x21c: {  	[sflag:s24] =	ssyncset.done $0x0  }
0x21d: {  	[sflag:s24] =	ssyncadd.s32 $0xFFFFFF80  }
0x21e: {  	_ =	sfence.sel $0x180000  }
0x21f: {  	[bflag:$0x0] =	sbarrier.arrive $0xFFFF  }
0x220: {  	p0 =	sne.s32 s1, $0x0;
	_ =	strace $0x90000047  }
0x221: {  	s0 =	sadd.s32 @!p0 $0x100000, s0;
	[bflag:$0x2] =	sbarrier.arrive $0xFFFF  }
0x222: {  	[sflag:s0] =	ssyncadd.tile.s32 @!p0 $0x1;
	_ =	shalt  }
.Lfunc_end2:
_tile_overlayer_lowered:
.L_overlay_start_2:
0x223: {  	(tag) =	ssettag $0x2  }
0x224: {  	s0 =	rddreg [dreg:$0x0];
	s2 =	stileid.u32  }
0x225: {  	s1 =	rddreg [dreg:$0x1];
	p0 =	sne.s32 s2, $0x0  }
0x226: {  	s3 =	rddreg [dreg:$0x2];
	[bflag:$0x3] =	sbarrier.arrive $0xFFFF;
	s2 =	simm.s32 @!p0 $0x1C03  }
0x227: {  	[timem:s3], [sflag:s2] =	dma.local @!p0 [hbm:s0], s1  }
0x228: {  	s0 =	simm.s32 @!p0 $0x3  }
0x229: {  	_ =	swait.ge @!p0 [sflag:s0], s1  }
0x22a: {  	s1 =	ssub.s32 @!p0 $0x0, s1;
	[sflag:s0] =	ssyncset.done @!p0 $0x0  }
0x22b: {  	[sflag:s0] =	ssyncadd.s32 @!p0 s1  }
0x22c: {  	[bflag:$0x3] =	sbarrier.arrive $0xFFFF  }
0x22d: {  	_ =	shalt  }

</sc_bundles>
